<compile_context>
chip_gen: v7x
topology: tpu7x:2x2x1
jax: 0.10.2.dev20260603
libtpu: 0.0.44.dev20260713+nightly
codegen_flags: <defaults>
</compile_context>

<pallas_src>
import functools
import jax
import jax.numpy as jnp
from jax import lax
from jax.experimental import pallas as pl
from jax.experimental.pallas import tpu as pltpu
from jax.experimental.pallas import tpu_sc as plsc

N = 10000
D = 128
NC = 2
NS = 16
CH = 128
NACC = 10240
RPT = NACC // NS
BR = 1024
G = NACC // BR

f32 = jnp.float32
i32 = jnp.int32

@functools.cache
def _mesh():
    return plsc.VectorSubcoreMesh(core_axis_name="c", subcore_axis_name="s",
                                  num_cores=NC, num_subcores=NS)



DACC = 10240
DRPT = DACC // NS


def _deg_body(dst_hbm, out_hbm, idx_v, ones_v, zrow_v, acc_sh):
    c = lax.axis_index("c")
    s = lax.axis_index("s")
    num_chunks = dst_hbm.shape[2]
    for k in range(CH // 16):
        ones_v[pl.ds(16 * k, 16)] = jnp.ones((16,), f32)
    for k in range(DRPT // 16):
        zrow_v[pl.ds(16 * k, 16)] = jnp.zeros((16,), f32)
    pltpu.sync_copy(zrow_v, acc_sh.at[pl.ds(s * DRPT, DRPT)])
    pltpu.sync_copy(dst_hbm.at[c, s], idx_v)
    plsc.subcore_barrier()

    def step(j, carry):
        pltpu.sync_copy(ones_v, acc_sh.at[idx_v.at[j]], add=True)
        return carry

    lax.fori_loop(0, num_chunks, step, 0)
    plsc.subcore_barrier()
    pltpu.sync_copy(acc_sh.at[pl.ds(s * DRPT, DRPT)],
                    out_hbm.at[c, pl.ds(s * DRPT, DRPT)])


def _make_deg_call(num_chunks):
    return functools.partial(
        pl.kernel,
        out_type=jax.ShapeDtypeStruct((NC, DACC), f32),
        mesh=_mesh(),
        scratch_types=[
            pltpu.VMEM((num_chunks, CH), i32),
            pltpu.VMEM((CH,), f32),
            pltpu.VMEM((DRPT,), f32),
            pltpu.VMEM_SHARED((DACC,), f32),
        ],
    )(_deg_body)



DH = D // NC
NB = 2
IR = 8
IPAD = 4


def _agg_body(g12_hbm, idx_hbm, out_hbm, idxv, buf0, buf1, acc_sh,
              gsem0, gsem1, isem0, isem1, isem2, isem3):
    c = lax.axis_index("c")
    s = lax.axis_index("s")
    chunks = idx_hbm.shape[1] - IPAD
    gsrc = g12_hbm.at[c]
    gsems = (gsem0, gsem1)
    isems = (isem0, isem1, isem2, isem3)
    bufs = (buf0, buf1)

    for r in range(16):
        for k in range(D // 16):
            buf0[r, pl.ds(16 * k, 16)] = jnp.zeros((16,), f32)

    def zstep(j, carry):
        pltpu.sync_copy(buf0.at[pl.ds(0, 16)],
                        acc_sh.at[pl.ds(s * RPT + j * 16, 16)])
        return carry

    lax.fori_loop(0, RPT // 16, zstep, 0)
    plsc.subcore_barrier()

    for m in range(4):
        pltpu.async_copy(idx_hbm.at[s, m], idxv.at[pl.ds(2 * m, 2)], isems[m])
    for m in range(2):
        pltpu.make_async_copy(idx_hbm.at[s, 0], idxv.at[pl.ds(2 * m, 2)],
                              isems[m]).wait()
        pltpu.async_copy(gsrc.at[idxv.at[2 * m]], bufs[m], gsems[m])

    def quad(r, carry):
        for b in range(4):
            j = r * 4 + b
            pltpu.make_async_copy(idx_hbm.at[s, 0],
                                  idxv.at[pl.ds(0, 2)], isems[(b + 2) % 4]).wait()
            pltpu.make_async_copy(gsrc.at[idxv.at[0]], bufs[b % 2],
                                  gsems[b % 2]).wait()
            pltpu.sync_copy(bufs[b % 2],
                            acc_sh.at[idxv.at[2 * lax.rem(j, IR) + 1]],
                            add=True)
            pltpu.async_copy(gsrc.at[idxv.at[2 * lax.rem(j + 2, IR)]],
                             bufs[b % 2], gsems[b % 2])
            pltpu.async_copy(idx_hbm.at[s, j + 4],
                             idxv.at[pl.ds(2 * lax.rem(j + 4, IR), 2)],
                             isems[b])
        return carry

    lax.fori_loop(0, chunks // 4, quad, 0)
    for m in range(2):
        pltpu.make_async_copy(gsrc.at[idxv.at[0]], bufs[m], gsems[m]).wait()
        pltpu.make_async_copy(idx_hbm.at[s, 0], idxv.at[pl.ds(0, 2)],
                              isems[2 + m]).wait()
    plsc.subcore_barrier()
    pltpu.sync_copy(acc_sh.at[pl.ds(s * RPT, RPT)],
                    out_hbm.at[c, pl.ds(s * RPT, RPT)])


def _make_agg_call(num_chunks):
    return functools.partial(
        pl.kernel,
        out_type=jax.ShapeDtypeStruct((NC, NACC, D), f32),
        mesh=_mesh(),
        scratch_types=[
            pltpu.VMEM((2 * IR, CH), i32),
            pltpu.VMEM((CH, D), f32),
            pltpu.VMEM((CH, D), f32),
            pltpu.VMEM_SHARED((NACC, D), f32),
            pltpu.SemaphoreType.DMA,
            pltpu.SemaphoreType.DMA,
            pltpu.SemaphoreType.DMA,
            pltpu.SemaphoreType.DMA,
            pltpu.SemaphoreType.DMA,
            pltpu.SemaphoreType.DMA,
        ],
    )(_agg_body)



def _dense1a_body(seq1_ref, seq2_ref, w_ref, h1_ref, h2_ref):
    h1_ref[...] = jnp.dot(seq1_ref[...], w_ref[...],
                          preferred_element_type=f32)
    h2_ref[...] = jnp.dot(seq2_ref[...], w_ref[...],
                          preferred_element_type=f32)


_dense1a_call = pl.pallas_call(
    _dense1a_body,
    grid=(G,),
    in_specs=[
        pl.BlockSpec((BR, D), lambda i: (i, 0)),
        pl.BlockSpec((BR, D), lambda i: (i, 0)),
        pl.BlockSpec((D, D), lambda i: (0, 0)),
    ],
    out_specs=[
        pl.BlockSpec((BR, D), lambda i: (i, 0)),
        pl.BlockSpec((BR, D), lambda i: (i, 0)),
    ],
    out_shape=[
        jax.ShapeDtypeStruct((NACC, D), f32),
        jax.ShapeDtypeStruct((NACC, D), f32),
    ],
)


def _dense1b_body(h1_ref, h2_ref, degp_ref, g12_ref):
    deg = degp_ref[:, 0:1] + degp_ref[:, 1:2] + 1.0
    dis = lax.rsqrt(deg)
    g1 = h1_ref[...] * dis
    g2 = h2_ref[...] * dis
    g12_ref[0] = jnp.concatenate([g1[:, :DH], g2[:, :DH]], axis=1)
    g12_ref[1] = jnp.concatenate([g1[:, DH:], g2[:, DH:]], axis=1)


_dense1b_call = pl.pallas_call(
    _dense1b_body,
    grid=(G,),
    in_specs=[
        pl.BlockSpec((BR, D), lambda i: (i, 0)),
        pl.BlockSpec((BR, D), lambda i: (i, 0)),
        pl.BlockSpec((BR, NC), lambda i: (i, 0)),
    ],
    out_specs=[
        pl.BlockSpec((NC, BR, D), lambda i: (0, i, 0)),
    ],
    out_shape=[
        jax.ShapeDtypeStruct((NC, NACC, D), f32),
    ],
)



def _dense2_body(aggc0_ref, aggc1_ref, degp_ref,
                 h1_ref, h2_ref, b_ref, msk_ref,
                 h1r_ref, h2r_ref, smat_ref, msum_ref):
    deg = degp_ref[:, 0:1] + degp_ref[:, 1:2] + 1.0
    dis = lax.rsqrt(deg)
    dis2 = 1.0 / deg
    b = b_ref[...]
    m = msk_ref[...]
    ac0 = aggc0_ref[0]
    ac1 = aggc1_ref[0]
    a1 = jnp.concatenate([ac0[:, :DH], ac1[:, :DH]], axis=1)
    o1 = a1 * dis + h1_ref[...] * dis2 + b
    r1 = jnp.maximum(o1, 0.0)
    h1r_ref[...] = r1
    smat_ref[...] = jnp.sum(r1 * m, axis=0, keepdims=True)[None]
    msum_ref[...] = jnp.sum(m, axis=0, keepdims=True)[None]
    a2 = jnp.concatenate([ac0[:, DH:], ac1[:, DH:]], axis=1)
    o2 = a2 * dis + h2_ref[...] * dis2 + b
    h2r_ref[...] = jnp.maximum(o2, 0.0)


_dense2_call = pl.pallas_call(
    _dense2_body,
    grid=(G,),
    in_specs=[
        pl.BlockSpec((1, BR, D), lambda i: (0, i, 0)),
        pl.BlockSpec((1, BR, D), lambda i: (1, i, 0)),
        pl.BlockSpec((BR, NC), lambda i: (i, 0)),
        pl.BlockSpec((BR, D), lambda i: (i, 0)),
        pl.BlockSpec((BR, D), lambda i: (i, 0)),
        pl.BlockSpec((1, D), lambda i: (0, 0)),
        pl.BlockSpec((BR, 1), lambda i: (i, 0)),
    ],
    out_specs=[
        pl.BlockSpec((BR, D), lambda i: (i, 0)),
        pl.BlockSpec((BR, D), lambda i: (i, 0)),
        pl.BlockSpec((1, 1, D), lambda i: (i, 0, 0)),
        pl.BlockSpec((1, 1, 1), lambda i: (i, 0, 0)),
    ],
    out_shape=[
        jax.ShapeDtypeStruct((NACC, D), f32),
        jax.ShapeDtypeStruct((NACC, D), f32),
        jax.ShapeDtypeStruct((G, 1, D), f32),
        jax.ShapeDtypeStruct((G, 1, 1), f32),
    ],
)



def _dense3_body(h1r_ref, h2r_ref, smat_ref, msum_ref, wd_ref, bd_ref,
                 b1_ref, b2_ref, sc1_ref, sc2_ref):
    ssum = jnp.sum(smat_ref[...], axis=0)
    mtot = jnp.sum(msum_ref[...])
    cvec = jax.nn.sigmoid(ssum / mtot)
    wc_col = lax.dot_general(wd_ref[...], cvec, (((1,), (1,)), ((), ())),
                             preferred_element_type=f32)
    bd = bd_ref[0, 0]
    s1 = jnp.dot(h1r_ref[...], wc_col, preferred_element_type=f32)
    sc1_ref[...] = s1 + bd + b1_ref[...]
    s2 = jnp.dot(h2r_ref[...], wc_col, preferred_element_type=f32)
    sc2_ref[...] = s2 + bd + b2_ref[...]


_dense3_call = pl.pallas_call(
    _dense3_body,
    grid=(G,),
    in_specs=[
        pl.BlockSpec((BR, D), lambda i: (i, 0)),
        pl.BlockSpec((BR, D), lambda i: (i, 0)),
        pl.BlockSpec((G, 1, D), lambda i: (0, 0, 0)),
        pl.BlockSpec((G, 1, 1), lambda i: (0, 0, 0)),
        pl.BlockSpec((D, D), lambda i: (0, 0)),
        pl.BlockSpec((1, 1), lambda i: (0, 0)),
        pl.BlockSpec((BR, 1), lambda i: (i, 0)),
        pl.BlockSpec((BR, 1), lambda i: (i, 0)),
    ],
    out_specs=[
        pl.BlockSpec((BR, 1), lambda i: (i, 0)),
        pl.BlockSpec((BR, 1), lambda i: (i, 0)),
    ],
    out_shape=[
        jax.ShapeDtypeStruct((NACC, 1), f32),
        jax.ShapeDtypeStruct((NACC, 1), f32),
    ],
)



def kernel(seq1, seq2, edge_index, msk, samp_bias1, samp_bias2, W, b, Wd, bd):
    E = edge_index.shape[1]
    num_chunks = -(-E // (NC * NS * CH))
    while (num_chunks * NC) % 4:
        num_chunks += 1
    e_pad = NC * NS * num_chunks * CH
    pad = e_pad - E
    src = edge_index[0]
    dst = edge_index[1]
    if pad:
        ar = jnp.arange(pad, dtype=i32)
        src = jnp.concatenate([src, ar % N])
        dst = jnp.concatenate([dst, N + ar % (NACC - N)])
    srcp = src.reshape(NC, NS, num_chunks, CH)
    dstp = dst.reshape(NC, NS, num_chunks, CH)
    num_chunks2 = num_chunks * NC
    srcp2 = src.reshape(NS, num_chunks2, CH)
    dstp2 = dst.reshape(NS, num_chunks2, CH)
    idx2 = jnp.stack([srcp2, dstp2], axis=2)
    idx2 = jnp.concatenate(
        [idx2, jnp.zeros((NS, IPAD, 2, CH), i32)], axis=1)

    degp = _make_deg_call(num_chunks)(dstp)
    degp_t = degp.T[:NACC]

    seq1e = jnp.pad(seq1, ((0, NACC - N), (0, 0)))
    seq2e = jnp.pad(seq2, ((0, NACC - N), (0, 0)))
    h1e, h2e = _dense1a_call(seq1e, seq2e, W)
    (g12,) = _dense1b_call(h1e, h2e, degp_t)

    aggp = _make_agg_call(num_chunks2)(g12, idx2)

    mske = jnp.pad(msk, (0, NACC - N)).reshape(NACC, 1)
    h1r, h2r, smat, msum = _dense2_call(
        aggp, aggp, degp_t, h1e, h2e, b.reshape(1, D), mske)

    sb1 = jnp.pad(samp_bias1, (0, NACC - N)).reshape(NACC, 1)
    sb2 = jnp.pad(samp_bias2, (0, NACC - N)).reshape(NACC, 1)
    sc1, sc2 = _dense3_call(h1r, h2r, smat, msum, Wd,
                            bd.reshape(1, 1), sb1, sb2)
    return jnp.concatenate([sc1[:N, 0], sc2[:N, 0]])

# --- scband reference (transcript-rebuilt; emitter-appended) ---
"""Pipeline reference for scband-dgis-2911987826720 (READ-ONLY COPY).

The authoritative reference and input builder live on the scoring server;
editing this copy changes nothing except your own understanding.
"""

import jax, jax.numpy as jnp
import numpy as np

N = 10000
E = 320000
D_IN = 128
D_H = 128


def setup_inputs(seed: int = 0) -> dict:
    key = jax.random.key(seed)
    k1, k2, k3, k4, k5 = jax.random.split(key, 5)
    seq1 = jax.random.normal(k1, (N, D_IN), dtype=jnp.float32)
    seq2 = jax.random.normal(k2, (N, D_IN), dtype=jnp.float32)
    edge_index = jax.random.randint(k3, (2, E), 0, N, dtype=jnp.int32)
    msk = jnp.ones((N,), dtype=jnp.float32)
    samp_bias1 = jnp.zeros((N,), dtype=jnp.float32)
    samp_bias2 = jnp.zeros((N,), dtype=jnp.float32)
    # GCNConv params (glorot-ish) and Bilinear discriminator params
    W = jax.random.normal(k4, (D_IN, D_H), dtype=jnp.float32) * (1.0 / np.sqrt(D_IN))
    b = jnp.zeros((D_H,), dtype=jnp.float32)
    Wd = jax.random.normal(k5, (D_H, D_H), dtype=jnp.float32) * (1.0 / np.sqrt(D_H))
    bd = jnp.zeros((1,), dtype=jnp.float32)
    return {"seq1": seq1, "seq2": seq2, "edge_index": edge_index, "msk": msk,
            "samp_bias1": samp_bias1, "samp_bias2": samp_bias2,
            "W": W, "b": b, "Wd": Wd, "bd": bd}


def gcn_conv(x, edge_index, W, b):
    # PyG GCNConv: add self-loops, symmetric normalization D^-1/2 (A+I) D^-1/2 x W + b
    h = x @ W
    src = edge_index[0]
    dst = edge_index[1]
    loop = jnp.arange(N, dtype=edge_index.dtype)
    src = jnp.concatenate([src, loop])
    dst = jnp.concatenate([dst, loop])
    deg = jnp.zeros((N,), dtype=h.dtype).at[dst].add(1.0)
    dis = jnp.where(deg > 0, jax.lax.rsqrt(jnp.maximum(deg, 1e-12)), 0.0)
    norm = dis[src] * dis[dst]
    out = jnp.zeros_like(h).at[dst].add(h[src] * norm[:, None])
    return out + b


def reference(seq1, seq2, edge_index, msk, samp_bias1, samp_bias2, W, b, Wd, bd):
    # h_1 = gcn(seq1).relu()
    h_1 = jax.nn.relu(gcn_conv(seq1, edge_index, W, b))
    # c = sigmoid(AvgReadout(h_1, msk))
    c = jnp.sum(h_1 * msk[:, None], axis=0) / jnp.sum(msk)
    c = jax.nn.sigmoid(c)
    # h_2 = gcn(seq2).relu()
    h_2 = jax.nn.relu(gcn_conv(seq2, edge_index, W, b))
    # Discriminator: bilinear f_k(h, c_x) = h @ Wd @ c + bd, broadcast c to all nodes
    wc = Wd @ c
    sc_1 = h_1 @ wc + bd[0] + samp_bias1
    sc_2 = h_2 @ wc + bd[0] + samp_bias2
    logits = jnp.concatenate([sc_1, sc_2], axis=0)
    return logits

if __name__ == "__main__":
    import jax
    _d = setup_inputs()
    print(jax.jit(kernel)(*tuple(_d.values())))

</pallas_src>

<mosaic_0001>
#map = affine_map<(d0, d1) -> (0, 0, 0)>
#map1 = affine_map<(d0, d1) -> (0, 0, 0, 0)>
module attributes {stable_mosaic.version = 14 : i64} {
  func.func @_agg_body(%arg0: i32, %arg1: i32, %arg2: memref<2x10240x128xf32, #tpu.memory_space<hbm>>, %arg3: memref<16x164x2x128xi32, #tpu.memory_space<hbm>>, %arg4: memref<2x10240x128xf32, #tpu.memory_space<hbm>>, %arg5: memref<16x128xi32, #tpu.memory_space<vmem>>, %arg6: memref<128x128xf32, #tpu.memory_space<vmem>>, %arg7: memref<128x128xf32, #tpu.memory_space<vmem>>, %arg8: memref<10240x128xf32, #tpu.memory_space<vmem_shared>>, %arg9: memref<!tpu.dma_semaphore, #tpu.memory_space<semaphore_mem>>, %arg10: memref<!tpu.dma_semaphore, #tpu.memory_space<semaphore_mem>>, %arg11: memref<!tpu.dma_semaphore, #tpu.memory_space<semaphore_mem>>, %arg12: memref<!tpu.dma_semaphore, #tpu.memory_space<semaphore_mem>>, %arg13: memref<!tpu.dma_semaphore, #tpu.memory_space<semaphore_mem>>, %arg14: memref<!tpu.dma_semaphore, #tpu.memory_space<semaphore_mem>>) attributes {dimension_semantics = [#tpu.dimension_semantics<core_parallel>, #tpu.dimension_semantics<subcore_parallel>], iteration_bounds = array<i64: 2, 16>, scalar_prefetch = 0 : i64, scratch_operands = 10 : i64, tpu.core_type = #tpu.core_type<sc_vector_subcore>, window_params = [{transform_indices = #map}, {transform_indices = #map1}, {transform_indices = #map}]} {
    %broadcast_in_dim3A = arith.constant 0.000000e+00 : f32
    %broadcast_in_dim3A_0 = vector.broadcast %broadcast_in_dim3A : f32 to vector<16xf32>
    %swap3A = arith.constant 0 : i32
    %swap3A_1 = arith.index_cast %swap3A : i32 to index
    %swap3A_2 = arith.constant 0 : index
    %swap3A_3 = tpu.vector_load %arg6[%swap3A_1, %swap3A_2] {strides = array<i32>} : memref<128x128xf32, #tpu.memory_space<vmem>>, vector<1x16xf32>,
    %swap3A_4 = vector.shape_cast %swap3A_3 : vector<1x16xf32> to vector<16xf32>
    %swap3A_5 = vector.shape_cast %broadcast_in_dim3A_0 : vector<16xf32> to vector<1x16xf32>
    tpu.vector_store %arg6[%swap3A_1, %swap3A_2], %swap3A_5 {strides = array<i32>} : memref<128x128xf32, #tpu.memory_space<vmem>>, vector<1x16xf32>,
    %broadcast_in_dim3A_6 = arith.constant 0.000000e+00 : f32
    %broadcast_in_dim3A_7 = vector.broadcast %broadcast_in_dim3A_6 : f32 to vector<16xf32>
    %swap3A_8 = arith.constant 0 : i32
    %swap3A_9 = arith.index_cast %swap3A_8 : i32 to index
    %swap3A_10 = arith.constant 16 : index
    %swap3A_11 = tpu.vector_load %arg6[%swap3A_9, %swap3A_10] {strides = array<i32>} : memref<128x128xf32, #tpu.memory_space<vmem>>, vector<1x16xf32>,
    %swap3A_12 = vector.shape_cast %swap3A_11 : vector<1x16xf32> to vector<16xf32>
    %swap3A_13 = vector.shape_cast %broadcast_in_dim3A_7 : vector<16xf32> to vector<1x16xf32>
    tpu.vector_store %arg6[%swap3A_9, %swap3A_10], %swap3A_13 {strides = array<i32>} : memref<128x128xf32, #tpu.memory_space<vmem>>, vector<1x16xf32>,
    %broadcast_in_dim3A_14 = arith.constant 0.000000e+00 : f32
    %broadcast_in_dim3A_15 = vector.broadcast %broadcast_in_dim3A_14 : f32 to vector<16xf32>
    %swap3A_16 = arith.constant 0 : i32
    %swap3A_17 = arith.index_cast %swap3A_16 : i32 to index
    %swap3A_18 = arith.constant 32 : index
    %swap3A_19 = tpu.vector_load %arg6[%swap3A_17, %swap3A_18] {strides = array<i32>} : memref<128x128xf32, #tpu.memory_space<vmem>>, vector<1x16xf32>,
    %swap3A_20 = vector.shape_cast %swap3A_19 : vector<1x16xf32> to vector<16xf32>
    %swap3A_21 = vector.shape_cast %broadcast_in_dim3A_15 : vector<16xf32> to vector<1x16xf32>
    tpu.vector_store %arg6[%swap3A_17, %swap3A_18], %swap3A_21 {strides = array<i32>} : memref<128x128xf32, #tpu.memory_space<vmem>>, vector<1x16xf32>,
    %broadcast_in_dim3A_22 = arith.constant 0.000000e+00 : f32
    %broadcast_in_dim3A_23 = vector.broadcast %broadcast_in_dim3A_22 : f32 to vector<16xf32>
    %swap3A_24 = arith.constant 0 : i32
    %swap3A_25 = arith.index_cast %swap3A_24 : i32 to index
    %swap3A_26 = arith.constant 48 : index
    %swap3A_27 = tpu.vector_load %arg6[%swap3A_25, %swap3A_26] {strides = array<i32>} : memref<128x128xf32, #tpu.memory_space<vmem>>, vector<1x16xf32>,
    %swap3A_28 = vector.shape_cast %swap3A_27 : vector<1x16xf32> to vector<16xf32>
    %swap3A_29 = vector.shape_cast %broadcast_in_dim3A_23 : vector<16xf32> to vector<1x16xf32>
    tpu.vector_store %arg6[%swap3A_25, %swap3A_26], %swap3A_29 {strides = array<i32>} : memref<128x128xf32, #tpu.memory_space<vmem>>, vector<1x16xf32>,
    %broadcast_in_dim3A_30 = arith.constant 0.000000e+00 : f32
    %broadcast_in_dim3A_31 = vector.broadcast %broadcast_in_dim3A_30 : f32 to vector<16xf32>
    %swap3A_32 = arith.constant 0 : i32
    %swap3A_33 = arith.index_cast %swap3A_32 : i32 to index
    %swap3A_34 = arith.constant 64 : index
    %swap3A_35 = tpu.vector_load %arg6[%swap3A_33, %swap3A_34] {strides = array<i32>} : memref<128x128xf32, #tpu.memory_space<vmem>>, vector<1x16xf32>,
    %swap3A_36 = vector.shape_cast %swap3A_35 : vector<1x16xf32> to vector<16xf32>
    %swap3A_37 = vector.shape_cast %broadcast_in_dim3A_31 : vector<16xf32> to vector<1x16xf32>
    tpu.vector_store %arg6[%swap3A_33, %swap3A_34], %swap3A_37 {strides = array<i32>} : memref<128x128xf32, #tpu.memory_space<vmem>>, vector<1x16xf32>,
    %broadcast_in_dim3A_38 = arith.constant 0.000000e+00 : f32
    %broadcast_in_dim3A_39 = vector.broadcast %broadcast_in_dim3A_38 : f32 to vector<16xf32>
    %swap3A_40 = arith.constant 0 : i32
    %swap3A_41 = arith.index_cast %swap3A_40 : i32 to index
    %swap3A_42 = arith.constant 80 : index
    %swap3A_43 = tpu.vector_load %arg6[%swap3A_41, %swap3A_42] {strides = array<i32>} : memref<128x128xf32, #tpu.memory_space<vmem>>, vector<1x16xf32>,
    %swap3A_44 = vector.shape_cast %swap3A_43 : vector<1x16xf32> to vector<16xf32>
    %swap3A_45 = vector.shape_cast %broadcast_in_dim3A_39 : vector<16xf32> to vector<1x16xf32>
    tpu.vector_store %arg6[%swap3A_41, %swap3A_42], %swap3A_45 {strides = array<i32>} : memref<128x128xf32, #tpu.memory_space<vmem>>, vector<1x16xf32>,
    %broadcast_in_dim3A_46 = arith.constant 0.000000e+00 : f32
    %broadcast_in_dim3A_47 = vector.broadcast %broadcast_in_dim3A_46 : f32 to vector<16xf32>
    %swap3A_48 = arith.constant 0 : i32
    %swap3A_49 = arith.index_cast %swap3A_48 : i32 to index
    %swap3A_50 = arith.constant 96 : index
    %swap3A_51 = tpu.vector_load %arg6[%swap3A_49, %swap3A_50] {strides = array<i32>} : memref<128x128xf32, #tpu.memory_space<vmem>>, vector<1x16xf32>,
    %swap3A_52 = vector.shape_cast %swap3A_51 : vector<1x16xf32> to vector<16xf32>
    %swap3A_53 = vector.shape_cast %broadcast_in_dim3A_47 : vector<16xf32> to vector<1x16xf32>
    tpu.vector_store %arg6[%swap3A_49, %swap3A_50], %swap3A_53 {strides = array<i32>} : memref<128x128xf32, #tpu.memory_space<vmem>>, vector<1x16xf32>,
    %broadcast_in_dim3A_54 = arith.constant 0.000000e+00 : f32
    %broadcast_in_dim3A_55 = vector.broadcast %broadcast_in_dim3A_54 : f32 to vector<16xf32>
    %swap3A_56 = arith.constant 0 : i32
    %swap3A_57 = arith.index_cast %swap3A_56 : i32 to index
    %swap3A_58 = arith.constant 112 : index
    %swap3A_59 = tpu.vector_load %arg6[%swap3A_57, %swap3A_58] {strides = array<i32>} : memref<128x128xf32, #tpu.memory_space<vmem>>, vector<1x16xf32>,
    %swap3A_60 = vector.shape_cast %swap3A_59 : vector<1x16xf32> to vector<16xf32>
    %swap3A_61 = vector.shape_cast %broadcast_in_dim3A_55 : vector<16xf32> to vector<1x16xf32>
    tpu.vector_store %arg6[%swap3A_57, %swap3A_58], %swap3A_61 {strides = array<i32>} : memref<128x128xf32, #tpu.memory_space<vmem>>, vector<1x16xf32>,
    %broadcast_in_dim3A_62 = arith.constant 0.000000e+00 : f32
    %broadcast_in_dim3A_63 = vector.broadcast %broadcast_in_dim3A_62 : f32 to vector<16xf32>
    %swap3A_64 = arith.constant 1 : i32
    %swap3A_65 = arith.index_cast %swap3A_64 : i32 to index
    %swap3A_66 = arith.constant 0 : index
    %swap3A_67 = tpu.vector_load %arg6[%swap3A_65, %swap3A_66] {strides = array<i32>} : memref<128x128xf32, #tpu.memory_space<vmem>>, vector<1x16xf32>,
    %swap3A_68 = vector.shape_cast %swap3A_67 : vector<1x16xf32> to vector<16xf32>
    %swap3A_69 = vector.shape_cast %broadcast_in_dim3A_63 : vector<16xf32> to vector<1x16xf32>
    tpu.vector_store %arg6[%swap3A_65, %swap3A_66], %swap3A_69 {strides = array<i32>} : memref<128x128xf32, #tpu.memory_space<vmem>>, vector<1x16xf32>,
    %broadcast_in_dim3A_70 = arith.constant 0.000000e+00 : f32
    %broadcast_in_dim3A_71 = vector.broadcast %broadcast_in_dim3A_70 : f32 to vector<16xf32>
    %swap3A_72 = arith.constant 1 : i32
    %swap3A_73 = arith.index_cast %swap3A_72 : i32 to index
    %swap3A_74 = arith.constant 16 : index
    %swap3A_75 = tpu.vector_load %arg6[%swap3A_73, %swap3A_74] {strides = array<i32>} : memref<128x128xf32, #tpu.memory_space<vmem>>, vector<1x16xf32>,
    %swap3A_76 = vector.shape_cast %swap3A_75 : vector<1x16xf32> to vector<16xf32>
    %swap3A_77 = vector.shape_cast %broadcast_in_dim3A_71 : vector<16xf32> to vector<1x16xf32>
    tpu.vector_store %arg6[%swap3A_73, %swap3A_74], %swap3A_77 {strides = array<i32>} : memref<128x128xf32, #tpu.memory_space<vmem>>, vector<1x16xf32>,
    %broadcast_in_dim3A_78 = arith.constant 0.000000e+00 : f32
    %broadcast_in_dim3A_79 = vector.broadcast %broadcast_in_dim3A_78 : f32 to vector<16xf32>
    %swap3A_80 = arith.constant 1 : i32
    %swap3A_81 = arith.index_cast %swap3A_80 : i32 to index
    %swap3A_82 = arith.constant 32 : index
    %swap3A_83 = tpu.vector_load %arg6[%swap3A_81, %swap3A_82] {strides = array<i32>} : memref<128x128xf32, #tpu.memory_space<vmem>>, vector<1x16xf32>,
    %swap3A_84 = vector.shape_cast %swap3A_83 : vector<1x16xf32> to vector<16xf32>
    %swap3A_85 = vector.shape_cast %broadcast_in_dim3A_79 : vector<16xf32> to vector<1x16xf32>
    tpu.vector_store %arg6[%swap3A_81, %swap3A_82], %swap3A_85 {strides = array<i32>} : memref<128x128xf32, #tpu.memory_space<vmem>>, vector<1x16xf32>,
    %broadcast_in_dim3A_86 = arith.constant 0.000000e+00 : f32
    %broadcast_in_dim3A_87 = vector.broadcast %broadcast_in_dim3A_86 : f32 to vector<16xf32>
    %swap3A_88 = arith.constant 1 : i32
    %swap3A_89 = arith.index_cast %swap3A_88 : i32 to index
    %swap3A_90 = arith.constant 48 : index
    %swap3A_91 = tpu.vector_load %arg6[%swap3A_89, %swap3A_90] {strides = array<i32>} : memref<128x128xf32, #tpu.memory_space<vmem>>, vector<1x16xf32>,
    %swap3A_92 = vector.shape_cast %swap3A_91 : vector<1x16xf32> to vector<16xf32>
    %swap3A_93 = vector.shape_cast %broadcast_in_dim3A_87 : vector<16xf32> to vector<1x16xf32>
    tpu.vector_store %arg6[%swap3A_89, %swap3A_90], %swap3A_93 {strides = array<i32>} : memref<128x128xf32, #tpu.memory_space<vmem>>, vector<1x16xf32>,
    %broadcast_in_dim3A_94 = arith.constant 0.000000e+00 : f32
    %broadcast_in_dim3A_95 = vector.broadcast %broadcast_in_dim3A_94 : f32 to vector<16xf32>
    %swap3A_96 = arith.constant 1 : i32
    %swap3A_97 = arith.index_cast %swap3A_96 : i32 to index
    %swap3A_98 = arith.constant 64 : index
    %swap3A_99 = tpu.vector_load %arg6[%swap3A_97, %swap3A_98] {strides = array<i32>} : memref<128x128xf32, #tpu.memory_space<vmem>>, vector<1x16xf32>,
    %swap3A_100 = vector.shape_cast %swap3A_99 : vector<1x16xf32> to vector<16xf32>
    %swap3A_101 = vector.shape_cast %broadcast_in_dim3A_95 : vector<16xf32> to vector<1x16xf32>
    tpu.vector_store %arg6[%swap3A_97, %swap3A_98], %swap3A_101 {strides = array<i32>} : memref<128x128xf32, #tpu.memory_space<vmem>>, vector<1x16xf32>,
    %broadcast_in_dim3A_102 = arith.constant 0.000000e+00 : f32
    %broadcast_in_dim3A_103 = vector.broadcast %broadcast_in_dim3A_102 : f32 to vector<16xf32>
    %swap3A_104 = arith.constant 1 : i32
    %swap3A_105 = arith.index_cast %swap3A_104 : i32 to index
    %swap3A_106 = arith.constant 80 : index
    %swap3A_107 = tpu.vector_load %arg6[%swap3A_105, %swap3A_106] {strides = array<i32>} : memref<128x128xf32, #tpu.memory_space<vmem>>, vector<1x16xf32>,
    %swap3A_108 = vector.shape_cast %swap3A_107 : vector<1x16xf32> to vector<16xf32>
    %swap3A_109 = vector.shape_cast %broadcast_in_dim3A_103 : vector<16xf32> to vector<1x16xf32>
    tpu.vector_store %arg6[%swap3A_105, %swap3A_106], %swap3A_109 {strides = array<i32>} : memref<128x128xf32, #tpu.memory_space<vmem>>, vector<1x16xf32>,
    %broadcast_in_dim3A_110 = arith.constant 0.000000e+00 : f32
    %broadcast_in_dim3A_111 = vector.broadcast %broadcast_in_dim3A_110 : f32 to vector<16xf32>
    %swap3A_112 = arith.constant 1 : i32
    %swap3A_113 = arith.index_cast %swap3A_112 : i32 to index
    %swap3A_114 = arith.constant 96 : index
    %swap3A_115 = tpu.vector_load %arg6[%swap3A_113, %swap3A_114] {strides = array<i32>} : memref<128x128xf32, #tpu.memory_space<vmem>>, vector<1x16xf32>,
    %swap3A_116 = vector.shape_cast %swap3A_115 : vector<1x16xf32> to vector<16xf32>
    %swap3A_117 = vector.shape_cast %broadcast_in_dim3A_111 : vector<16xf32> to vector<1x16xf32>
    tpu.vector_store %arg6[%swap3A_113, %swap3A_114], %swap3A_117 {strides = array<i32>} : memref<128x128xf32, #tpu.memory_space<vmem>>, vector<1x16xf32>,
    %broadcast_in_dim3A_118 = arith.constant 0.000000e+00 : f32
    %broadcast_in_dim3A_119 = vector.broadcast %broadcast_in_dim3A_118 : f32 to vector<16xf32>
    %swap3A_120 = arith.constant 1 : i32
    %swap3A_121 = arith.index_cast %swap3A_120 : i32 to index
    %swap3A_122 = arith.constant 112 : index
    %swap3A_123 = tpu.vector_load %arg6[%swap3A_121, %swap3A_122] {strides = array<i32>} : memref<128x128xf32, #tpu.memory_space<vmem>>, vector<1x16xf32>,
    %swap3A_124 = vector.shape_cast %swap3A_123 : vector<1x16xf32> to vector<16xf32>
    %swap3A_125 = vector.shape_cast %broadcast_in_dim3A_119 : vector<16xf32> to vector<1x16xf32>
    tpu.vector_store %arg6[%swap3A_121, %swap3A_122], %swap3A_125 {strides = array<i32>} : memref<128x128xf32, #tpu.memory_space<vmem>>, vector<1x16xf32>,
    %broadcast_in_dim3A_126 = arith.constant 0.000000e+00 : f32
    %broadcast_in_dim3A_127 = vector.broadcast %broadcast_in_dim3A_126 : f32 to vector<16xf32>
    %swap3A_128 = arith.constant 2 : i32
    %swap3A_129 = arith.index_cast %swap3A_128 : i32 to index
    %swap3A_130 = arith.constant 0 : index
    %swap3A_131 = tpu.vector_load %arg6[%swap3A_129, %swap3A_130] {strides = array<i32>} : memref<128x128xf32, #tpu.memory_space<vmem>>, vector<1x16xf32>,
    %swap3A_132 = vector.shape_cast %swap3A_131 : vector<1x16xf32> to vector<16xf32>
    %swap3A_133 = vector.shape_cast %broadcast_in_dim3A_127 : vector<16xf32> to vector<1x16xf32>
    tpu.vector_store %arg6[%swap3A_129, %swap3A_130], %swap3A_133 {strides = array<i32>} : memref<128x128xf32, #tpu.memory_space<vmem>>, vector<1x16xf32>,
    %broadcast_in_dim3A_134 = arith.constant 0.000000e+00 : f32
    %broadcast_in_dim3A_135 = vector.broadcast %broadcast_in_dim3A_134 : f32 to vector<16xf32>
    %swap3A_136 = arith.constant 2 : i32
    %swap3A_137 = arith.index_cast %swap3A_136 : i32 to index
    %swap3A_138 = arith.constant 16 : index
    %swap3A_139 = tpu.vector_load %arg6[%swap3A_137, %swap3A_138] {strides = array<i32>} : memref<128x128xf32, #tpu.memory_space<vmem>>, vector<1x16xf32>,
    %swap3A_140 = vector.shape_cast %swap3A_139 : vector<1x16xf32> to vector<16xf32>
    %swap3A_141 = vector.shape_cast %broadcast_in_dim3A_135 : vector<16xf32> to vector<1x16xf32>
    tpu.vector_store %arg6[%swap3A_137, %swap3A_138], %swap3A_141 {strides = array<i32>} : memref<128x128xf32, #tpu.memory_space<vmem>>, vector<1x16xf32>,
    %broadcast_in_dim3A_142 = arith.constant 0.000000e+00 : f32
    %broadcast_in_dim3A_143 = vector.broadcast %broadcast_in_dim3A_142 : f32 to vector<16xf32>
    %swap3A_144 = arith.constant 2 : i32
    %swap3A_145 = arith.index_cast %swap3A_144 : i32 to index
    %swap3A_146 = arith.constant 32 : index
    %swap3A_147 = tpu.vector_load %arg6[%swap3A_145, %swap3A_146] {strides = array<i32>} : memref<128x128xf32, #tpu.memory_space<vmem>>, vector<1x16xf32>,
    %swap3A_148 = vector.shape_cast %swap3A_147 : vector<1x16xf32> to vector<16xf32>
    %swap3A_149 = vector.shape_cast %broadcast_in_dim3A_143 : vector<16xf32> to vector<1x16xf32>
    tpu.vector_store %arg6[%swap3A_145, %swap3A_146], %swap3A_149 {strides = array<i32>} : memref<128x128xf32, #tpu.memory_space<vmem>>, vector<1x16xf32>,
    %broadcast_in_dim3A_150 = arith.constant 0.000000e+00 : f32
    %broadcast_in_dim3A_151 = vector.broadcast %broadcast_in_dim3A_150 : f32 to vector<16xf32>
    %swap3A_152 = arith.constant 2 : i32
    %swap3A_153 = arith.index_cast %swap3A_152 : i32 to index
    %swap3A_154 = arith.constant 48 : index
    %swap3A_155 = tpu.vector_load %arg6[%swap3A_153, %swap3A_154] {strides = array<i32>} : memref<128x128xf32, #tpu.memory_space<vmem>>, vector<1x16xf32>,
    %swap3A_156 = vector.shape_cast %swap3A_155 : vector<1x16xf32> to vector<16xf32>
    %swap3A_157 = vector.shape_cast %broadcast_in_dim3A_151 : vector<16xf32> to vector<1x16xf32>
    tpu.vector_store %arg6[%swap3A_153, %swap3A_154], %swap3A_157 {strides = array<i32>} : memref<128x128xf32, #tpu.memory_space<vmem>>, vector<1x16xf32>,
    %broadcast_in_dim3A_158 = arith.constant 0.000000e+00 : f32
    %broadcast_in_dim3A_159 = vector.broadcast %broadcast_in_dim3A_158 : f32 to vector<16xf32>
    %swap3A_160 = arith.constant 2 : i32
    %swap3A_161 = arith.index_cast %swap3A_160 : i32 to index
    %swap3A_162 = arith.constant 64 : index
    %swap3A_163 = tpu.vector_load %arg6[%swap3A_161, %swap3A_162] {strides = array<i32>} : memref<128x128xf32, #tpu.memory_space<vmem>>, vector<1x16xf32>,
    %swap3A_164 = vector.shape_cast %swap3A_163 : vector<1x16xf32> to vector<16xf32>
    %swap3A_165 = vector.shape_cast %broadcast_in_dim3A_159 : vector<16xf32> to vector<1x16xf32>
    tpu.vector_store %arg6[%swap3A_161, %swap3A_162], %swap3A_165 {strides = array<i32>} : memref<128x128xf32, #tpu.memory_space<vmem>>, vector<1x16xf32>,
    %broadcast_in_dim3A_166 = arith.constant 0.000000e+00 : f32
    %broadcast_in_dim3A_167 = vector.broadcast %broadcast_in_dim3A_166 : f32 to vector<16xf32>
    %swap3A_168 = arith.constant 2 : i32
    %swap3A_169 = arith.index_cast %swap3A_168 : i32 to index
    %swap3A_170 = arith.constant 80 : index
    %swap3A_171 = tpu.vector_load %arg6[%swap3A_169, %swap3A_170] {strides = array<i32>} : memref<128x128xf32, #tpu.memory_space<vmem>>, vector<1x16xf32>,
    %swap3A_172 = vector.shape_cast %swap3A_171 : vector<1x16xf32> to vector<16xf32>
    %swap3A_173 = vector.shape_cast %broadcast_in_dim3A_167 : vector<16xf32> to vector<1x16xf32>
    tpu.vector_store %arg6[%swap3A_169, %swap3A_170], %swap3A_173 {strides = array<i32>} : memref<128x128xf32, #tpu.memory_space<vmem>>, vector<1x16xf32>,
    %broadcast_in_dim3A_174 = arith.constant 0.000000e+00 : f32
    %broadcast_in_dim3A_175 = vector.broadcast %broadcast_in_dim3A_174 : f32 to vector<16xf32>
    %swap3A_176 = arith.constant 2 : i32
    %swap3A_177 = arith.index_cast %swap3A_176 : i32 to index
    %swap3A_178 = arith.constant 96 : index
    %swap3A_179 = tpu.vector_load %arg6[%swap3A_177, %swap3A_178] {strides = array<i32>} : memref<128x128xf32, #tpu.memory_space<vmem>>, vector<1x16xf32>,
    %swap3A_180 = vector.shape_cast %swap3A_179 : vector<1x16xf32> to vector<16xf32>
    %swap3A_181 = vector.shape_cast %broadcast_in_dim3A_175 : vector<16xf32> to vector<1x16xf32>
    tpu.vector_store %arg6[%swap3A_177, %swap3A_178], %swap3A_181 {strides = array<i32>} : memref<128x128xf32, #tpu.memory_space<vmem>>, vector<1x16xf32>,
    %broadcast_in_dim3A_182 = arith.constant 0.000000e+00 : f32
    %broadcast_in_dim3A_183 = vector.broadcast %broadcast_in_dim3A_182 : f32 to vector<16xf32>
    %swap3A_184 = arith.constant 2 : i32
    %swap3A_185 = arith.index_cast %swap3A_184 : i32 to index
    %swap3A_186 = arith.constant 112 : index
    %swap3A_187 = tpu.vector_load %arg6[%swap3A_185, %swap3A_186] {strides = array<i32>} : memref<128x128xf32, #tpu.memory_space<vmem>>, vector<1x16xf32>,
    %swap3A_188 = vector.shape_cast %swap3A_187 : vector<1x16xf32> to vector<16xf32>
    %swap3A_189 = vector.shape_cast %broadcast_in_dim3A_183 : vector<16xf32> to vector<1x16xf32>
    tpu.vector_store %arg6[%swap3A_185, %swap3A_186], %swap3A_189 {strides = array<i32>} : memref<128x128xf32, #tpu.memory_space<vmem>>, vector<1x16xf32>,
    %broadcast_in_dim3A_190 = arith.constant 0.000000e+00 : f32
    %broadcast_in_dim3A_191 = vector.broadcast %broadcast_in_dim3A_190 : f32 to vector<16xf32>
    %swap3A_192 = arith.constant 3 : i32
    %swap3A_193 = arith.index_cast %swap3A_192 : i32 to index
    %swap3A_194 = arith.constant 0 : index
    %swap3A_195 = tpu.vector_load %arg6[%swap3A_193, %swap3A_194] {strides = array<i32>} : memref<128x128xf32, #tpu.memory_space<vmem>>, vector<1x16xf32>,
    %swap3A_196 = vector.shape_cast %swap3A_195 : vector<1x16xf32> to vector<16xf32>
    %swap3A_197 = vector.shape_cast %broadcast_in_dim3A_191 : vector<16xf32> to vector<1x16xf32>
    tpu.vector_store %arg6[%swap3A_193, %swap3A_194], %swap3A_197 {strides = array<i32>} : memref<128x128xf32, #tpu.memory_space<vmem>>, vector<1x16xf32>,
    %broadcast_in_dim3A_198 = arith.constant 0.000000e+00 : f32
    %broadcast_in_dim3A_199 = vector.broadcast %broadcast_in_dim3A_198 : f32 to vector<16xf32>
    %swap3A_200 = arith.constant 3 : i32
    %swap3A_201 = arith.index_cast %swap3A_200 : i32 to index
    %swap3A_202 = arith.constant 16 : index
    %swap3A_203 = tpu.vector_load %arg6[%swap3A_201, %swap3A_202] {strides = array<i32>} : memref<128x128xf32, #tpu.memory_space<vmem>>, vector<1x16xf32>,
    %swap3A_204 = vector.shape_cast %swap3A_203 : vector<1x16xf32> to vector<16xf32>
    %swap3A_205 = vector.shape_cast %broadcast_in_dim3A_199 : vector<16xf32> to vector<1x16xf32>
    tpu.vector_store %arg6[%swap3A_201, %swap3A_202], %swap3A_205 {strides = array<i32>} : memref<128x128xf32, #tpu.memory_space<vmem>>, vector<1x16xf32>,
    %broadcast_in_dim3A_206 = arith.constant 0.000000e+00 : f32
    %broadcast_in_dim3A_207 = vector.broadcast %broadcast_in_dim3A_206 : f32 to vector<16xf32>
    %swap3A_208 = arith.constant 3 : i32
    %swap3A_209 = arith.index_cast %swap3A_208 : i32 to index
    %swap3A_210 = arith.constant 32 : index
    %swap3A_211 = tpu.vector_load %arg6[%swap3A_209, %swap3A_210] {strides = array<i32>} : memref<128x128xf32, #tpu.memory_space<vmem>>, vector<1x16xf32>,
    %swap3A_212 = vector.shape_cast %swap3A_211 : vector<1x16xf32> to vector<16xf32>
    %swap3A_213 = vector.shape_cast %broadcast_in_dim3A_207 : vector<16xf32> to vector<1x16xf32>
    tpu.vector_store %arg6[%swap3A_209, %swap3A_210], %swap3A_213 {strides = array<i32>} : memref<128x128xf32, #tpu.memory_space<vmem>>, vector<1x16xf32>,
    %broadcast_in_dim3A_214 = arith.constant 0.000000e+00 : f32
    %broadcast_in_dim3A_215 = vector.broadcast %broadcast_in_dim3A_214 : f32 to vector<16xf32>
    %swap3A_216 = arith.constant 3 : i32
    %swap3A_217 = arith.index_cast %swap3A_216 : i32 to index
    %swap3A_218 = arith.constant 48 : index
    %swap3A_219 = tpu.vector_load %arg6[%swap3A_217, %swap3A_218] {strides = array<i32>} : memref<128x128xf32, #tpu.memory_space<vmem>>, vector<1x16xf32>,
    %swap3A_220 = vector.shape_cast %swap3A_219 : vector<1x16xf32> to vector<16xf32>
    %swap3A_221 = vector.shape_cast %broadcast_in_dim3A_215 : vector<16xf32> to vector<1x16xf32>
    tpu.vector_store %arg6[%swap3A_217, %swap3A_218], %swap3A_221 {strides = array<i32>} : memref<128x128xf32, #tpu.memory_space<vmem>>, vector<1x16xf32>,
    %broadcast_in_dim3A_222 = arith.constant 0.000000e+00 : f32
    %broadcast_in_dim3A_223 = vector.broadcast %broadcast_in_dim3A_222 : f32 to vector<16xf32>
    %swap3A_224 = arith.constant 3 : i32
    %swap3A_225 = arith.index_cast %swap3A_224 : i32 to index
    %swap3A_226 = arith.constant 64 : index
    %swap3A_227 = tpu.vector_load %arg6[%swap3A_225, %swap3A_226] {strides = array<i32>} : memref<128x128xf32, #tpu.memory_space<vmem>>, vector<1x16xf32>,
    %swap3A_228 = vector.shape_cast %swap3A_227 : vector<1x16xf32> to vector<16xf32>
    %swap3A_229 = vector.shape_cast %broadcast_in_dim3A_223 : vector<16xf32> to vector<1x16xf32>
    tpu.vector_store %arg6[%swap3A_225, %swap3A_226], %swap3A_229 {strides = array<i32>} : memref<128x128xf32, #tpu.memory_space<vmem>>, vector<1x16xf32>,
    %broadcast_in_dim3A_230 = arith.constant 0.000000e+00 : f32
    %broadcast_in_dim3A_231 = vector.broadcast %broadcast_in_dim3A_230 : f32 to vector<16xf32>
    %swap3A_232 = arith.constant 3 : i32
    %swap3A_233 = arith.index_cast %swap3A_232 : i32 to index
    %swap3A_234 = arith.constant 80 : index
    %swap3A_235 = tpu.vector_load %arg6[%swap3A_233, %swap3A_234] {strides = array<i32>} : memref<128x128xf32, #tpu.memory_space<vmem>>, vector<1x16xf32>,
    %swap3A_236 = vector.shape_cast %swap3A_235 : vector<1x16xf32> to vector<16xf32>
    %swap3A_237 = vector.shape_cast %broadcast_in_dim3A_231 : vector<16xf32> to vector<1x16xf32>
    tpu.vector_store %arg6[%swap3A_233, %swap3A_234], %swap3A_237 {strides = array<i32>} : memref<128x128xf32, #tpu.memory_space<vmem>>, vector<1x16xf32>,
    %broadcast_in_dim3A_238 = arith.constant 0.000000e+00 : f32
    %broadcast_in_dim3A_239 = vector.broadcast %broadcast_in_dim3A_238 : f32 to vector<16xf32>
    %swap3A_240 = arith.constant 3 : i32
    %swap3A_241 = arith.index_cast %swap3A_240 : i32 to index
    %swap3A_242 = arith.constant 96 : index
    %swap3A_243 = tpu.vector_load %arg6[%swap3A_241, %swap3A_242] {strides = array<i32>} : memref<128x128xf32, #tpu.memory_space<vmem>>, vector<1x16xf32>,
    %swap3A_244 = vector.shape_cast %swap3A_243 : vector<1x16xf32> to vector<16xf32>
    %swap3A_245 = vector.shape_cast %broadcast_in_dim3A_239 : vector<16xf32> to vector<1x16xf32>
    tpu.vector_store %arg6[%swap3A_241, %swap3A_242], %swap3A_245 {strides = array<i32>} : memref<128x128xf32, #tpu.memory_space<vmem>>, vector<1x16xf32>,
    %broadcast_in_dim3A_246 = arith.constant 0.000000e+00 : f32
    %broadcast_in_dim3A_247 = vector.broadcast %broadcast_in_dim3A_246 : f32 to vector<16xf32>
    %swap3A_248 = arith.constant 3 : i32
    %swap3A_249 = arith.index_cast %swap3A_248 : i32 to index
    %swap3A_250 = arith.constant 112 : index
    %swap3A_251 = tpu.vector_load %arg6[%swap3A_249, %swap3A_250] {strides = array<i32>} : memref<128x128xf32, #tpu.memory_space<vmem>>, vector<1x16xf32>,
    %swap3A_252 = vector.shape_cast %swap3A_251 : vector<1x16xf32> to vector<16xf32>
    %swap3A_253 = vector.shape_cast %broadcast_in_dim3A_247 : vector<16xf32> to vector<1x16xf32>
    tpu.vector_store %arg6[%swap3A_249, %swap3A_250], %swap3A_253 {strides = array<i32>} : memref<128x128xf32, #tpu.memory_space<vmem>>, vector<1x16xf32>,
    %broadcast_in_dim3A_254 = arith.constant 0.000000e+00 : f32
    %broadcast_in_dim3A_255 = vector.broadcast %broadcast_in_dim3A_254 : f32 to vector<16xf32>
    %swap3A_256 = arith.constant 4 : i32
    %swap3A_257 = arith.index_cast %swap3A_256 : i32 to index
    %swap3A_258 = arith.constant 0 : index
    %swap3A_259 = tpu.vector_load %arg6[%swap3A_257, %swap3A_258] {strides = array<i32>} : memref<128x128xf32, #tpu.memory_space<vmem>>, vector<1x16xf32>,
    %swap3A_260 = vector.shape_cast %swap3A_259 : vector<1x16xf32> to vector<16xf32>
    %swap3A_261 = vector.shape_cast %broadcast_in_dim3A_255 : vector<16xf32> to vector<1x16xf32>
    tpu.vector_store %arg6[%swap3A_257, %swap3A_258], %swap3A_261 {strides = array<i32>} : memref<128x128xf32, #tpu.memory_space<vmem>>, vector<1x16xf32>,
    %broadcast_in_dim3A_262 = arith.constant 0.000000e+00 : f32
    %broadcast_in_dim3A_263 = vector.broadcast %broadcast_in_dim3A_262 : f32 to vector<16xf32>
    %swap3A_264 = arith.constant 4 : i32
    %swap3A_265 = arith.index_cast %swap3A_264 : i32 to index
    %swap3A_266 = arith.constant 16 : index
    %swap3A_267 = tpu.vector_load %arg6[%swap3A_265, %swap3A_266] {strides = array<i32>} : memref<128x128xf32, #tpu.memory_space<vmem>>, vector<1x16xf32>,
    %swap3A_268 = vector.shape_cast %swap3A_267 : vector<1x16xf32> to vector<16xf32>
    %swap3A_269 = vector.shape_cast %broadcast_in_dim3A_263 : vector<16xf32> to vector<1x16xf32>
    tpu.vector_store %arg6[%swap3A_265, %swap3A_266], %swap3A_269 {strides = array<i32>} : memref<128x128xf32, #tpu.memory_space<vmem>>, vector<1x16xf32>,
    %broadcast_in_dim3A_270 = arith.constant 0.000000e+00 : f32
    %broadcast_in_dim3A_271 = vector.broadcast %broadcast_in_dim3A_270 : f32 to vector<16xf32>
    %swap3A_272 = arith.constant 4 : i32
    %swap3A_273 = arith.index_cast %swap3A_272 : i32 to index
    %swap3A_274 = arith.constant 32 : index
    %swap3A_275 = tpu.vector_load %arg6[%swap3A_273, %swap3A_274] {strides = array<i32>} : memref<128x128xf32, #tpu.memory_space<vmem>>, vector<1x16xf32>,
    %swap3A_276 = vector.shape_cast %swap3A_275 : vector<1x16xf32> to vector<16xf32>
    %swap3A_277 = vector.shape_cast %broadcast_in_dim3A_271 : vector<16xf32> to vector<1x16xf32>
    tpu.vector_store %arg6[%swap3A_273, %swap3A_274], %swap3A_277 {strides = array<i32>} : memref<128x128xf32, #tpu.memory_space<vmem>>, vector<1x16xf32>,
    %broadcast_in_dim3A_278 = arith.constant 0.000000e+00 : f32
    %broadcast_in_dim3A_279 = vector.broadcast %broadcast_in_dim3A_278 : f32 to vector<16xf32>
    %swap3A_280 = arith.constant 4 : i32
    %swap3A_281 = arith.index_cast %swap3A_280 : i32 to index
    %swap3A_282 = arith.constant 48 : index
    %swap3A_283 = tpu.vector_load %arg6[%swap3A_281, %swap3A_282] {strides = array<i32>} : memref<128x128xf32, #tpu.memory_space<vmem>>, vector<1x16xf32>,
    %swap3A_284 = vector.shape_cast %swap3A_283 : vector<1x16xf32> to vector<16xf32>
    %swap3A_285 = vector.shape_cast %broadcast_in_dim3A_279 : vector<16xf32> to vector<1x16xf32>
    tpu.vector_store %arg6[%swap3A_281, %swap3A_282], %swap3A_285 {strides = array<i32>} : memref<128x128xf32, #tpu.memory_space<vmem>>, vector<1x16xf32>,
    %broadcast_in_dim3A_286 = arith.constant 0.000000e+00 : f32
    %broadcast_in_dim3A_287 = vector.broadcast %broadcast_in_dim3A_286 : f32 to vector<16xf32>
    %swap3A_288 = arith.constant 4 : i32
    %swap3A_289 = arith.index_cast %swap3A_288 : i32 to index
    %swap3A_290 = arith.constant 64 : index
    %swap3A_291 = tpu.vector_load %arg6[%swap3A_289, %swap3A_290] {strides = array<i32>} : memref<128x128xf32, #tpu.memory_space<vmem>>, vector<1x16xf32>,
    %swap3A_292 = vector.shape_cast %swap3A_291 : vector<1x16xf32> to vector<16xf32>
    %swap3A_293 = vector.shape_cast %broadcast_in_dim3A_287 : vector<16xf32> to vector<1x16xf32>
    tpu.vector_store %arg6[%swap3A_289, %swap3A_290], %swap3A_293 {strides = array<i32>} : memref<128x128xf32, #tpu.memory_space<vmem>>, vector<1x16xf32>,
    %broadcast_in_dim3A_294 = arith.constant 0.000000e+00 : f32
    %broadcast_in_dim3A_295 = vector.broadcast %broadcast_in_dim3A_294 : f32 to vector<16xf32>
    %swap3A_296 = arith.constant 4 : i32
    %swap3A_297 = arith.index_cast %swap3A_296 : i32 to index
    %swap3A_298 = arith.constant 80 : index
    %swap3A_299 = tpu.vector_load %arg6[%swap3A_297, %swap3A_298] {strides = array<i32>} : memref<128x128xf32, #tpu.memory_space<vmem>>, vector<1x16xf32>,
    %swap3A_300 = vector.shape_cast %swap3A_299 : vector<1x16xf32> to vector<16xf32>
    %swap3A_301 = vector.shape_cast %broadcast_in_dim3A_295 : vector<16xf32> to vector<1x16xf32>
    tpu.vector_store %arg6[%swap3A_297, %swap3A_298], %swap3A_301 {strides = array<i32>} : memref<128x128xf32, #tpu.memory_space<vmem>>, vector<1x16xf32>,
    %broadcast_in_dim3A_302 = arith.constant 0.000000e+00 : f32
    %broadcast_in_dim3A_303 = vector.broadcast %broadcast_in_dim3A_302 : f32 to vector<16xf32>
    %swap3A_304 = arith.constant 4 : i32
    %swap3A_305 = arith.index_cast %swap3A_304 : i32 to index
    %swap3A_306 = arith.constant 96 : index
    %swap3A_307 = tpu.vector_load %arg6[%swap3A_305, %swap3A_306] {strides = array<i32>} : memref<128x128xf32, #tpu.memory_space<vmem>>, vector<1x16xf32>,
    %swap3A_308 = vector.shape_cast %swap3A_307 : vector<1x16xf32> to vector<16xf32>
    %swap3A_309 = vector.shape_cast %broadcast_in_dim3A_303 : vector<16xf32> to vector<1x16xf32>
    tpu.vector_store %arg6[%swap3A_305, %swap3A_306], %swap3A_309 {strides = array<i32>} : memref<128x128xf32, #tpu.memory_space<vmem>>, vector<1x16xf32>,
    %broadcast_in_dim3A_310 = arith.constant 0.000000e+00 : f32
    %broadcast_in_dim3A_311 = vector.broadcast %broadcast_in_dim3A_310 : f32 to vector<16xf32>
    %swap3A_312 = arith.constant 4 : i32
    %swap3A_313 = arith.index_cast %swap3A_312 : i32 to index
    %swap3A_314 = arith.constant 112 : index
    %swap3A_315 = tpu.vector_load %arg6[%swap3A_313, %swap3A_314] {strides = array<i32>} : memref<128x128xf32, #tpu.memory_space<vmem>>, vector<1x16xf32>,
    %swap3A_316 = vector.shape_cast %swap3A_315 : vector<1x16xf32> to vector<16xf32>
    %swap3A_317 = vector.shape_cast %broadcast_in_dim3A_311 : vector<16xf32> to vector<1x16xf32>
    tpu.vector_store %arg6[%swap3A_313, %swap3A_314], %swap3A_317 {strides = array<i32>} : memref<128x128xf32, #tpu.memory_space<vmem>>, vector<1x16xf32>,
    %broadcast_in_dim3A_318 = arith.constant 0.000000e+00 : f32
    %broadcast_in_dim3A_319 = vector.broadcast %broadcast_in_dim3A_318 : f32 to vector<16xf32>
    %swap3A_320 = arith.constant 5 : i32
    %swap3A_321 = arith.index_cast %swap3A_320 : i32 to index
    %swap3A_322 = arith.constant 0 : index
    %swap3A_323 = tpu.vector_load %arg6[%swap3A_321, %swap3A_322] {strides = array<i32>} : memref<128x128xf32, #tpu.memory_space<vmem>>, vector<1x16xf32>,
    %swap3A_324 = vector.shape_cast %swap3A_323 : vector<1x16xf32> to vector<16xf32>
    %swap3A_325 = vector.shape_cast %broadcast_in_dim3A_319 : vector<16xf32> to vector<1x16xf32>
    tpu.vector_store %arg6[%swap3A_321, %swap3A_322], %swap3A_325 {strides = array<i32>} : memref<128x128xf32, #tpu.memory_space<vmem>>, vector<1x16xf32>,
    %broadcast_in_dim3A_326 = arith.constant 0.000000e+00 : f32
    %broadcast_in_dim3A_327 = vector.broadcast %broadcast_in_dim3A_326 : f32 to vector<16xf32>
    %swap3A_328 = arith.constant 5 : i32
    %swap3A_329 = arith.index_cast %swap3A_328 : i32 to index
    %swap3A_330 = arith.constant 16 : index
    %swap3A_331 = tpu.vector_load %arg6[%swap3A_329, %swap3A_330] {strides = array<i32>} : memref<128x128xf32, #tpu.memory_space<vmem>>, vector<1x16xf32>,
    %swap3A_332 = vector.shape_cast %swap3A_331 : vector<1x16xf32> to vector<16xf32>
    %swap3A_333 = vector.shape_cast %broadcast_in_dim3A_327 : vector<16xf32> to vector<1x16xf32>
    tpu.vector_store %arg6[%swap3A_329, %swap3A_330], %swap3A_333 {strides = array<i32>} : memref<128x128xf32, #tpu.memory_space<vmem>>, vector<1x16xf32>,
    %broadcast_in_dim3A_334 = arith.constant 0.000000e+00 : f32
    %broadcast_in_dim3A_335 = vector.broadcast %broadcast_in_dim3A_334 : f32 to vector<16xf32>
    %swap3A_336 = arith.constant 5 : i32
    %swap3A_337 = arith.index_cast %swap3A_336 : i32 to index
    %swap3A_338 = arith.constant 32 : index
    %swap3A_339 = tpu.vector_load %arg6[%swap3A_337, %swap3A_338] {strides = array<i32>} : memref<128x128xf32, #tpu.memory_space<vmem>>, vector<1x16xf32>,
    %swap3A_340 = vector.shape_cast %swap3A_339 : vector<1x16xf32> to vector<16xf32>
    %swap3A_341 = vector.shape_cast %broadcast_in_dim3A_335 : vector<16xf32> to vector<1x16xf32>
    tpu.vector_store %arg6[%swap3A_337, %swap3A_338], %swap3A_341 {strides = array<i32>} : memref<128x128xf32, #tpu.memory_space<vmem>>, vector<1x16xf32>,
    %broadcast_in_dim3A_342 = arith.constant 0.000000e+00 : f32
    %broadcast_in_dim3A_343 = vector.broadcast %broadcast_in_dim3A_342 : f32 to vector<16xf32>
    %swap3A_344 = arith.constant 5 : i32
    %swap3A_345 = arith.index_cast %swap3A_344 : i32 to index
    %swap3A_346 = arith.constant 48 : index
    %swap3A_347 = tpu.vector_load %arg6[%swap3A_345, %swap3A_346] {strides = array<i32>} : memref<128x128xf32, #tpu.memory_space<vmem>>, vector<1x16xf32>,
    %swap3A_348 = vector.shape_cast %swap3A_347 : vector<1x16xf32> to vector<16xf32>
    %swap3A_349 = vector.shape_cast %broadcast_in_dim3A_343 : vector<16xf32> to vector<1x16xf32>
    tpu.vector_store %arg6[%swap3A_345, %swap3A_346], %swap3A_349 {strides = array<i32>} : memref<128x128xf32, #tpu.memory_space<vmem>>, vector<1x16xf32>,
    %broadcast_in_dim3A_350 = arith.constant 0.000000e+00 : f32
    %broadcast_in_dim3A_351 = vector.broadcast %broadcast_in_dim3A_350 : f32 to vector<16xf32>
    %swap3A_352 = arith.constant 5 : i32
    %swap3A_353 = arith.index_cast %swap3A_352 : i32 to index
    %swap3A_354 = arith.constant 64 : index
    %swap3A_355 = tpu.vector_load %arg6[%swap3A_353, %swap3A_354] {strides = array<i32>} : memref<128x128xf32, #tpu.memory_space<vmem>>, vector<1x16xf32>,
    %swap3A_356 = vector.shape_cast %swap3A_355 : vector<1x16xf32> to vector<16xf32>
    %swap3A_357 = vector.shape_cast %broadcast_in_dim3A_351 : vector<16xf32> to vector<1x16xf32>
    tpu.vector_store %arg6[%swap3A_353, %swap3A_354], %swap3A_357 {strides = array<i32>} : memref<128x128xf32, #tpu.memory_space<vmem>>, vector<1x16xf32>,
    %broadcast_in_dim3A_358 = arith.constant 0.000000e+00 : f32
    %broadcast_in_dim3A_359 = vector.broadcast %broadcast_in_dim3A_358 : f32 to vector<16xf32>
    %swap3A_360 = arith.constant 5 : i32
    %swap3A_361 = arith.index_cast %swap3A_360 : i32 to index
    %swap3A_362 = arith.constant 80 : index
    %swap3A_363 = tpu.vector_load %arg6[%swap3A_361, %swap3A_362] {strides = array<i32>} : memref<128x128xf32, #tpu.memory_space<vmem>>, vector<1x16xf32>,
    %swap3A_364 = vector.shape_cast %swap3A_363 : vector<1x16xf32> to vector<16xf32>
    %swap3A_365 = vector.shape_cast %broadcast_in_dim3A_359 : vector<16xf32> to vector<1x16xf32>
    tpu.vector_store %arg6[%swap3A_361, %swap3A_362], %swap3A_365 {strides = array<i32>} : memref<128x128xf32, #tpu.memory_space<vmem>>, vector<1x16xf32>,
    %broadcast_in_dim3A_366 = arith.constant 0.000000e+00 : f32
    %broadcast_in_dim3A_367 = vector.broadcast %broadcast_in_dim3A_366 : f32 to vector<16xf32>
    %swap3A_368 = arith.constant 5 : i32
    %swap3A_369 = arith.index_cast %swap3A_368 : i32 to index
    %swap3A_370 = arith.constant 96 : index
    %swap3A_371 = tpu.vector_load %arg6[%swap3A_369, %swap3A_370] {strides = array<i32>} : memref<128x128xf32, #tpu.memory_space<vmem>>, vector<1x16xf32>,
    %swap3A_372 = vector.shape_cast %swap3A_371 : vector<1x16xf32> to vector<16xf32>
    %swap3A_373 = vector.shape_cast %broadcast_in_dim3A_367 : vector<16xf32> to vector<1x16xf32>
    tpu.vector_store %arg6[%swap3A_369, %swap3A_370], %swap3A_373 {strides = array<i32>} : memref<128x128xf32, #tpu.memory_space<vmem>>, vector<1x16xf32>,
    %broadcast_in_dim3A_374 = arith.constant 0.000000e+00 : f32
    %broadcast_in_dim3A_375 = vector.broadcast %broadcast_in_dim3A_374 : f32 to vector<16xf32>
    %swap3A_376 = arith.constant 5 : i32
    %swap3A_377 = arith.index_cast %swap3A_376 : i32 to index
    %swap3A_378 = arith.constant 112 : index
    %swap3A_379 = tpu.vector_load %arg6[%swap3A_377, %swap3A_378] {strides = array<i32>} : memref<128x128xf32, #tpu.memory_space<vmem>>, vector<1x16xf32>,
    %swap3A_380 = vector.shape_cast %swap3A_379 : vector<1x16xf32> to vector<16xf32>
    %swap3A_381 = vector.shape_cast %broadcast_in_dim3A_375 : vector<16xf32> to vector<1x16xf32>
    tpu.vector_store %arg6[%swap3A_377, %swap3A_378], %swap3A_381 {strides = array<i32>} : memref<128x128xf32, #tpu.memory_space<vmem>>, vector<1x16xf32>,
    %broadcast_in_dim3A_382 = arith.constant 0.000000e+00 : f32
    %broadcast_in_dim3A_383 = vector.broadcast %broadcast_in_dim3A_382 : f32 to vector<16xf32>
    %swap3A_384 = arith.constant 6 : i32
    %swap3A_385 = arith.index_cast %swap3A_384 : i32 to index
    %swap3A_386 = arith.constant 0 : index
    %swap3A_387 = tpu.vector_load %arg6[%swap3A_385, %swap3A_386] {strides = array<i32>} : memref<128x128xf32, #tpu.memory_space<vmem>>, vector<1x16xf32>,
    %swap3A_388 = vector.shape_cast %swap3A_387 : vector<1x16xf32> to vector<16xf32>
    %swap3A_389 = vector.shape_cast %broadcast_in_dim3A_383 : vector<16xf32> to vector<1x16xf32>
    tpu.vector_store %arg6[%swap3A_385, %swap3A_386], %swap3A_389 {strides = array<i32>} : memref<128x128xf32, #tpu.memory_space<vmem>>, vector<1x16xf32>,
    %broadcast_in_dim3A_390 = arith.constant 0.000000e+00 : f32
    %broadcast_in_dim3A_391 = vector.broadcast %broadcast_in_dim3A_390 : f32 to vector<16xf32>
    %swap3A_392 = arith.constant 6 : i32
    %swap3A_393 = arith.index_cast %swap3A_392 : i32 to index
    %swap3A_394 = arith.constant 16 : index
    %swap3A_395 = tpu.vector_load %arg6[%swap3A_393, %swap3A_394] {strides = array<i32>} : memref<128x128xf32, #tpu.memory_space<vmem>>, vector<1x16xf32>,
    %swap3A_396 = vector.shape_cast %swap3A_395 : vector<1x16xf32> to vector<16xf32>
    %swap3A_397 = vector.shape_cast %broadcast_in_dim3A_391 : vector<16xf32> to vector<1x16xf32>
    tpu.vector_store %arg6[%swap3A_393, %swap3A_394], %swap3A_397 {strides = array<i32>} : memref<128x128xf32, #tpu.memory_space<vmem>>, vector<1x16xf32>,
    %broadcast_in_dim3A_398 = arith.constant 0.000000e+00 : f32
    %broadcast_in_dim3A_399 = vector.broadcast %broadcast_in_dim3A_398 : f32 to vector<16xf32>
    %swap3A_400 = arith.constant 6 : i32
    %swap3A_401 = arith.index_cast %swap3A_400 : i32 to index
    %swap3A_402 = arith.constant 32 : index
    %swap3A_403 = tpu.vector_load %arg6[%swap3A_401, %swap3A_402] {strides = array<i32>} : memref<128x128xf32, #tpu.memory_space<vmem>>, vector<1x16xf32>,
    %swap3A_404 = vector.shape_cast %swap3A_403 : vector<1x16xf32> to vector<16xf32>
    %swap3A_405 = vector.shape_cast %broadcast_in_dim3A_399 : vector<16xf32> to vector<1x16xf32>
    tpu.vector_store %arg6[%swap3A_401, %swap3A_402], %swap3A_405 {strides = array<i32>} : memref<128x128xf32, #tpu.memory_space<vmem>>, vector<1x16xf32>,
    %broadcast_in_dim3A_406 = arith.constant 0.000000e+00 : f32
    %broadcast_in_dim3A_407 = vector.broadcast %broadcast_in_dim3A_406 : f32 to vector<16xf32>
    %swap3A_408 = arith.constant 6 : i32
    %swap3A_409 = arith.index_cast %swap3A_408 : i32 to index
    %swap3A_410 = arith.constant 48 : index
    %swap3A_411 = tpu.vector_load %arg6[%swap3A_409, %swap3A_410] {strides = array<i32>} : memref<128x128xf32, #tpu.memory_space<vmem>>, vector<1x16xf32>,
    %swap3A_412 = vector.shape_cast %swap3A_411 : vector<1x16xf32> to vector<16xf32>
    %swap3A_413 = vector.shape_cast %broadcast_in_dim3A_407 : vector<16xf32> to vector<1x16xf32>
    tpu.vector_store %arg6[%swap3A_409, %swap3A_410], %swap3A_413 {strides = array<i32>} : memref<128x128xf32, #tpu.memory_space<vmem>>, vector<1x16xf32>,
    %broadcast_in_dim3A_414 = arith.constant 0.000000e+00 : f32
    %broadcast_in_dim3A_415 = vector.broadcast %broadcast_in_dim3A_414 : f32 to vector<16xf32>
    %swap3A_416 = arith.constant 6 : i32
    %swap3A_417 = arith.index_cast %swap3A_416 : i32 to index
    %swap3A_418 = arith.constant 64 : index
    %swap3A_419 = tpu.vector_load %arg6[%swap3A_417, %swap3A_418] {strides = array<i32>} : memref<128x128xf32, #tpu.memory_space<vmem>>, vector<1x16xf32>,
    %swap3A_420 = vector.shape_cast %swap3A_419 : vector<1x16xf32> to vector<16xf32>
    %swap3A_421 = vector.shape_cast %broadcast_in_dim3A_415 : vector<16xf32> to vector<1x16xf32>
    tpu.vector_store %arg6[%swap3A_417, %swap3A_418], %swap3A_421 {strides = array<i32>} : memref<128x128xf32, #tpu.memory_space<vmem>>, vector<1x16xf32>,
    %broadcast_in_dim3A_422 = arith.constant 0.000000e+00 : f32
    %broadcast_in_dim3A_423 = vector.broadcast %broadcast_in_dim3A_422 : f32 to vector<16xf32>
    %swap3A_424 = arith.constant 6 : i32
    %swap3A_425 = arith.index_cast %swap3A_424 : i32 to index
    %swap3A_426 = arith.constant 80 : index
    %swap3A_427 = tpu.vector_load %arg6[%swap3A_425, %swap3A_426] {strides = array<i32>} : memref<128x128xf32, #tpu.memory_space<vmem>>, vector<1x16xf32>,
    %swap3A_428 = vector.shape_cast %swap3A_427 : vector<1x16xf32> to vector<16xf32>
    %swap3A_429 = vector.shape_cast %broadcast_in_dim3A_423 : vector<16xf32> to vector<1x16xf32>
    tpu.vector_store %arg6[%swap3A_425, %swap3A_426], %swap3A_429 {strides = array<i32>} : memref<128x128xf32, #tpu.memory_space<vmem>>, vector<1x16xf32>,
    %broadcast_in_dim3A_430 = arith.constant 0.000000e+00 : f32
    %broadcast_in_dim3A_431 = vector.broadcast %broadcast_in_dim3A_430 : f32 to vector<16xf32>
    %swap3A_432 = arith.constant 6 : i32
    %swap3A_433 = arith.index_cast %swap3A_432 : i32 to index
    %swap3A_434 = arith.constant 96 : index
    %swap3A_435 = tpu.vector_load %arg6[%swap3A_433, %swap3A_434] {strides = array<i32>} : memref<128x128xf32, #tpu.memory_space<vmem>>, vector<1x16xf32>,
    %swap3A_436 = vector.shape_cast %swap3A_435 : vector<1x16xf32> to vector<16xf32>
    %swap3A_437 = vector.shape_cast %broadcast_in_dim3A_431 : vector<16xf32> to vector<1x16xf32>
    tpu.vector_store %arg6[%swap3A_433, %swap3A_434], %swap3A_437 {strides = array<i32>} : memref<128x128xf32, #tpu.memory_space<vmem>>, vector<1x16xf32>,
    %broadcast_in_dim3A_438 = arith.constant 0.000000e+00 : f32
    %broadcast_in_dim3A_439 = vector.broadcast %broadcast_in_dim3A_438 : f32 to vector<16xf32>
    %swap3A_440 = arith.constant 6 : i32
    %swap3A_441 = arith.index_cast %swap3A_440 : i32 to index
    %swap3A_442 = arith.constant 112 : index
    %swap3A_443 = tpu.vector_load %arg6[%swap3A_441, %swap3A_442] {strides = array<i32>} : memref<128x128xf32, #tpu.memory_space<vmem>>, vector<1x16xf32>,
    %swap3A_444 = vector.shape_cast %swap3A_443 : vector<1x16xf32> to vector<16xf32>
    %swap3A_445 = vector.shape_cast %broadcast_in_dim3A_439 : vector<16xf32> to vector<1x16xf32>
    tpu.vector_store %arg6[%swap3A_441, %swap3A_442], %swap3A_445 {strides = array<i32>} : memref<128x128xf32, #tpu.memory_space<vmem>>, vector<1x16xf32>,
    %broadcast_in_dim3A_446 = arith.constant 0.000000e+00 : f32
    %broadcast_in_dim3A_447 = vector.broadcast %broadcast_in_dim3A_446 : f32 to vector<16xf32>
    %swap3A_448 = arith.constant 7 : i32
    %swap3A_449 = arith.index_cast %swap3A_448 : i32 to index
    %swap3A_450 = arith.constant 0 : index
    %swap3A_451 = tpu.vector_load %arg6[%swap3A_449, %swap3A_450] {strides = array<i32>} : memref<128x128xf32, #tpu.memory_space<vmem>>, vector<1x16xf32>,
    %swap3A_452 = vector.shape_cast %swap3A_451 : vector<1x16xf32> to vector<16xf32>
    %swap3A_453 = vector.shape_cast %broadcast_in_dim3A_447 : vector<16xf32> to vector<1x16xf32>
    tpu.vector_store %arg6[%swap3A_449, %swap3A_450], %swap3A_453 {strides = array<i32>} : memref<128x128xf32, #tpu.memory_space<vmem>>, vector<1x16xf32>,
    %broadcast_in_dim3A_454 = arith.constant 0.000000e+00 : f32
    %broadcast_in_dim3A_455 = vector.broadcast %broadcast_in_dim3A_454 : f32 to vector<16xf32>
    %swap3A_456 = arith.constant 7 : i32
    %swap3A_457 = arith.index_cast %swap3A_456 : i32 to index
    %swap3A_458 = arith.constant 16 : index
    %swap3A_459 = tpu.vector_load %arg6[%swap3A_457, %swap3A_458] {strides = array<i32>} : memref<128x128xf32, #tpu.memory_space<vmem>>, vector<1x16xf32>,
    %swap3A_460 = vector.shape_cast %swap3A_459 : vector<1x16xf32> to vector<16xf32>
    %swap3A_461 = vector.shape_cast %broadcast_in_dim3A_455 : vector<16xf32> to vector<1x16xf32>
    tpu.vector_store %arg6[%swap3A_457, %swap3A_458], %swap3A_461 {strides = array<i32>} : memref<128x128xf32, #tpu.memory_space<vmem>>, vector<1x16xf32>,
    %broadcast_in_dim3A_462 = arith.constant 0.000000e+00 : f32
    %broadcast_in_dim3A_463 = vector.broadcast %broadcast_in_dim3A_462 : f32 to vector<16xf32>
    %swap3A_464 = arith.constant 7 : i32
    %swap3A_465 = arith.index_cast %swap3A_464 : i32 to index
    %swap3A_466 = arith.constant 32 : index
    %swap3A_467 = tpu.vector_load %arg6[%swap3A_465, %swap3A_466] {strides = array<i32>} : memref<128x128xf32, #tpu.memory_space<vmem>>, vector<1x16xf32>,
    %swap3A_468 = vector.shape_cast %swap3A_467 : vector<1x16xf32> to vector<16xf32>
    %swap3A_469 = vector.shape_cast %broadcast_in_dim3A_463 : vector<16xf32> to vector<1x16xf32>
    tpu.vector_store %arg6[%swap3A_465, %swap3A_466], %swap3A_469 {strides = array<i32>} : memref<128x128xf32, #tpu.memory_space<vmem>>, vector<1x16xf32>,
    %broadcast_in_dim3A_470 = arith.constant 0.000000e+00 : f32
    %broadcast_in_dim3A_471 = vector.broadcast %broadcast_in_dim3A_470 : f32 to vector<16xf32>
    %swap3A_472 = arith.constant 7 : i32
    %swap3A_473 = arith.index_cast %swap3A_472 : i32 to index
    %swap3A_474 = arith.constant 48 : index
    %swap3A_475 = tpu.vector_load %arg6[%swap3A_473, %swap3A_474] {strides = array<i32>} : memref<128x128xf32, #tpu.memory_space<vmem>>, vector<1x16xf32>,
    %swap3A_476 = vector.shape_cast %swap3A_475 : vector<1x16xf32> to vector<16xf32>
    %swap3A_477 = vector.shape_cast %broadcast_in_dim3A_471 : vector<16xf32> to vector<1x16xf32>
    tpu.vector_store %arg6[%swap3A_473, %swap3A_474], %swap3A_477 {strides = array<i32>} : memref<128x128xf32, #tpu.memory_space<vmem>>, vector<1x16xf32>,
    %broadcast_in_dim3A_478 = arith.constant 0.000000e+00 : f32
    %broadcast_in_dim3A_479 = vector.broadcast %broadcast_in_dim3A_478 : f32 to vector<16xf32>
    %swap3A_480 = arith.constant 7 : i32
    %swap3A_481 = arith.index_cast %swap3A_480 : i32 to index
    %swap3A_482 = arith.constant 64 : index
    %swap3A_483 = tpu.vector_load %arg6[%swap3A_481, %swap3A_482] {strides = array<i32>} : memref<128x128xf32, #tpu.memory_space<vmem>>, vector<1x16xf32>,
    %swap3A_484 = vector.shape_cast %swap3A_483 : vector<1x16xf32> to vector<16xf32>
    %swap3A_485 = vector.shape_cast %broadcast_in_dim3A_479 : vector<16xf32> to vector<1x16xf32>
    tpu.vector_store %arg6[%swap3A_481, %swap3A_482], %swap3A_485 {strides = array<i32>} : memref<128x128xf32, #tpu.memory_space<vmem>>, vector<1x16xf32>,
    %broadcast_in_dim3A_486 = arith.constant 0.000000e+00 : f32
    %broadcast_in_dim3A_487 = vector.broadcast %broadcast_in_dim3A_486 : f32 to vector<16xf32>
    %swap3A_488 = arith.constant 7 : i32
    %swap3A_489 = arith.index_cast %swap3A_488 : i32 to index
    %swap3A_490 = arith.constant 80 : index
    %swap3A_491 = tpu.vector_load %arg6[%swap3A_489, %swap3A_490] {strides = array<i32>} : memref<128x128xf32, #tpu.memory_space<vmem>>, vector<1x16xf32>,
    %swap3A_492 = vector.shape_cast %swap3A_491 : vector<1x16xf32> to vector<16xf32>
    %swap3A_493 = vector.shape_cast %broadcast_in_dim3A_487 : vector<16xf32> to vector<1x16xf32>
    tpu.vector_store %arg6[%swap3A_489, %swap3A_490], %swap3A_493 {strides = array<i32>} : memref<128x128xf32, #tpu.memory_space<vmem>>, vector<1x16xf32>,
    %broadcast_in_dim3A_494 = arith.constant 0.000000e+00 : f32
    %broadcast_in_dim3A_495 = vector.broadcast %broadcast_in_dim3A_494 : f32 to vector<16xf32>
    %swap3A_496 = arith.constant 7 : i32
    %swap3A_497 = arith.index_cast %swap3A_496 : i32 to index
    %swap3A_498 = arith.constant 96 : index
    %swap3A_499 = tpu.vector_load %arg6[%swap3A_497, %swap3A_498] {strides = array<i32>} : memref<128x128xf32, #tpu.memory_space<vmem>>, vector<1x16xf32>,
    %swap3A_500 = vector.shape_cast %swap3A_499 : vector<1x16xf32> to vector<16xf32>
    %swap3A_501 = vector.shape_cast %broadcast_in_dim3A_495 : vector<16xf32> to vector<1x16xf32>
    tpu.vector_store %arg6[%swap3A_497, %swap3A_498], %swap3A_501 {strides = array<i32>} : memref<128x128xf32, #tpu.memory_space<vmem>>, vector<1x16xf32>,
    %broadcast_in_dim3A_502 = arith.constant 0.000000e+00 : f32
    %broadcast_in_dim3A_503 = vector.broadcast %broadcast_in_dim3A_502 : f32 to vector<16xf32>
    %swap3A_504 = arith.constant 7 : i32
    %swap3A_505 = arith.index_cast %swap3A_504 : i32 to index
    %swap3A_506 = arith.constant 112 : index
    %swap3A_507 = tpu.vector_load %arg6[%swap3A_505, %swap3A_506] {strides = array<i32>} : memref<128x128xf32, #tpu.memory_space<vmem>>, vector<1x16xf32>,
    %swap3A_508 = vector.shape_cast %swap3A_507 : vector<1x16xf32> to vector<16xf32>
    %swap3A_509 = vector.shape_cast %broadcast_in_dim3A_503 : vector<16xf32> to vector<1x16xf32>
    tpu.vector_store %arg6[%swap3A_505, %swap3A_506], %swap3A_509 {strides = array<i32>} : memref<128x128xf32, #tpu.memory_space<vmem>>, vector<1x16xf32>,
    %broadcast_in_dim3A_510 = arith.constant 0.000000e+00 : f32
    %broadcast_in_dim3A_511 = vector.broadcast %broadcast_in_dim3A_510 : f32 to vector<16xf32>
    %swap3A_512 = arith.constant 8 : i32
    %swap3A_513 = arith.index_cast %swap3A_512 : i32 to index
    %swap3A_514 = arith.constant 0 : index
    %swap3A_515 = tpu.vector_load %arg6[%swap3A_513, %swap3A_514] {strides = array<i32>} : memref<128x128xf32, #tpu.memory_space<vmem>>, vector<1x16xf32>,
    %swap3A_516 = vector.shape_cast %swap3A_515 : vector<1x16xf32> to vector<16xf32>
    %swap3A_517 = vector.shape_cast %broadcast_in_dim3A_511 : vector<16xf32> to vector<1x16xf32>
    tpu.vector_store %arg6[%swap3A_513, %swap3A_514], %swap3A_517 {strides = array<i32>} : memref<128x128xf32, #tpu.memory_space<vmem>>, vector<1x16xf32>,
    %broadcast_in_dim3A_518 = arith.constant 0.000000e+00 : f32
    %broadcast_in_dim3A_519 = vector.broadcast %broadcast_in_dim3A_518 : f32 to vector<16xf32>
    %swap3A_520 = arith.constant 8 : i32
    %swap3A_521 = arith.index_cast %swap3A_520 : i32 to index
    %swap3A_522 = arith.constant 16 : index
    %swap3A_523 = tpu.vector_load %arg6[%swap3A_521, %swap3A_522] {strides = array<i32>} : memref<128x128xf32, #tpu.memory_space<vmem>>, vector<1x16xf32>,
    %swap3A_524 = vector.shape_cast %swap3A_523 : vector<1x16xf32> to vector<16xf32>
    %swap3A_525 = vector.shape_cast %broadcast_in_dim3A_519 : vector<16xf32> to vector<1x16xf32>
    tpu.vector_store %arg6[%swap3A_521, %swap3A_522], %swap3A_525 {strides = array<i32>} : memref<128x128xf32, #tpu.memory_space<vmem>>, vector<1x16xf32>,
    %broadcast_in_dim3A_526 = arith.constant 0.000000e+00 : f32
    %broadcast_in_dim3A_527 = vector.broadcast %broadcast_in_dim3A_526 : f32 to vector<16xf32>
    %swap3A_528 = arith.constant 8 : i32
    %swap3A_529 = arith.index_cast %swap3A_528 : i32 to index
    %swap3A_530 = arith.constant 32 : index
    %swap3A_531 = tpu.vector_load %arg6[%swap3A_529, %swap3A_530] {strides = array<i32>} : memref<128x128xf32, #tpu.memory_space<vmem>>, vector<1x16xf32>,
    %swap3A_532 = vector.shape_cast %swap3A_531 : vector<1x16xf32> to vector<16xf32>
    %swap3A_533 = vector.shape_cast %broadcast_in_dim3A_527 : vector<16xf32> to vector<1x16xf32>
    tpu.vector_store %arg6[%swap3A_529, %swap3A_530], %swap3A_533 {strides = array<i32>} : memref<128x128xf32, #tpu.memory_space<vmem>>, vector<1x16xf32>,
    %broadcast_in_dim3A_534 = arith.constant 0.000000e+00 : f32
    %broadcast_in_dim3A_535 = vector.broadcast %broadcast_in_dim3A_534 : f32 to vector<16xf32>
    %swap3A_536 = arith.constant 8 : i32
    %swap3A_537 = arith.index_cast %swap3A_536 : i32 to index
    %swap3A_538 = arith.constant 48 : index
    %swap3A_539 = tpu.vector_load %arg6[%swap3A_537, %swap3A_538] {strides = array<i32>} : memref<128x128xf32, #tpu.memory_space<vmem>>, vector<1x16xf32>,
    %swap3A_540 = vector.shape_cast %swap3A_539 : vector<1x16xf32> to vector<16xf32>
    %swap3A_541 = vector.shape_cast %broadcast_in_dim3A_535 : vector<16xf32> to vector<1x16xf32>
    tpu.vector_store %arg6[%swap3A_537, %swap3A_538], %swap3A_541 {strides = array<i32>} : memref<128x128xf32, #tpu.memory_space<vmem>>, vector<1x16xf32>,
    %broadcast_in_dim3A_542 = arith.constant 0.000000e+00 : f32
    %broadcast_in_dim3A_543 = vector.broadcast %broadcast_in_dim3A_542 : f32 to vector<16xf32>
    %swap3A_544 = arith.constant 8 : i32
    %swap3A_545 = arith.index_cast %swap3A_544 : i32 to index
    %swap3A_546 = arith.constant 64 : index
    %swap3A_547 = tpu.vector_load %arg6[%swap3A_545, %swap3A_546] {strides = array<i32>} : memref<128x128xf32, #tpu.memory_space<vmem>>, vector<1x16xf32>,
    %swap3A_548 = vector.shape_cast %swap3A_547 : vector<1x16xf32> to vector<16xf32>
    %swap3A_549 = vector.shape_cast %broadcast_in_dim3A_543 : vector<16xf32> to vector<1x16xf32>
    tpu.vector_store %arg6[%swap3A_545, %swap3A_546], %swap3A_549 {strides = array<i32>} : memref<128x128xf32, #tpu.memory_space<vmem>>, vector<1x16xf32>,
    %broadcast_in_dim3A_550 = arith.constant 0.000000e+00 : f32
    %broadcast_in_dim3A_551 = vector.broadcast %broadcast_in_dim3A_550 : f32 to vector<16xf32>
    %swap3A_552 = arith.constant 8 : i32
    %swap3A_553 = arith.index_cast %swap3A_552 : i32 to index
    %swap3A_554 = arith.constant 80 : index
    %swap3A_555 = tpu.vector_load %arg6[%swap3A_553, %swap3A_554] {strides = array<i32>} : memref<128x128xf32, #tpu.memory_space<vmem>>, vector<1x16xf32>,
    %swap3A_556 = vector.shape_cast %swap3A_555 : vector<1x16xf32> to vector<16xf32>
    %swap3A_557 = vector.shape_cast %broadcast_in_dim3A_551 : vector<16xf32> to vector<1x16xf32>
    tpu.vector_store %arg6[%swap3A_553, %swap3A_554], %swap3A_557 {strides = array<i32>} : memref<128x128xf32, #tpu.memory_space<vmem>>, vector<1x16xf32>,
    %broadcast_in_dim3A_558 = arith.constant 0.000000e+00 : f32
    %broadcast_in_dim3A_559 = vector.broadcast %broadcast_in_dim3A_558 : f32 to vector<16xf32>
    %swap3A_560 = arith.constant 8 : i32
    %swap3A_561 = arith.index_cast %swap3A_560 : i32 to index
    %swap3A_562 = arith.constant 96 : index
    %swap3A_563 = tpu.vector_load %arg6[%swap3A_561, %swap3A_562] {strides = array<i32>} : memref<128x128xf32, #tpu.memory_space<vmem>>, vector<1x16xf32>,
    %swap3A_564 = vector.shape_cast %swap3A_563 : vector<1x16xf32> to vector<16xf32>
    %swap3A_565 = vector.shape_cast %broadcast_in_dim3A_559 : vector<16xf32> to vector<1x16xf32>
    tpu.vector_store %arg6[%swap3A_561, %swap3A_562], %swap3A_565 {strides = array<i32>} : memref<128x128xf32, #tpu.memory_space<vmem>>, vector<1x16xf32>,
    %broadcast_in_dim3A_566 = arith.constant 0.000000e+00 : f32
    %broadcast_in_dim3A_567 = vector.broadcast %broadcast_in_dim3A_566 : f32 to vector<16xf32>
    %swap3A_568 = arith.constant 8 : i32
    %swap3A_569 = arith.index_cast %swap3A_568 : i32 to index
    %swap3A_570 = arith.constant 112 : index
    %swap3A_571 = tpu.vector_load %arg6[%swap3A_569, %swap3A_570] {strides = array<i32>} : memref<128x128xf32, #tpu.memory_space<vmem>>, vector<1x16xf32>,
    %swap3A_572 = vector.shape_cast %swap3A_571 : vector<1x16xf32> to vector<16xf32>
    %swap3A_573 = vector.shape_cast %broadcast_in_dim3A_567 : vector<16xf32> to vector<1x16xf32>
    tpu.vector_store %arg6[%swap3A_569, %swap3A_570], %swap3A_573 {strides = array<i32>} : memref<128x128xf32, #tpu.memory_space<vmem>>, vector<1x16xf32>,
    %broadcast_in_dim3A_574 = arith.constant 0.000000e+00 : f32
    %broadcast_in_dim3A_575 = vector.broadcast %broadcast_in_dim3A_574 : f32 to vector<16xf32>
    %swap3A_576 = arith.constant 9 : i32
    %swap3A_577 = arith.index_cast %swap3A_576 : i32 to index
    %swap3A_578 = arith.constant 0 : index
    %swap3A_579 = tpu.vector_load %arg6[%swap3A_577, %swap3A_578] {strides = array<i32>} : memref<128x128xf32, #tpu.memory_space<vmem>>, vector<1x16xf32>,
    %swap3A_580 = vector.shape_cast %swap3A_579 : vector<1x16xf32> to vector<16xf32>
    %swap3A_581 = vector.shape_cast %broadcast_in_dim3A_575 : vector<16xf32> to vector<1x16xf32>
    tpu.vector_store %arg6[%swap3A_577, %swap3A_578], %swap3A_581 {strides = array<i32>} : memref<128x128xf32, #tpu.memory_space<vmem>>, vector<1x16xf32>,
    %broadcast_in_dim3A_582 = arith.constant 0.000000e+00 : f32
    %broadcast_in_dim3A_583 = vector.broadcast %broadcast_in_dim3A_582 : f32 to vector<16xf32>
    %swap3A_584 = arith.constant 9 : i32
    %swap3A_585 = arith.index_cast %swap3A_584 : i32 to index
    %swap3A_586 = arith.constant 16 : index
    %swap3A_587 = tpu.vector_load %arg6[%swap3A_585, %swap3A_586] {strides = array<i32>} : memref<128x128xf32, #tpu.memory_space<vmem>>, vector<1x16xf32>,
    %swap3A_588 = vector.shape_cast %swap3A_587 : vector<1x16xf32> to vector<16xf32>
    %swap3A_589 = vector.shape_cast %broadcast_in_dim3A_583 : vector<16xf32> to vector<1x16xf32>
    tpu.vector_store %arg6[%swap3A_585, %swap3A_586], %swap3A_589 {strides = array<i32>} : memref<128x128xf32, #tpu.memory_space<vmem>>, vector<1x16xf32>,
    %broadcast_in_dim3A_590 = arith.constant 0.000000e+00 : f32
    %broadcast_in_dim3A_591 = vector.broadcast %broadcast_in_dim3A_590 : f32 to vector<16xf32>
    %swap3A_592 = arith.constant 9 : i32
    %swap3A_593 = arith.index_cast %swap3A_592 : i32 to index
    %swap3A_594 = arith.constant 32 : index
    %swap3A_595 = tpu.vector_load %arg6[%swap3A_593, %swap3A_594] {strides = array<i32>} : memref<128x128xf32, #tpu.memory_space<vmem>>, vector<1x16xf32>,
    %swap3A_596 = vector.shape_cast %swap3A_595 : vector<1x16xf32> to vector<16xf32>
    %swap3A_597 = vector.shape_cast %broadcast_in_dim3A_591 : vector<16xf32> to vector<1x16xf32>
    tpu.vector_store %arg6[%swap3A_593, %swap3A_594], %swap3A_597 {strides = array<i32>} : memref<128x128xf32, #tpu.memory_space<vmem>>, vector<1x16xf32>,
    %broadcast_in_dim3A_598 = arith.constant 0.000000e+00 : f32
    %broadcast_in_dim3A_599 = vector.broadcast %broadcast_in_dim3A_598 : f32 to vector<16xf32>
    %swap3A_600 = arith.constant 9 : i32
    %swap3A_601 = arith.index_cast %swap3A_600 : i32 to index
    %swap3A_602 = arith.constant 48 : index
    %swap3A_603 = tpu.vector_load %arg6[%swap3A_601, %swap3A_602] {strides = array<i32>} : memref<128x128xf32, #tpu.memory_space<vmem>>, vector<1x16xf32>,
    %swap3A_604 = vector.shape_cast %swap3A_603 : vector<1x16xf32> to vector<16xf32>
    %swap3A_605 = vector.shape_cast %broadcast_in_dim3A_599 : vector<16xf32> to vector<1x16xf32>
    tpu.vector_store %arg6[%swap3A_601, %swap3A_602], %swap3A_605 {strides = array<i32>} : memref<128x128xf32, #tpu.memory_space<vmem>>, vector<1x16xf32>,
    %broadcast_in_dim3A_606 = arith.constant 0.000000e+00 : f32
    %broadcast_in_dim3A_607 = vector.broadcast %broadcast_in_dim3A_606 : f32 to vector<16xf32>
    %swap3A_608 = arith.constant 9 : i32
    %swap3A_609 = arith.index_cast %swap3A_608 : i32 to index
    %swap3A_610 = arith.constant 64 : index
    %swap3A_611 = tpu.vector_load %arg6[%swap3A_609, %swap3A_610] {strides = array<i32>} : memref<128x128xf32, #tpu.memory_space<vmem>>, vector<1x16xf32>,
    %swap3A_612 = vector.shape_cast %swap3A_611 : vector<1x16xf32> to vector<16xf32>
    %swap3A_613 = vector.shape_cast %broadcast_in_dim3A_607 : vector<16xf32> to vector<1x16xf32>
    tpu.vector_store %arg6[%swap3A_609, %swap3A_610], %swap3A_613 {strides = array<i32>} : memref<128x128xf32, #tpu.memory_space<vmem>>, vector<1x16xf32>,
    %broadcast_in_dim3A_614 = arith.constant 0.000000e+00 : f32
    %broadcast_in_dim3A_615 = vector.broadcast %broadcast_in_dim3A_614 : f32 to vector<16xf32>
    %swap3A_616 = arith.constant 9 : i32
    %swap3A_617 = arith.index_cast %swap3A_616 : i32 to index
    %swap3A_618 = arith.constant 80 : index
    %swap3A_619 = tpu.vector_load %arg6[%swap3A_617, %swap3A_618] {strides = array<i32>} : memref<128x128xf32, #tpu.memory_space<vmem>>, vector<1x16xf32>,
    %swap3A_620 = vector.shape_cast %swap3A_619 : vector<1x16xf32> to vector<16xf32>
    %swap3A_621 = vector.shape_cast %broadcast_in_dim3A_615 : vector<16xf32> to vector<1x16xf32>
    tpu.vector_store %arg6[%swap3A_617, %swap3A_618], %swap3A_621 {strides = array<i32>} : memref<128x128xf32, #tpu.memory_space<vmem>>, vector<1x16xf32>,
    %broadcast_in_dim3A_622 = arith.constant 0.000000e+00 : f32
    %broadcast_in_dim3A_623 = vector.broadcast %broadcast_in_dim3A_622 : f32 to vector<16xf32>
    %swap3A_624 = arith.constant 9 : i32
    %swap3A_625 = arith.index_cast %swap3A_624 : i32 to index
    %swap3A_626 = arith.constant 96 : index
    %swap3A_627 = tpu.vector_load %arg6[%swap3A_625, %swap3A_626] {strides = array<i32>} : memref<128x128xf32, #tpu.memory_space<vmem>>, vector<1x16xf32>,
    %swap3A_628 = vector.shape_cast %swap3A_627 : vector<1x16xf32> to vector<16xf32>
    %swap3A_629 = vector.shape_cast %broadcast_in_dim3A_623 : vector<16xf32> to vector<1x16xf32>
    tpu.vector_store %arg6[%swap3A_625, %swap3A_626], %swap3A_629 {strides = array<i32>} : memref<128x128xf32, #tpu.memory_space<vmem>>, vector<1x16xf32>,
    %broadcast_in_dim3A_630 = arith.constant 0.000000e+00 : f32
    %broadcast_in_dim3A_631 = vector.broadcast %broadcast_in_dim3A_630 : f32 to vector<16xf32>
    %swap3A_632 = arith.constant 9 : i32
    %swap3A_633 = arith.index_cast %swap3A_632 : i32 to index
    %swap3A_634 = arith.constant 112 : index
    %swap3A_635 = tpu.vector_load %arg6[%swap3A_633, %swap3A_634] {strides = array<i32>} : memref<128x128xf32, #tpu.memory_space<vmem>>, vector<1x16xf32>,
    %swap3A_636 = vector.shape_cast %swap3A_635 : vector<1x16xf32> to vector<16xf32>
    %swap3A_637 = vector.shape_cast %broadcast_in_dim3A_631 : vector<16xf32> to vector<1x16xf32>
    tpu.vector_store %arg6[%swap3A_633, %swap3A_634], %swap3A_637 {strides = array<i32>} : memref<128x128xf32, #tpu.memory_space<vmem>>, vector<1x16xf32>,
    %broadcast_in_dim3A_638 = arith.constant 0.000000e+00 : f32
    %broadcast_in_dim3A_639 = vector.broadcast %broadcast_in_dim3A_638 : f32 to vector<16xf32>
    %swap3A_640 = arith.constant 10 : i32
    %swap3A_641 = arith.index_cast %swap3A_640 : i32 to index
    %swap3A_642 = arith.constant 0 : index
    %swap3A_643 = tpu.vector_load %arg6[%swap3A_641, %swap3A_642] {strides = array<i32>} : memref<128x128xf32, #tpu.memory_space<vmem>>, vector<1x16xf32>,
    %swap3A_644 = vector.shape_cast %swap3A_643 : vector<1x16xf32> to vector<16xf32>
    %swap3A_645 = vector.shape_cast %broadcast_in_dim3A_639 : vector<16xf32> to vector<1x16xf32>
    tpu.vector_store %arg6[%swap3A_641, %swap3A_642], %swap3A_645 {strides = array<i32>} : memref<128x128xf32, #tpu.memory_space<vmem>>, vector<1x16xf32>,
    %broadcast_in_dim3A_646 = arith.constant 0.000000e+00 : f32
    %broadcast_in_dim3A_647 = vector.broadcast %broadcast_in_dim3A_646 : f32 to vector<16xf32>
    %swap3A_648 = arith.constant 10 : i32
    %swap3A_649 = arith.index_cast %swap3A_648 : i32 to index
    %swap3A_650 = arith.constant 16 : index
    %swap3A_651 = tpu.vector_load %arg6[%swap3A_649, %swap3A_650] {strides = array<i32>} : memref<128x128xf32, #tpu.memory_space<vmem>>, vector<1x16xf32>,
    %swap3A_652 = vector.shape_cast %swap3A_651 : vector<1x16xf32> to vector<16xf32>
    %swap3A_653 = vector.shape_cast %broadcast_in_dim3A_647 : vector<16xf32> to vector<1x16xf32>
    tpu.vector_store %arg6[%swap3A_649, %swap3A_650], %swap3A_653 {strides = array<i32>} : memref<128x128xf32, #tpu.memory_space<vmem>>, vector<1x16xf32>,
    %broadcast_in_dim3A_654 = arith.constant 0.000000e+00 : f32
    %broadcast_in_dim3A_655 = vector.broadcast %broadcast_in_dim3A_654 : f32 to vector<16xf32>
    %swap3A_656 = arith.constant 10 : i32
    %swap3A_657 = arith.index_cast %swap3A_656 : i32 to index
    %swap3A_658 = arith.constant 32 : index
    %swap3A_659 = tpu.vector_load %arg6[%swap3A_657, %swap3A_658] {strides = array<i32>} : memref<128x128xf32, #tpu.memory_space<vmem>>, vector<1x16xf32>,
    %swap3A_660 = vector.shape_cast %swap3A_659 : vector<1x16xf32> to vector<16xf32>
    %swap3A_661 = vector.shape_cast %broadcast_in_dim3A_655 : vector<16xf32> to vector<1x16xf32>
    tpu.vector_store %arg6[%swap3A_657, %swap3A_658], %swap3A_661 {strides = array<i32>} : memref<128x128xf32, #tpu.memory_space<vmem>>, vector<1x16xf32>,
    %broadcast_in_dim3A_662 = arith.constant 0.000000e+00 : f32
    %broadcast_in_dim3A_663 = vector.broadcast %broadcast_in_dim3A_662 : f32 to vector<16xf32>
    %swap3A_664 = arith.constant 10 : i32
    %swap3A_665 = arith.index_cast %swap3A_664 : i32 to index
    %swap3A_666 = arith.constant 48 : index
    %swap3A_667 = tpu.vector_load %arg6[%swap3A_665, %swap3A_666] {strides = array<i32>} : memref<128x128xf32, #tpu.memory_space<vmem>>, vector<1x16xf32>,
    %swap3A_668 = vector.shape_cast %swap3A_667 : vector<1x16xf32> to vector<16xf32>
    %swap3A_669 = vector.shape_cast %broadcast_in_dim3A_663 : vector<16xf32> to vector<1x16xf32>
    tpu.vector_store %arg6[%swap3A_665, %swap3A_666], %swap3A_669 {strides = array<i32>} : memref<128x128xf32, #tpu.memory_space<vmem>>, vector<1x16xf32>,
    %broadcast_in_dim3A_670 = arith.constant 0.000000e+00 : f32
    %broadcast_in_dim3A_671 = vector.broadcast %broadcast_in_dim3A_670 : f32 to vector<16xf32>
    %swap3A_672 = arith.constant 10 : i32
    %swap3A_673 = arith.index_cast %swap3A_672 : i32 to index
    %swap3A_674 = arith.constant 64 : index
    %swap3A_675 = tpu.vector_load %arg6[%swap3A_673, %swap3A_674] {strides = array<i32>} : memref<128x128xf32, #tpu.memory_space<vmem>>, vector<1x16xf32>,
    %swap3A_676 = vector.shape_cast %swap3A_675 : vector<1x16xf32> to vector<16xf32>
    %swap3A_677 = vector.shape_cast %broadcast_in_dim3A_671 : vector<16xf32> to vector<1x16xf32>
    tpu.vector_store %arg6[%swap3A_673, %swap3A_674], %swap3A_677 {strides = array<i32>} : memref<128x128xf32, #tpu.memory_space<vmem>>, vector<1x16xf32>,
    %broadcast_in_dim3A_678 = arith.constant 0.000000e+00 : f32
    %broadcast_in_dim3A_679 = vector.broadcast %broadcast_in_dim3A_678 : f32 to vector<16xf32>
    %swap3A_680 = arith.constant 10 : i32
    %swap3A_681 = arith.index_cast %swap3A_680 : i32 to index
    %swap3A_682 = arith.constant 80 : index
    %swap3A_683 = tpu.vector_load %arg6[%swap3A_681, %swap3A_682] {strides = array<i32>} : memref<128x128xf32, #tpu.memory_space<vmem>>, vector<1x16xf32>,
    %swap3A_684 = vector.shape_cast %swap3A_683 : vector<1x16xf32> to vector<16xf32>
    %swap3A_685 = vector.shape_cast %broadcast_in_dim3A_679 : vector<16xf32> to vector<1x16xf32>
    tpu.vector_store %arg6[%swap3A_681, %swap3A_682], %swap3A_685 {strides = array<i32>} : memref<128x128xf32, #tpu.memory_space<vmem>>, vector<1x16xf32>,
    %broadcast_in_dim3A_686 = arith.constant 0.000000e+00 : f32
    %broadcast_in_dim3A_687 = vector.broadcast %broadcast_in_dim3A_686 : f32 to vector<16xf32>
    %swap3A_688 = arith.constant 10 : i32
    %swap3A_689 = arith.index_cast %swap3A_688 : i32 to index
    %swap3A_690 = arith.constant 96 : index
    %swap3A_691 = tpu.vector_load %arg6[%swap3A_689, %swap3A_690] {strides = array<i32>} : memref<128x128xf32, #tpu.memory_space<vmem>>, vector<1x16xf32>,
    %swap3A_692 = vector.shape_cast %swap3A_691 : vector<1x16xf32> to vector<16xf32>
    %swap3A_693 = vector.shape_cast %broadcast_in_dim3A_687 : vector<16xf32> to vector<1x16xf32>
    tpu.vector_store %arg6[%swap3A_689, %swap3A_690], %swap3A_693 {strides = array<i32>} : memref<128x128xf32, #tpu.memory_space<vmem>>, vector<1x16xf32>,
    %broadcast_in_dim3A_694 = arith.constant 0.000000e+00 : f32
    %broadcast_in_dim3A_695 = vector.broadcast %broadcast_in_dim3A_694 : f32 to vector<16xf32>
    %swap3A_696 = arith.constant 10 : i32
    %swap3A_697 = arith.index_cast %swap3A_696 : i32 to index
    %swap3A_698 = arith.constant 112 : index
    %swap3A_699 = tpu.vector_load %arg6[%swap3A_697, %swap3A_698] {strides = array<i32>} : memref<128x128xf32, #tpu.memory_space<vmem>>, vector<1x16xf32>,
    %swap3A_700 = vector.shape_cast %swap3A_699 : vector<1x16xf32> to vector<16xf32>
    %swap3A_701 = vector.shape_cast %broadcast_in_dim3A_695 : vector<16xf32> to vector<1x16xf32>
    tpu.vector_store %arg6[%swap3A_697, %swap3A_698], %swap3A_701 {strides = array<i32>} : memref<128x128xf32, #tpu.memory_space<vmem>>, vector<1x16xf32>,
    %broadcast_in_dim3A_702 = arith.constant 0.000000e+00 : f32
    %broadcast_in_dim3A_703 = vector.broadcast %broadcast_in_dim3A_702 : f32 to vector<16xf32>
    %swap3A_704 = arith.constant 11 : i32
    %swap3A_705 = arith.index_cast %swap3A_704 : i32 to index
    %swap3A_706 = arith.constant 0 : index
    %swap3A_707 = tpu.vector_load %arg6[%swap3A_705, %swap3A_706] {strides = array<i32>} : memref<128x128xf32, #tpu.memory_space<vmem>>, vector<1x16xf32>,
    %swap3A_708 = vector.shape_cast %swap3A_707 : vector<1x16xf32> to vector<16xf32>
    %swap3A_709 = vector.shape_cast %broadcast_in_dim3A_703 : vector<16xf32> to vector<1x16xf32>
    tpu.vector_store %arg6[%swap3A_705, %swap3A_706], %swap3A_709 {strides = array<i32>} : memref<128x128xf32, #tpu.memory_space<vmem>>, vector<1x16xf32>,
    %broadcast_in_dim3A_710 = arith.constant 0.000000e+00 : f32
    %broadcast_in_dim3A_711 = vector.broadcast %broadcast_in_dim3A_710 : f32 to vector<16xf32>
    %swap3A_712 = arith.constant 11 : i32
    %swap3A_713 = arith.index_cast %swap3A_712 : i32 to index
    %swap3A_714 = arith.constant 16 : index
    %swap3A_715 = tpu.vector_load %arg6[%swap3A_713, %swap3A_714] {strides = array<i32>} : memref<128x128xf32, #tpu.memory_space<vmem>>, vector<1x16xf32>,
    %swap3A_716 = vector.shape_cast %swap3A_715 : vector<1x16xf32> to vector<16xf32>
    %swap3A_717 = vector.shape_cast %broadcast_in_dim3A_711 : vector<16xf32> to vector<1x16xf32>
    tpu.vector_store %arg6[%swap3A_713, %swap3A_714], %swap3A_717 {strides = array<i32>} : memref<128x128xf32, #tpu.memory_space<vmem>>, vector<1x16xf32>,
    %broadcast_in_dim3A_718 = arith.constant 0.000000e+00 : f32
    %broadcast_in_dim3A_719 = vector.broadcast %broadcast_in_dim3A_718 : f32 to vector<16xf32>
    %swap3A_720 = arith.constant 11 : i32
    %swap3A_721 = arith.index_cast %swap3A_720 : i32 to index
    %swap3A_722 = arith.constant 32 : index
    %swap3A_723 = tpu.vector_load %arg6[%swap3A_721, %swap3A_722] {strides = array<i32>} : memref<128x128xf32, #tpu.memory_space<vmem>>, vector<1x16xf32>,
    %swap3A_724 = vector.shape_cast %swap3A_723 : vector<1x16xf32> to vector<16xf32>
    %swap3A_725 = vector.shape_cast %broadcast_in_dim3A_719 : vector<16xf32> to vector<1x16xf32>
    tpu.vector_store %arg6[%swap3A_721, %swap3A_722], %swap3A_725 {strides = array<i32>} : memref<128x128xf32, #tpu.memory_space<vmem>>, vector<1x16xf32>,
    %broadcast_in_dim3A_726 = arith.constant 0.000000e+00 : f32
    %broadcast_in_dim3A_727 = vector.broadcast %broadcast_in_dim3A_726 : f32 to vector<16xf32>
    %swap3A_728 = arith.constant 11 : i32
    %swap3A_729 = arith.index_cast %swap3A_728 : i32 to index
    %swap3A_730 = arith.constant 48 : index
    %swap3A_731 = tpu.vector_load %arg6[%swap3A_729, %swap3A_730] {strides = array<i32>} : memref<128x128xf32, #tpu.memory_space<vmem>>, vector<1x16xf32>,
    %swap3A_732 = vector.shape_cast %swap3A_731 : vector<1x16xf32> to vector<16xf32>
    %swap3A_733 = vector.shape_cast %broadcast_in_dim3A_727 : vector<16xf32> to vector<1x16xf32>
    tpu.vector_store %arg6[%swap3A_729, %swap3A_730], %swap3A_733 {strides = array<i32>} : memref<128x128xf32, #tpu.memory_space<vmem>>, vector<1x16xf32>,
    %broadcast_in_dim3A_734 = arith.constant 0.000000e+00 : f32
    %broadcast_in_dim3A_735 = vector.broadcast %broadcast_in_dim3A_734 : f32 to vector<16xf32>
    %swap3A_736 = arith.constant 11 : i32
    %swap3A_737 = arith.index_cast %swap3A_736 : i32 to index
    %swap3A_738 = arith.constant 64 : index
    %swap3A_739 = tpu.vector_load %arg6[%swap3A_737, %swap3A_738] {strides = array<i32>} : memref<128x128xf32, #tpu.memory_space<vmem>>, vector<1x16xf32>,
    %swap3A_740 = vector.shape_cast %swap3A_739 : vector<1x16xf32> to vector<16xf32>
    %swap3A_741 = vector.shape_cast %broadcast_in_dim3A_735 : vector<16xf32> to vector<1x16xf32>
    tpu.vector_store %arg6[%swap3A_737, %swap3A_738], %swap3A_741 {strides = array<i32>} : memref<128x128xf32, #tpu.memory_space<vmem>>, vector<1x16xf32>,
    %broadcast_in_dim3A_742 = arith.constant 0.000000e+00 : f32
    %broadcast_in_dim3A_743 = vector.broadcast %broadcast_in_dim3A_742 : f32 to vector<16xf32>
    %swap3A_744 = arith.constant 11 : i32
    %swap3A_745 = arith.index_cast %swap3A_744 : i32 to index
    %swap3A_746 = arith.constant 80 : index
    %swap3A_747 = tpu.vector_load %arg6[%swap3A_745, %swap3A_746] {strides = array<i32>} : memref<128x128xf32, #tpu.memory_space<vmem>>, vector<1x16xf32>,
    %swap3A_748 = vector.shape_cast %swap3A_747 : vector<1x16xf32> to vector<16xf32>
    %swap3A_749 = vector.shape_cast %broadcast_in_dim3A_743 : vector<16xf32> to vector<1x16xf32>
    tpu.vector_store %arg6[%swap3A_745, %swap3A_746], %swap3A_749 {strides = array<i32>} : memref<128x128xf32, #tpu.memory_space<vmem>>, vector<1x16xf32>,
    %broadcast_in_dim3A_750 = arith.constant 0.000000e+00 : f32
    %broadcast_in_dim3A_751 = vector.broadcast %broadcast_in_dim3A_750 : f32 to vector<16xf32>
    %swap3A_752 = arith.constant 11 : i32
    %swap3A_753 = arith.index_cast %swap3A_752 : i32 to index
    %swap3A_754 = arith.constant 96 : index
    %swap3A_755 = tpu.vector_load %arg6[%swap3A_753, %swap3A_754] {strides = array<i32>} : memref<128x128xf32, #tpu.memory_space<vmem>>, vector<1x16xf32>,
    %swap3A_756 = vector.shape_cast %swap3A_755 : vector<1x16xf32> to vector<16xf32>
    %swap3A_757 = vector.shape_cast %broadcast_in_dim3A_751 : vector<16xf32> to vector<1x16xf32>
    tpu.vector_store %arg6[%swap3A_753, %swap3A_754], %swap3A_757 {strides = array<i32>} : memref<128x128xf32, #tpu.memory_space<vmem>>, vector<1x16xf32>,
    %broadcast_in_dim3A_758 = arith.constant 0.000000e+00 : f32
    %broadcast_in_dim3A_759 = vector.broadcast %broadcast_in_dim3A_758 : f32 to vector<16xf32>
    %swap3A_760 = arith.constant 11 : i32
    %swap3A_761 = arith.index_cast %swap3A_760 : i32 to index
    %swap3A_762 = arith.constant 112 : index
    %swap3A_763 = tpu.vector_load %arg6[%swap3A_761, %swap3A_762] {strides = array<i32>} : memref<128x128xf32, #tpu.memory_space<vmem>>, vector<1x16xf32>,
    %swap3A_764 = vector.shape_cast %swap3A_763 : vector<1x16xf32> to vector<16xf32>
    %swap3A_765 = vector.shape_cast %broadcast_in_dim3A_759 : vector<16xf32> to vector<1x16xf32>
    tpu.vector_store %arg6[%swap3A_761, %swap3A_762], %swap3A_765 {strides = array<i32>} : memref<128x128xf32, #tpu.memory_space<vmem>>, vector<1x16xf32>,
    %broadcast_in_dim3A_766 = arith.constant 0.000000e+00 : f32
    %broadcast_in_dim3A_767 = vector.broadcast %broadcast_in_dim3A_766 : f32 to vector<16xf32>
    %swap3A_768 = arith.constant 12 : i32
    %swap3A_769 = arith.index_cast %swap3A_768 : i32 to index
    %swap3A_770 = arith.constant 0 : index
    %swap3A_771 = tpu.vector_load %arg6[%swap3A_769, %swap3A_770] {strides = array<i32>} : memref<128x128xf32, #tpu.memory_space<vmem>>, vector<1x16xf32>,
    %swap3A_772 = vector.shape_cast %swap3A_771 : vector<1x16xf32> to vector<16xf32>
    %swap3A_773 = vector.shape_cast %broadcast_in_dim3A_767 : vector<16xf32> to vector<1x16xf32>
    tpu.vector_store %arg6[%swap3A_769, %swap3A_770], %swap3A_773 {strides = array<i32>} : memref<128x128xf32, #tpu.memory_space<vmem>>, vector<1x16xf32>,
    %broadcast_in_dim3A_774 = arith.constant 0.000000e+00 : f32
    %broadcast_in_dim3A_775 = vector.broadcast %broadcast_in_dim3A_774 : f32 to vector<16xf32>
    %swap3A_776 = arith.constant 12 : i32
    %swap3A_777 = arith.index_cast %swap3A_776 : i32 to index
    %swap3A_778 = arith.constant 16 : index
    %swap3A_779 = tpu.vector_load %arg6[%swap3A_777, %swap3A_778] {strides = array<i32>} : memref<128x128xf32, #tpu.memory_space<vmem>>, vector<1x16xf32>,
    %swap3A_780 = vector.shape_cast %swap3A_779 : vector<1x16xf32> to vector<16xf32>
    %swap3A_781 = vector.shape_cast %broadcast_in_dim3A_775 : vector<16xf32> to vector<1x16xf32>
    tpu.vector_store %arg6[%swap3A_777, %swap3A_778], %swap3A_781 {strides = array<i32>} : memref<128x128xf32, #tpu.memory_space<vmem>>, vector<1x16xf32>,
    %broadcast_in_dim3A_782 = arith.constant 0.000000e+00 : f32
    %broadcast_in_dim3A_783 = vector.broadcast %broadcast_in_dim3A_782 : f32 to vector<16xf32>
    %swap3A_784 = arith.constant 12 : i32
    %swap3A_785 = arith.index_cast %swap3A_784 : i32 to index
    %swap3A_786 = arith.constant 32 : index
    %swap3A_787 = tpu.vector_load %arg6[%swap3A_785, %swap3A_786] {strides = array<i32>} : memref<128x128xf32, #tpu.memory_space<vmem>>, vector<1x16xf32>,
    %swap3A_788 = vector.shape_cast %swap3A_787 : vector<1x16xf32> to vector<16xf32>
    %swap3A_789 = vector.shape_cast %broadcast_in_dim3A_783 : vector<16xf32> to vector<1x16xf32>
    tpu.vector_store %arg6[%swap3A_785, %swap3A_786], %swap3A_789 {strides = array<i32>} : memref<128x128xf32, #tpu.memory_space<vmem>>, vector<1x16xf32>,
    %broadcast_in_dim3A_790 = arith.constant 0.000000e+00 : f32
    %broadcast_in_dim3A_791 = vector.broadcast %broadcast_in_dim3A_790 : f32 to vector<16xf32>
    %swap3A_792 = arith.constant 12 : i32
    %swap3A_793 = arith.index_cast %swap3A_792 : i32 to index
    %swap3A_794 = arith.constant 48 : index
    %swap3A_795 = tpu.vector_load %arg6[%swap3A_793, %swap3A_794] {strides = array<i32>} : memref<128x128xf32, #tpu.memory_space<vmem>>, vector<1x16xf32>,
    %swap3A_796 = vector.shape_cast %swap3A_795 : vector<1x16xf32> to vector<16xf32>
    %swap3A_797 = vector.shape_cast %broadcast_in_dim3A_791 : vector<16xf32> to vector<1x16xf32>
    tpu.vector_store %arg6[%swap3A_793, %swap3A_794], %swap3A_797 {strides = array<i32>} : memref<128x128xf32, #tpu.memory_space<vmem>>, vector<1x16xf32>,
    %broadcast_in_dim3A_798 = arith.constant 0.000000e+00 : f32
    %broadcast_in_dim3A_799 = vector.broadcast %broadcast_in_dim3A_798 : f32 to vector<16xf32>
    %swap3A_800 = arith.constant 12 : i32
    %swap3A_801 = arith.index_cast %swap3A_800 : i32 to index
    %swap3A_802 = arith.constant 64 : index
    %swap3A_803 = tpu.vector_load %arg6[%swap3A_801, %swap3A_802] {strides = array<i32>} : memref<128x128xf32, #tpu.memory_space<vmem>>, vector<1x16xf32>,
    %swap3A_804 = vector.shape_cast %swap3A_803 : vector<1x16xf32> to vector<16xf32>
    %swap3A_805 = vector.shape_cast %broadcast_in_dim3A_799 : vector<16xf32> to vector<1x16xf32>
    tpu.vector_store %arg6[%swap3A_801, %swap3A_802], %swap3A_805 {strides = array<i32>} : memref<128x128xf32, #tpu.memory_space<vmem>>, vector<1x16xf32>,
    %broadcast_in_dim3A_806 = arith.constant 0.000000e+00 : f32
    %broadcast_in_dim3A_807 = vector.broadcast %broadcast_in_dim3A_806 : f32 to vector<16xf32>
    %swap3A_808 = arith.constant 12 : i32
    %swap3A_809 = arith.index_cast %swap3A_808 : i32 to index
    %swap3A_810 = arith.constant 80 : index
    %swap3A_811 = tpu.vector_load %arg6[%swap3A_809, %swap3A_810] {strides = array<i32>} : memref<128x128xf32, #tpu.memory_space<vmem>>, vector<1x16xf32>,
    %swap3A_812 = vector.shape_cast %swap3A_811 : vector<1x16xf32> to vector<16xf32>
    %swap3A_813 = vector.shape_cast %broadcast_in_dim3A_807 : vector<16xf32> to vector<1x16xf32>
    tpu.vector_store %arg6[%swap3A_809, %swap3A_810], %swap3A_813 {strides = array<i32>} : memref<128x128xf32, #tpu.memory_space<vmem>>, vector<1x16xf32>,
    %broadcast_in_dim3A_814 = arith.constant 0.000000e+00 : f32
    %broadcast_in_dim3A_815 = vector.broadcast %broadcast_in_dim3A_814 : f32 to vector<16xf32>
    %swap3A_816 = arith.constant 12 : i32
    %swap3A_817 = arith.index_cast %swap3A_816 : i32 to index
    %swap3A_818 = arith.constant 96 : index
    %swap3A_819 = tpu.vector_load %arg6[%swap3A_817, %swap3A_818] {strides = array<i32>} : memref<128x128xf32, #tpu.memory_space<vmem>>, vector<1x16xf32>,
    %swap3A_820 = vector.shape_cast %swap3A_819 : vector<1x16xf32> to vector<16xf32>
    %swap3A_821 = vector.shape_cast %broadcast_in_dim3A_815 : vector<16xf32> to vector<1x16xf32>
    tpu.vector_store %arg6[%swap3A_817, %swap3A_818], %swap3A_821 {strides = array<i32>} : memref<128x128xf32, #tpu.memory_space<vmem>>, vector<1x16xf32>,
    %broadcast_in_dim3A_822 = arith.constant 0.000000e+00 : f32
    %broadcast_in_dim3A_823 = vector.broadcast %broadcast_in_dim3A_822 : f32 to vector<16xf32>
    %swap3A_824 = arith.constant 12 : i32
    %swap3A_825 = arith.index_cast %swap3A_824 : i32 to index
    %swap3A_826 = arith.constant 112 : index
    %swap3A_827 = tpu.vector_load %arg6[%swap3A_825, %swap3A_826] {strides = array<i32>} : memref<128x128xf32, #tpu.memory_space<vmem>>, vector<1x16xf32>,
    %swap3A_828 = vector.shape_cast %swap3A_827 : vector<1x16xf32> to vector<16xf32>
    %swap3A_829 = vector.shape_cast %broadcast_in_dim3A_823 : vector<16xf32> to vector<1x16xf32>
    tpu.vector_store %arg6[%swap3A_825, %swap3A_826], %swap3A_829 {strides = array<i32>} : memref<128x128xf32, #tpu.memory_space<vmem>>, vector<1x16xf32>,
    %broadcast_in_dim3A_830 = arith.constant 0.000000e+00 : f32
    %broadcast_in_dim3A_831 = vector.broadcast %broadcast_in_dim3A_830 : f32 to vector<16xf32>
    %swap3A_832 = arith.constant 13 : i32
    %swap3A_833 = arith.index_cast %swap3A_832 : i32 to index
    %swap3A_834 = arith.constant 0 : index
    %swap3A_835 = tpu.vector_load %arg6[%swap3A_833, %swap3A_834] {strides = array<i32>} : memref<128x128xf32, #tpu.memory_space<vmem>>, vector<1x16xf32>,
    %swap3A_836 = vector.shape_cast %swap3A_835 : vector<1x16xf32> to vector<16xf32>
    %swap3A_837 = vector.shape_cast %broadcast_in_dim3A_831 : vector<16xf32> to vector<1x16xf32>
    tpu.vector_store %arg6[%swap3A_833, %swap3A_834], %swap3A_837 {strides = array<i32>} : memref<128x128xf32, #tpu.memory_space<vmem>>, vector<1x16xf32>,
    %broadcast_in_dim3A_838 = arith.constant 0.000000e+00 : f32
    %broadcast_in_dim3A_839 = vector.broadcast %broadcast_in_dim3A_838 : f32 to vector<16xf32>
    %swap3A_840 = arith.constant 13 : i32
    %swap3A_841 = arith.index_cast %swap3A_840 : i32 to index
    %swap3A_842 = arith.constant 16 : index
    %swap3A_843 = tpu.vector_load %arg6[%swap3A_841, %swap3A_842] {strides = array<i32>} : memref<128x128xf32, #tpu.memory_space<vmem>>, vector<1x16xf32>,
    %swap3A_844 = vector.shape_cast %swap3A_843 : vector<1x16xf32> to vector<16xf32>
    %swap3A_845 = vector.shape_cast %broadcast_in_dim3A_839 : vector<16xf32> to vector<1x16xf32>
    tpu.vector_store %arg6[%swap3A_841, %swap3A_842], %swap3A_845 {strides = array<i32>} : memref<128x128xf32, #tpu.memory_space<vmem>>, vector<1x16xf32>,
    %broadcast_in_dim3A_846 = arith.constant 0.000000e+00 : f32
    %broadcast_in_dim3A_847 = vector.broadcast %broadcast_in_dim3A_846 : f32 to vector<16xf32>
    %swap3A_848 = arith.constant 13 : i32
    %swap3A_849 = arith.index_cast %swap3A_848 : i32 to index
    %swap3A_850 = arith.constant 32 : index
    %swap3A_851 = tpu.vector_load %arg6[%swap3A_849, %swap3A_850] {strides = array<i32>} : memref<128x128xf32, #tpu.memory_space<vmem>>, vector<1x16xf32>,
    %swap3A_852 = vector.shape_cast %swap3A_851 : vector<1x16xf32> to vector<16xf32>
    %swap3A_853 = vector.shape_cast %broadcast_in_dim3A_847 : vector<16xf32> to vector<1x16xf32>
    tpu.vector_store %arg6[%swap3A_849, %swap3A_850], %swap3A_853 {strides = array<i32>} : memref<128x128xf32, #tpu.memory_space<vmem>>, vector<1x16xf32>,
    %broadcast_in_dim3A_854 = arith.constant 0.000000e+00 : f32
    %broadcast_in_dim3A_855 = vector.broadcast %broadcast_in_dim3A_854 : f32 to vector<16xf32>
    %swap3A_856 = arith.constant 13 : i32
    %swap3A_857 = arith.index_cast %swap3A_856 : i32 to index
    %swap3A_858 = arith.constant 48 : index
    %swap3A_859 = tpu.vector_load %arg6[%swap3A_857, %swap3A_858] {strides = array<i32>} : memref<128x128xf32, #tpu.memory_space<vmem>>, vector<1x16xf32>,
    %swap3A_860 = vector.shape_cast %swap3A_859 : vector<1x16xf32> to vector<16xf32>
    %swap3A_861 = vector.shape_cast %broadcast_in_dim3A_855 : vector<16xf32> to vector<1x16xf32>
    tpu.vector_store %arg6[%swap3A_857, %swap3A_858], %swap3A_861 {strides = array<i32>} : memref<128x128xf32, #tpu.memory_space<vmem>>, vector<1x16xf32>,
    %broadcast_in_dim3A_862 = arith.constant 0.000000e+00 : f32
    %broadcast_in_dim3A_863 = vector.broadcast %broadcast_in_dim3A_862 : f32 to vector<16xf32>
    %swap3A_864 = arith.constant 13 : i32
    %swap3A_865 = arith.index_cast %swap3A_864 : i32 to index
    %swap3A_866 = arith.constant 64 : index
    %swap3A_867 = tpu.vector_load %arg6[%swap3A_865, %swap3A_866] {strides = array<i32>} : memref<128x128xf32, #tpu.memory_space<vmem>>, vector<1x16xf32>,
    %swap3A_868 = vector.shape_cast %swap3A_867 : vector<1x16xf32> to vector<16xf32>
    %swap3A_869 = vector.shape_cast %broadcast_in_dim3A_863 : vector<16xf32> to vector<1x16xf32>
    tpu.vector_store %arg6[%swap3A_865, %swap3A_866], %swap3A_869 {strides = array<i32>} : memref<128x128xf32, #tpu.memory_space<vmem>>, vector<1x16xf32>,
    %broadcast_in_dim3A_870 = arith.constant 0.000000e+00 : f32
    %broadcast_in_dim3A_871 = vector.broadcast %broadcast_in_dim3A_870 : f32 to vector<16xf32>
    %swap3A_872 = arith.constant 13 : i32
    %swap3A_873 = arith.index_cast %swap3A_872 : i32 to index
    %swap3A_874 = arith.constant 80 : index
    %swap3A_875 = tpu.vector_load %arg6[%swap3A_873, %swap3A_874] {strides = array<i32>} : memref<128x128xf32, #tpu.memory_space<vmem>>, vector<1x16xf32>,
    %swap3A_876 = vector.shape_cast %swap3A_875 : vector<1x16xf32> to vector<16xf32>
    %swap3A_877 = vector.shape_cast %broadcast_in_dim3A_871 : vector<16xf32> to vector<1x16xf32>
    tpu.vector_store %arg6[%swap3A_873, %swap3A_874], %swap3A_877 {strides = array<i32>} : memref<128x128xf32, #tpu.memory_space<vmem>>, vector<1x16xf32>,
    %broadcast_in_dim3A_878 = arith.constant 0.000000e+00 : f32
    %broadcast_in_dim3A_879 = vector.broadcast %broadcast_in_dim3A_878 : f32 to vector<16xf32>
    %swap3A_880 = arith.constant 13 : i32
    %swap3A_881 = arith.index_cast %swap3A_880 : i32 to index
    %swap3A_882 = arith.constant 96 : index
    %swap3A_883 = tpu.vector_load %arg6[%swap3A_881, %swap3A_882] {strides = array<i32>} : memref<128x128xf32, #tpu.memory_space<vmem>>, vector<1x16xf32>,
    %swap3A_884 = vector.shape_cast %swap3A_883 : vector<1x16xf32> to vector<16xf32>
    %swap3A_885 = vector.shape_cast %broadcast_in_dim3A_879 : vector<16xf32> to vector<1x16xf32>
    tpu.vector_store %arg6[%swap3A_881, %swap3A_882], %swap3A_885 {strides = array<i32>} : memref<128x128xf32, #tpu.memory_space<vmem>>, vector<1x16xf32>,
    %broadcast_in_dim3A_886 = arith.constant 0.000000e+00 : f32
    %broadcast_in_dim3A_887 = vector.broadcast %broadcast_in_dim3A_886 : f32 to vector<16xf32>
    %swap3A_888 = arith.constant 13 : i32
    %swap3A_889 = arith.index_cast %swap3A_888 : i32 to index
    %swap3A_890 = arith.constant 112 : index
    %swap3A_891 = tpu.vector_load %arg6[%swap3A_889, %swap3A_890] {strides = array<i32>} : memref<128x128xf32, #tpu.memory_space<vmem>>, vector<1x16xf32>,
    %swap3A_892 = vector.shape_cast %swap3A_891 : vector<1x16xf32> to vector<16xf32>
    %swap3A_893 = vector.shape_cast %broadcast_in_dim3A_887 : vector<16xf32> to vector<1x16xf32>
    tpu.vector_store %arg6[%swap3A_889, %swap3A_890], %swap3A_893 {strides = array<i32>} : memref<128x128xf32, #tpu.memory_space<vmem>>, vector<1x16xf32>,
    %broadcast_in_dim3A_894 = arith.constant 0.000000e+00 : f32
    %broadcast_in_dim3A_895 = vector.broadcast %broadcast_in_dim3A_894 : f32 to vector<16xf32>
    %swap3A_896 = arith.constant 14 : i32
    %swap3A_897 = arith.index_cast %swap3A_896 : i32 to index
    %swap3A_898 = arith.constant 0 : index
    %swap3A_899 = tpu.vector_load %arg6[%swap3A_897, %swap3A_898] {strides = array<i32>} : memref<128x128xf32, #tpu.memory_space<vmem>>, vector<1x16xf32>,
    %swap3A_900 = vector.shape_cast %swap3A_899 : vector<1x16xf32> to vector<16xf32>
    %swap3A_901 = vector.shape_cast %broadcast_in_dim3A_895 : vector<16xf32> to vector<1x16xf32>
    tpu.vector_store %arg6[%swap3A_897, %swap3A_898], %swap3A_901 {strides = array<i32>} : memref<128x128xf32, #tpu.memory_space<vmem>>, vector<1x16xf32>,
    %broadcast_in_dim3A_902 = arith.constant 0.000000e+00 : f32
    %broadcast_in_dim3A_903 = vector.broadcast %broadcast_in_dim3A_902 : f32 to vector<16xf32>
    %swap3A_904 = arith.constant 14 : i32
    %swap3A_905 = arith.index_cast %swap3A_904 : i32 to index
    %swap3A_906 = arith.constant 16 : index
    %swap3A_907 = tpu.vector_load %arg6[%swap3A_905, %swap3A_906] {strides = array<i32>} : memref<128x128xf32, #tpu.memory_space<vmem>>, vector<1x16xf32>,
    %swap3A_908 = vector.shape_cast %swap3A_907 : vector<1x16xf32> to vector<16xf32>
    %swap3A_909 = vector.shape_cast %broadcast_in_dim3A_903 : vector<16xf32> to vector<1x16xf32>
    tpu.vector_store %arg6[%swap3A_905, %swap3A_906], %swap3A_909 {strides = array<i32>} : memref<128x128xf32, #tpu.memory_space<vmem>>, vector<1x16xf32>,
    %broadcast_in_dim3A_910 = arith.constant 0.000000e+00 : f32
    %broadcast_in_dim3A_911 = vector.broadcast %broadcast_in_dim3A_910 : f32 to vector<16xf32>
    %swap3A_912 = arith.constant 14 : i32
    %swap3A_913 = arith.index_cast %swap3A_912 : i32 to index
    %swap3A_914 = arith.constant 32 : index
    %swap3A_915 = tpu.vector_load %arg6[%swap3A_913, %swap3A_914] {strides = array<i32>} : memref<128x128xf32, #tpu.memory_space<vmem>>, vector<1x16xf32>,
    %swap3A_916 = vector.shape_cast %swap3A_915 : vector<1x16xf32> to vector<16xf32>
    %swap3A_917 = vector.shape_cast %broadcast_in_dim3A_911 : vector<16xf32> to vector<1x16xf32>
    tpu.vector_store %arg6[%swap3A_913, %swap3A_914], %swap3A_917 {strides = array<i32>} : memref<128x128xf32, #tpu.memory_space<vmem>>, vector<1x16xf32>,
    %broadcast_in_dim3A_918 = arith.constant 0.000000e+00 : f32
    %broadcast_in_dim3A_919 = vector.broadcast %broadcast_in_dim3A_918 : f32 to vector<16xf32>
    %swap3A_920 = arith.constant 14 : i32
    %swap3A_921 = arith.index_cast %swap3A_920 : i32 to index
    %swap3A_922 = arith.constant 48 : index
    %swap3A_923 = tpu.vector_load %arg6[%swap3A_921, %swap3A_922] {strides = array<i32>} : memref<128x128xf32, #tpu.memory_space<vmem>>, vector<1x16xf32>,
    %swap3A_924 = vector.shape_cast %swap3A_923 : vector<1x16xf32> to vector<16xf32>
    %swap3A_925 = vector.shape_cast %broadcast_in_dim3A_919 : vector<16xf32> to vector<1x16xf32>
    tpu.vector_store %arg6[%swap3A_921, %swap3A_922], %swap3A_925 {strides = array<i32>} : memref<128x128xf32, #tpu.memory_space<vmem>>, vector<1x16xf32>,
    %broadcast_in_dim3A_926 = arith.constant 0.000000e+00 : f32
    %broadcast_in_dim3A_927 = vector.broadcast %broadcast_in_dim3A_926 : f32 to vector<16xf32>
    %swap3A_928 = arith.constant 14 : i32
    %swap3A_929 = arith.index_cast %swap3A_928 : i32 to index
    %swap3A_930 = arith.constant 64 : index
    %swap3A_931 = tpu.vector_load %arg6[%swap3A_929, %swap3A_930] {strides = array<i32>} : memref<128x128xf32, #tpu.memory_space<vmem>>, vector<1x16xf32>,
    %swap3A_932 = vector.shape_cast %swap3A_931 : vector<1x16xf32> to vector<16xf32>
    %swap3A_933 = vector.shape_cast %broadcast_in_dim3A_927 : vector<16xf32> to vector<1x16xf32>
    tpu.vector_store %arg6[%swap3A_929, %swap3A_930], %swap3A_933 {strides = array<i32>} : memref<128x128xf32, #tpu.memory_space<vmem>>, vector<1x16xf32>,
    %broadcast_in_dim3A_934 = arith.constant 0.000000e+00 : f32
    %broadcast_in_dim3A_935 = vector.broadcast %broadcast_in_dim3A_934 : f32 to vector<16xf32>
    %swap3A_936 = arith.constant 14 : i32
    %swap3A_937 = arith.index_cast %swap3A_936 : i32 to index
    %swap3A_938 = arith.constant 80 : index
    %swap3A_939 = tpu.vector_load %arg6[%swap3A_937, %swap3A_938] {strides = array<i32>} : memref<128x128xf32, #tpu.memory_space<vmem>>, vector<1x16xf32>,
    %swap3A_940 = vector.shape_cast %swap3A_939 : vector<1x16xf32> to vector<16xf32>
    %swap3A_941 = vector.shape_cast %broadcast_in_dim3A_935 : vector<16xf32> to vector<1x16xf32>
    tpu.vector_store %arg6[%swap3A_937, %swap3A_938], %swap3A_941 {strides = array<i32>} : memref<128x128xf32, #tpu.memory_space<vmem>>, vector<1x16xf32>,
    %broadcast_in_dim3A_942 = arith.constant 0.000000e+00 : f32
    %broadcast_in_dim3A_943 = vector.broadcast %broadcast_in_dim3A_942 : f32 to vector<16xf32>
    %swap3A_944 = arith.constant 14 : i32
    %swap3A_945 = arith.index_cast %swap3A_944 : i32 to index
    %swap3A_946 = arith.constant 96 : index
    %swap3A_947 = tpu.vector_load %arg6[%swap3A_945, %swap3A_946] {strides = array<i32>} : memref<128x128xf32, #tpu.memory_space<vmem>>, vector<1x16xf32>,
    %swap3A_948 = vector.shape_cast %swap3A_947 : vector<1x16xf32> to vector<16xf32>
    %swap3A_949 = vector.shape_cast %broadcast_in_dim3A_943 : vector<16xf32> to vector<1x16xf32>
    tpu.vector_store %arg6[%swap3A_945, %swap3A_946], %swap3A_949 {strides = array<i32>} : memref<128x128xf32, #tpu.memory_space<vmem>>, vector<1x16xf32>,
    %broadcast_in_dim3A_950 = arith.constant 0.000000e+00 : f32
    %broadcast_in_dim3A_951 = vector.broadcast %broadcast_in_dim3A_950 : f32 to vector<16xf32>
    %swap3A_952 = arith.constant 14 : i32
    %swap3A_953 = arith.index_cast %swap3A_952 : i32 to index
    %swap3A_954 = arith.constant 112 : index
    %swap3A_955 = tpu.vector_load %arg6[%swap3A_953, %swap3A_954] {strides = array<i32>} : memref<128x128xf32, #tpu.memory_space<vmem>>, vector<1x16xf32>,
    %swap3A_956 = vector.shape_cast %swap3A_955 : vector<1x16xf32> to vector<16xf32>
    %swap3A_957 = vector.shape_cast %broadcast_in_dim3A_951 : vector<16xf32> to vector<1x16xf32>
    tpu.vector_store %arg6[%swap3A_953, %swap3A_954], %swap3A_957 {strides = array<i32>} : memref<128x128xf32, #tpu.memory_space<vmem>>, vector<1x16xf32>,
    %broadcast_in_dim3A_958 = arith.constant 0.000000e+00 : f32
    %broadcast_in_dim3A_959 = vector.broadcast %broadcast_in_dim3A_958 : f32 to vector<16xf32>
    %swap3A_960 = arith.constant 15 : i32
    %swap3A_961 = arith.index_cast %swap3A_960 : i32 to index
    %swap3A_962 = arith.constant 0 : index
    %swap3A_963 = tpu.vector_load %arg6[%swap3A_961, %swap3A_962] {strides = array<i32>} : memref<128x128xf32, #tpu.memory_space<vmem>>, vector<1x16xf32>,
    %swap3A_964 = vector.shape_cast %swap3A_963 : vector<1x16xf32> to vector<16xf32>
    %swap3A_965 = vector.shape_cast %broadcast_in_dim3A_959 : vector<16xf32> to vector<1x16xf32>
    tpu.vector_store %arg6[%swap3A_961, %swap3A_962], %swap3A_965 {strides = array<i32>} : memref<128x128xf32, #tpu.memory_space<vmem>>, vector<1x16xf32>,
    %broadcast_in_dim3A_966 = arith.constant 0.000000e+00 : f32
    %broadcast_in_dim3A_967 = vector.broadcast %broadcast_in_dim3A_966 : f32 to vector<16xf32>
    %swap3A_968 = arith.constant 15 : i32
    %swap3A_969 = arith.index_cast %swap3A_968 : i32 to index
    %swap3A_970 = arith.constant 16 : index
    %swap3A_971 = tpu.vector_load %arg6[%swap3A_969, %swap3A_970] {strides = array<i32>} : memref<128x128xf32, #tpu.memory_space<vmem>>, vector<1x16xf32>,
    %swap3A_972 = vector.shape_cast %swap3A_971 : vector<1x16xf32> to vector<16xf32>
    %swap3A_973 = vector.shape_cast %broadcast_in_dim3A_967 : vector<16xf32> to vector<1x16xf32>
    tpu.vector_store %arg6[%swap3A_969, %swap3A_970], %swap3A_973 {strides = array<i32>} : memref<128x128xf32, #tpu.memory_space<vmem>>, vector<1x16xf32>,
    %broadcast_in_dim3A_974 = arith.constant 0.000000e+00 : f32
    %broadcast_in_dim3A_975 = vector.broadcast %broadcast_in_dim3A_974 : f32 to vector<16xf32>
    %swap3A_976 = arith.constant 15 : i32
    %swap3A_977 = arith.index_cast %swap3A_976 : i32 to index
    %swap3A_978 = arith.constant 32 : index
    %swap3A_979 = tpu.vector_load %arg6[%swap3A_977, %swap3A_978] {strides = array<i32>} : memref<128x128xf32, #tpu.memory_space<vmem>>, vector<1x16xf32>,
    %swap3A_980 = vector.shape_cast %swap3A_979 : vector<1x16xf32> to vector<16xf32>
    %swap3A_981 = vector.shape_cast %broadcast_in_dim3A_975 : vector<16xf32> to vector<1x16xf32>
    tpu.vector_store %arg6[%swap3A_977, %swap3A_978], %swap3A_981 {strides = array<i32>} : memref<128x128xf32, #tpu.memory_space<vmem>>, vector<1x16xf32>,
    %broadcast_in_dim3A_982 = arith.constant 0.000000e+00 : f32
    %broadcast_in_dim3A_983 = vector.broadcast %broadcast_in_dim3A_982 : f32 to vector<16xf32>
    %swap3A_984 = arith.constant 15 : i32
    %swap3A_985 = arith.index_cast %swap3A_984 : i32 to index
    %swap3A_986 = arith.constant 48 : index
    %swap3A_987 = tpu.vector_load %arg6[%swap3A_985, %swap3A_986] {strides = array<i32>} : memref<128x128xf32, #tpu.memory_space<vmem>>, vector<1x16xf32>,
    %swap3A_988 = vector.shape_cast %swap3A_987 : vector<1x16xf32> to vector<16xf32>
    %swap3A_989 = vector.shape_cast %broadcast_in_dim3A_983 : vector<16xf32> to vector<1x16xf32>
    tpu.vector_store %arg6[%swap3A_985, %swap3A_986], %swap3A_989 {strides = array<i32>} : memref<128x128xf32, #tpu.memory_space<vmem>>, vector<1x16xf32>,
    %broadcast_in_dim3A_990 = arith.constant 0.000000e+00 : f32
    %broadcast_in_dim3A_991 = vector.broadcast %broadcast_in_dim3A_990 : f32 to vector<16xf32>
    %swap3A_992 = arith.constant 15 : i32
    %swap3A_993 = arith.index_cast %swap3A_992 : i32 to index
    %swap3A_994 = arith.constant 64 : index
    %swap3A_995 = tpu.vector_load %arg6[%swap3A_993, %swap3A_994] {strides = array<i32>} : memref<128x128xf32, #tpu.memory_space<vmem>>, vector<1x16xf32>,
    %swap3A_996 = vector.shape_cast %swap3A_995 : vector<1x16xf32> to vector<16xf32>
    %swap3A_997 = vector.shape_cast %broadcast_in_dim3A_991 : vector<16xf32> to vector<1x16xf32>
    tpu.vector_store %arg6[%swap3A_993, %swap3A_994], %swap3A_997 {strides = array<i32>} : memref<128x128xf32, #tpu.memory_space<vmem>>, vector<1x16xf32>,
    %broadcast_in_dim3A_998 = arith.constant 0.000000e+00 : f32
    %broadcast_in_dim3A_999 = vector.broadcast %broadcast_in_dim3A_998 : f32 to vector<16xf32>
    %swap3A_1000 = arith.constant 15 : i32
    %swap3A_1001 = arith.index_cast %swap3A_1000 : i32 to index
    %swap3A_1002 = arith.constant 80 : index
    %swap3A_1003 = tpu.vector_load %arg6[%swap3A_1001, %swap3A_1002] {strides = array<i32>} : memref<128x128xf32, #tpu.memory_space<vmem>>, vector<1x16xf32>,
    %swap3A_1004 = vector.shape_cast %swap3A_1003 : vector<1x16xf32> to vector<16xf32>
    %swap3A_1005 = vector.shape_cast %broadcast_in_dim3A_999 : vector<16xf32> to vector<1x16xf32>
    tpu.vector_store %arg6[%swap3A_1001, %swap3A_1002], %swap3A_1005 {strides = array<i32>} : memref<128x128xf32, #tpu.memory_space<vmem>>, vector<1x16xf32>,
    %broadcast_in_dim3A_1006 = arith.constant 0.000000e+00 : f32
    %broadcast_in_dim3A_1007 = vector.broadcast %broadcast_in_dim3A_1006 : f32 to vector<16xf32>
    %swap3A_1008 = arith.constant 15 : i32
    %swap3A_1009 = arith.index_cast %swap3A_1008 : i32 to index
    %swap3A_1010 = arith.constant 96 : index
    %swap3A_1011 = tpu.vector_load %arg6[%swap3A_1009, %swap3A_1010] {strides = array<i32>} : memref<128x128xf32, #tpu.memory_space<vmem>>, vector<1x16xf32>,
    %swap3A_1012 = vector.shape_cast %swap3A_1011 : vector<1x16xf32> to vector<16xf32>
    %swap3A_1013 = vector.shape_cast %broadcast_in_dim3A_1007 : vector<16xf32> to vector<1x16xf32>
    tpu.vector_store %arg6[%swap3A_1009, %swap3A_1010], %swap3A_1013 {strides = array<i32>} : memref<128x128xf32, #tpu.memory_space<vmem>>, vector<1x16xf32>,
    %broadcast_in_dim3A_1014 = arith.constant 0.000000e+00 : f32
    %broadcast_in_dim3A_1015 = vector.broadcast %broadcast_in_dim3A_1014 : f32 to vector<16xf32>
    %swap3A_1016 = arith.constant 15 : i32
    %swap3A_1017 = arith.index_cast %swap3A_1016 : i32 to index
    %swap3A_1018 = arith.constant 112 : index
    %swap3A_1019 = tpu.vector_load %arg6[%swap3A_1017, %swap3A_1018] {strides = array<i32>} : memref<128x128xf32, #tpu.memory_space<vmem>>, vector<1x16xf32>,
    %swap3A_1020 = vector.shape_cast %swap3A_1019 : vector<1x16xf32> to vector<16xf32>
    %swap3A_1021 = vector.shape_cast %broadcast_in_dim3A_1015 : vector<16xf32> to vector<1x16xf32>
    tpu.vector_store %arg6[%swap3A_1017, %swap3A_1018], %swap3A_1021 {strides = array<i32>} : memref<128x128xf32, #tpu.memory_space<vmem>>, vector<1x16xf32>,
    %scan3A = arith.constant 0 : i32
    %scan3A_1022 = arith.constant 0 : i32
    %scan3A_1023 = arith.constant 40 : i32
    %scan3A_1024 = arith.addi %scan3A_1022, %scan3A_1023 : i32
    %scan3A_1025 = arith.constant 1 : i32
    scf.for %scan3A_1199 = %scan3A_1022 to %scan3A_1024 step %scan3A_1025  : i32 {
      %mul3A_1200 = arith.constant 640 : i32
      %mul3A_1201 = arith.muli %arg1, %mul3A_1200 : i32
      %mul3A_1202 = arith.constant 16 : i32
      %mul3A_1203 = arith.muli %scan3A_1199, %mul3A_1202 : i32
      %add3A = arith.addi %mul3A_1201, %mul3A_1203 : i32
      "tpu.region"() ({
        %run_scoped3A = tpu.sem_alloc : memref<!tpu.dma_semaphore, #tpu.memory_space<semaphore_mem>>
        %dma_start3A_1204 = arith.constant 0 : i32
        %dma_start3A_1205 = arith.constant 0 : i32
        %dma_start3A_1206 = tpu.memref_slice %arg6[%dma_start3A_1204, %dma_start3A_1205] : memref<128x128xf32, #tpu.memory_space<vmem>> -> memref<16x128xf32, #tpu.memory_space<vmem>>
        %dma_start3A_1207 = arith.constant 0 : i32
        %dma_start3A_1208 = tpu.memref_slice %arg8[%add3A, %dma_start3A_1207] : memref<10240x128xf32, #tpu.memory_space<vmem_shared>> -> memref<16x128xf32, #tpu.memory_space<vmem_shared>>
        %dma_start3A_1209 = arith.constant 0 : i32
        %dma_start3A_1210 = tpu.memref_slice %arg8[%add3A, %dma_start3A_1209] : memref<10240x128xf32, #tpu.memory_space<vmem_shared>> -> memref<16x128xf32, #tpu.memory_space<vmem_shared>>
        %dma_start3A_1211 = arith.constant 0 : i32
        %dma_start3A_1212 = arith.constant 0 : i32
        %dma_start3A_1213 = tpu.memref_slice %arg6[%dma_start3A_1211, %dma_start3A_1212] : memref<128x128xf32, #tpu.memory_space<vmem>> -> memref<16x128xf32, #tpu.memory_space<vmem>>
        tpu.enqueue_dma source(%dma_start3A_1213 : memref<16x128xf32, #tpu.memory_space<vmem>>) target(%dma_start3A_1210 : memref<16x128xf32, #tpu.memory_space<vmem_shared>>) target_semaphore(%run_scoped3A : memref<!tpu.dma_semaphore, #tpu.memory_space<semaphore_mem>>)
        %dma_wait3A_1214 = arith.constant 0 : i32
        %dma_wait3A_1215 = arith.constant 0 : i32
        %dma_wait3A_1216 = tpu.memref_slice %arg6[%dma_wait3A_1214, %dma_wait3A_1215] : memref<128x128xf32, #tpu.memory_space<vmem>> -> memref<16x128xf32, #tpu.memory_space<vmem>>
        %dma_wait3A_1217 = arith.constant 0 : i32
        %dma_wait3A_1218 = tpu.memref_slice %arg8[%add3A, %dma_wait3A_1217] : memref<10240x128xf32, #tpu.memory_space<vmem_shared>> -> memref<16x128xf32, #tpu.memory_space<vmem_shared>>
        %dma_wait3A_1219 = arith.constant 0 : i32
        %dma_wait3A_1220 = tpu.memref_slice %arg8[%add3A, %dma_wait3A_1219] : memref<10240x128xf32, #tpu.memory_space<vmem_shared>> -> memref<16x128xf32, #tpu.memory_space<vmem_shared>>
        %dma_wait3A_1221 = arith.constant 0 : i32
        %dma_wait3A_1222 = arith.constant 0 : i32
        %dma_wait3A_1223 = tpu.memref_slice %arg6[%dma_wait3A_1221, %dma_wait3A_1222] : memref<128x128xf32, #tpu.memory_space<vmem>> -> memref<16x128xf32, #tpu.memory_space<vmem>>
        tpu.wait_dma2 semaphore(%run_scoped3A : memref<!tpu.dma_semaphore, #tpu.memory_space<semaphore_mem>>) src(%dma_wait3A_1223 : memref<16x128xf32, #tpu.memory_space<vmem>>) dst(%dma_wait3A_1220 : memref<16x128xf32, #tpu.memory_space<vmem_shared>>)
        tpu.yield
      }) : () -> ()
    }
    %scan3A_1026 = arith.constant 40 : i32
    %barrier3A = arith.constant 0 : index
    tpu.barrier barrier_id(%barrier3A)
    %dma_start3A = arith.constant 0 : i32
    %dma_start3A_1027 = arith.constant 0 : i32
    %dma_start3A_1028 = arith.constant 0 : i32
    %dma_start3A_1029 = tpu.memref_slice %arg5[%dma_start3A_1027, %dma_start3A_1028] : memref<16x128xi32, #tpu.memory_space<vmem>> -> memref<2x128xi32, #tpu.memory_space<vmem>>
    %dma_start3A_1030 = arith.constant 0 : i32
    %dma_start3A_1031 = arith.constant 0 : i32
    %dma_start3A_1032 = tpu.memref_slice %arg3[%arg1, %dma_start3A, %dma_start3A_1030, %dma_start3A_1031] : memref<16x164x2x128xi32, #tpu.memory_space<hbm>> -> memref<1x1x2x128xi32, #tpu.memory_space<hbm>>
    %dma_start3A_1033 = tpu.memref_squeeze %dma_start3A_1032 : memref<1x1x2x128xi32, #tpu.memory_space<hbm>> -> memref<2x128xi32, #tpu.memory_space<hbm>>
    %dma_start3A_1034 = arith.constant 0 : i32
    %dma_start3A_1035 = arith.constant 0 : i32
    %dma_start3A_1036 = tpu.memref_slice %arg5[%dma_start3A_1034, %dma_start3A_1035] : memref<16x128xi32, #tpu.memory_space<vmem>> -> memref<2x128xi32, #tpu.memory_space<vmem>>
    %dma_start3A_1037 = arith.constant 0 : i32
    %dma_start3A_1038 = arith.constant 0 : i32
    %dma_start3A_1039 = tpu.memref_slice %arg3[%arg1, %dma_start3A, %dma_start3A_1037, %dma_start3A_1038] : memref<16x164x2x128xi32, #tpu.memory_space<hbm>> -> memref<1x1x2x128xi32, #tpu.memory_space<hbm>>
    %dma_start3A_1040 = tpu.memref_squeeze %dma_start3A_1039 : memref<1x1x2x128xi32, #tpu.memory_space<hbm>> -> memref<2x128xi32, #tpu.memory_space<hbm>>
    tpu.enqueue_dma source(%dma_start3A_1040 : memref<2x128xi32, #tpu.memory_space<hbm>>) target(%dma_start3A_1036 : memref<2x128xi32, #tpu.memory_space<vmem>>) target_semaphore(%arg11 : memref<!tpu.dma_semaphore, #tpu.memory_space<semaphore_mem>>)
    %dma_start3A_1041 = arith.constant 1 : i32
    %dma_start3A_1042 = arith.constant 2 : i32
    %dma_start3A_1043 = arith.constant 0 : i32
    %dma_start3A_1044 = tpu.memref_slice %arg5[%dma_start3A_1042, %dma_start3A_1043] : memref<16x128xi32, #tpu.memory_space<vmem>> -> memref<2x128xi32, #tpu.memory_space<vmem>>
    %dma_start3A_1045 = arith.constant 0 : i32
    %dma_start3A_1046 = arith.constant 0 : i32
    %dma_start3A_1047 = tpu.memref_slice %arg3[%arg1, %dma_start3A_1041, %dma_start3A_1045, %dma_start3A_1046] : memref<16x164x2x128xi32, #tpu.memory_space<hbm>> -> memref<1x1x2x128xi32, #tpu.memory_space<hbm>>
    %dma_start3A_1048 = tpu.memref_squeeze %dma_start3A_1047 : memref<1x1x2x128xi32, #tpu.memory_space<hbm>> -> memref<2x128xi32, #tpu.memory_space<hbm>>
    %dma_start3A_1049 = arith.constant 2 : i32
    %dma_start3A_1050 = arith.constant 0 : i32
    %dma_start3A_1051 = tpu.memref_slice %arg5[%dma_start3A_1049, %dma_start3A_1050] : memref<16x128xi32, #tpu.memory_space<vmem>> -> memref<2x128xi32, #tpu.memory_space<vmem>>
    %dma_start3A_1052 = arith.constant 0 : i32
    %dma_start3A_1053 = arith.constant 0 : i32
    %dma_start3A_1054 = tpu.memref_slice %arg3[%arg1, %dma_start3A_1041, %dma_start3A_1052, %dma_start3A_1053] : memref<16x164x2x128xi32, #tpu.memory_space<hbm>> -> memref<1x1x2x128xi32, #tpu.memory_space<hbm>>
    %dma_start3A_1055 = tpu.memref_squeeze %dma_start3A_1054 : memref<1x1x2x128xi32, #tpu.memory_space<hbm>> -> memref<2x128xi32, #tpu.memory_space<hbm>>
    tpu.enqueue_dma source(%dma_start3A_1055 : memref<2x128xi32, #tpu.memory_space<hbm>>) target(%dma_start3A_1051 : memref<2x128xi32, #tpu.memory_space<vmem>>) target_semaphore(%arg12 : memref<!tpu.dma_semaphore, #tpu.memory_space<semaphore_mem>>)
    %dma_start3A_1056 = arith.constant 2 : i32
    %dma_start3A_1057 = arith.constant 4 : i32
    %dma_start3A_1058 = arith.constant 0 : i32
    %dma_start3A_1059 = tpu.memref_slice %arg5[%dma_start3A_1057, %dma_start3A_1058] : memref<16x128xi32, #tpu.memory_space<vmem>> -> memref<2x128xi32, #tpu.memory_space<vmem>>
    %dma_start3A_1060 = arith.constant 0 : i32
    %dma_start3A_1061 = arith.constant 0 : i32
    %dma_start3A_1062 = tpu.memref_slice %arg3[%arg1, %dma_start3A_1056, %dma_start3A_1060, %dma_start3A_1061] : memref<16x164x2x128xi32, #tpu.memory_space<hbm>> -> memref<1x1x2x128xi32, #tpu.memory_space<hbm>>
    %dma_start3A_1063 = tpu.memref_squeeze %dma_start3A_1062 : memref<1x1x2x128xi32, #tpu.memory_space<hbm>> -> memref<2x128xi32, #tpu.memory_space<hbm>>
    %dma_start3A_1064 = arith.constant 4 : i32
    %dma_start3A_1065 = arith.constant 0 : i32
    %dma_start3A_1066 = tpu.memref_slice %arg5[%dma_start3A_1064, %dma_start3A_1065] : memref<16x128xi32, #tpu.memory_space<vmem>> -> memref<2x128xi32, #tpu.memory_space<vmem>>
    %dma_start3A_1067 = arith.constant 0 : i32
    %dma_start3A_1068 = arith.constant 0 : i32
    %dma_start3A_1069 = tpu.memref_slice %arg3[%arg1, %dma_start3A_1056, %dma_start3A_1067, %dma_start3A_1068] : memref<16x164x2x128xi32, #tpu.memory_space<hbm>> -> memref<1x1x2x128xi32, #tpu.memory_space<hbm>>
    %dma_start3A_1070 = tpu.memref_squeeze %dma_start3A_1069 : memref<1x1x2x128xi32, #tpu.memory_space<hbm>> -> memref<2x128xi32, #tpu.memory_space<hbm>>
    tpu.enqueue_dma source(%dma_start3A_1070 : memref<2x128xi32, #tpu.memory_space<hbm>>) target(%dma_start3A_1066 : memref<2x128xi32, #tpu.memory_space<vmem>>) target_semaphore(%arg13 : memref<!tpu.dma_semaphore, #tpu.memory_space<semaphore_mem>>)
    %dma_start3A_1071 = arith.constant 3 : i32
    %dma_start3A_1072 = arith.constant 6 : i32
    %dma_start3A_1073 = arith.constant 0 : i32
    %dma_start3A_1074 = tpu.memref_slice %arg5[%dma_start3A_1072, %dma_start3A_1073] : memref<16x128xi32, #tpu.memory_space<vmem>> -> memref<2x128xi32, #tpu.memory_space<vmem>>
    %dma_start3A_1075 = arith.constant 0 : i32
    %dma_start3A_1076 = arith.constant 0 : i32
    %dma_start3A_1077 = tpu.memref_slice %arg3[%arg1, %dma_start3A_1071, %dma_start3A_1075, %dma_start3A_1076] : memref<16x164x2x128xi32, #tpu.memory_space<hbm>> -> memref<1x1x2x128xi32, #tpu.memory_space<hbm>>
    %dma_start3A_1078 = tpu.memref_squeeze %dma_start3A_1077 : memref<1x1x2x128xi32, #tpu.memory_space<hbm>> -> memref<2x128xi32, #tpu.memory_space<hbm>>
    %dma_start3A_1079 = arith.constant 6 : i32
    %dma_start3A_1080 = arith.constant 0 : i32
    %dma_start3A_1081 = tpu.memref_slice %arg5[%dma_start3A_1079, %dma_start3A_1080] : memref<16x128xi32, #tpu.memory_space<vmem>> -> memref<2x128xi32, #tpu.memory_space<vmem>>
    %dma_start3A_1082 = arith.constant 0 : i32
    %dma_start3A_1083 = arith.constant 0 : i32
    %dma_start3A_1084 = tpu.memref_slice %arg3[%arg1, %dma_start3A_1071, %dma_start3A_1082, %dma_start3A_1083] : memref<16x164x2x128xi32, #tpu.memory_space<hbm>> -> memref<1x1x2x128xi32, #tpu.memory_space<hbm>>
    %dma_start3A_1085 = tpu.memref_squeeze %dma_start3A_1084 : memref<1x1x2x128xi32, #tpu.memory_space<hbm>> -> memref<2x128xi32, #tpu.memory_space<hbm>>
    tpu.enqueue_dma source(%dma_start3A_1085 : memref<2x128xi32, #tpu.memory_space<hbm>>) target(%dma_start3A_1081 : memref<2x128xi32, #tpu.memory_space<vmem>>) target_semaphore(%arg14 : memref<!tpu.dma_semaphore, #tpu.memory_space<semaphore_mem>>)
    %dma_wait3A = arith.constant 0 : i32
    %dma_wait3A_1086 = arith.constant 0 : i32
    %dma_wait3A_1087 = arith.constant 0 : i32
    %dma_wait3A_1088 = tpu.memref_slice %arg5[%dma_wait3A_1086, %dma_wait3A_1087] : memref<16x128xi32, #tpu.memory_space<vmem>> -> memref<2x128xi32, #tpu.memory_space<vmem>>
    %dma_wait3A_1089 = arith.constant 0 : i32
    %dma_wait3A_1090 = arith.constant 0 : i32
    %dma_wait3A_1091 = tpu.memref_slice %arg3[%arg1, %dma_wait3A, %dma_wait3A_1089, %dma_wait3A_1090] : memref<16x164x2x128xi32, #tpu.memory_space<hbm>> -> memref<1x1x2x128xi32, #tpu.memory_space<hbm>>
    %dma_wait3A_1092 = tpu.memref_squeeze %dma_wait3A_1091 : memref<1x1x2x128xi32, #tpu.memory_space<hbm>> -> memref<2x128xi32, #tpu.memory_space<hbm>>
    %dma_wait3A_1093 = arith.constant 0 : i32
    %dma_wait3A_1094 = arith.constant 0 : i32
    %dma_wait3A_1095 = tpu.memref_slice %arg5[%dma_wait3A_1093, %dma_wait3A_1094] : memref<16x128xi32, #tpu.memory_space<vmem>> -> memref<2x128xi32, #tpu.memory_space<vmem>>
    %dma_wait3A_1096 = arith.constant 0 : i32
    %dma_wait3A_1097 = arith.constant 0 : i32
    %dma_wait3A_1098 = tpu.memref_slice %arg3[%arg1, %dma_wait3A, %dma_wait3A_1096, %dma_wait3A_1097] : memref<16x164x2x128xi32, #tpu.memory_space<hbm>> -> memref<1x1x2x128xi32, #tpu.memory_space<hbm>>
    %dma_wait3A_1099 = tpu.memref_squeeze %dma_wait3A_1098 : memref<1x1x2x128xi32, #tpu.memory_space<hbm>> -> memref<2x128xi32, #tpu.memory_space<hbm>>
    tpu.wait_dma2 semaphore(%arg11 : memref<!tpu.dma_semaphore, #tpu.memory_space<semaphore_mem>>) src(%dma_wait3A_1099 : memref<2x128xi32, #tpu.memory_space<hbm>>) dst(%dma_wait3A_1095 : memref<2x128xi32, #tpu.memory_space<vmem>>)
    %dma_start3A_1100 = arith.constant 0 : i32
    %dma_start3A_1101 = arith.constant 0 : i32
    %dma_start3A_1102 = tpu.memref_slice %arg5[%dma_start3A_1100, %dma_start3A_1101] : memref<16x128xi32, #tpu.memory_space<vmem>> -> memref<1x128xi32, #tpu.memory_space<vmem>>
    %dma_start3A_1103 = tpu.memref_squeeze %dma_start3A_1102 : memref<1x128xi32, #tpu.memory_space<vmem>> -> memref<128xi32, #tpu.memory_space<vmem>>
    %dma_start3A_1104 = arith.constant 0 : i32
    %dma_start3A_1105 = arith.constant 0 : i32
    %dma_start3A_1106 = tpu.memref_slice %arg2[%arg0, %dma_start3A_1104, %dma_start3A_1105] : memref<2x10240x128xf32, #tpu.memory_space<hbm>> -> memref<1x10240x128xf32, #tpu.memory_space<hbm>>
    %dma_start3A_1107 = tpu.memref_squeeze %dma_start3A_1106 : memref<1x10240x128xf32, #tpu.memory_space<hbm>> -> memref<10240x128xf32, #tpu.memory_space<hbm>>
    %dma_start3A_1108 = arith.constant 0 : i32
    %dma_start3A_1109 = arith.constant 0 : i32
    %dma_start3A_1110 = tpu.memref_slice %dma_start3A_1107[%dma_start3A_1108, %dma_start3A_1109] : memref<10240x128xf32, #tpu.memory_space<hbm>> -> memref<10240x128xf32, #tpu.memory_space<hbm>>
    tpu.enqueue_indirect_dma source(%dma_start3A_1110 : memref<10240x128xf32, #tpu.memory_space<hbm>>) target(%arg6 : memref<128x128xf32, #tpu.memory_space<vmem>>) offsets(%dma_start3A_1103 : memref<128xi32, #tpu.memory_space<vmem>>) semaphore(%arg9 : memref<!tpu.dma_semaphore, #tpu.memory_space<semaphore_mem>>)
    %dma_wait3A_1111 = arith.constant 0 : i32
    %dma_wait3A_1112 = arith.constant 2 : i32
    %dma_wait3A_1113 = arith.constant 0 : i32
    %dma_wait3A_1114 = tpu.memref_slice %arg5[%dma_wait3A_1112, %dma_wait3A_1113] : memref<16x128xi32, #tpu.memory_space<vmem>> -> memref<2x128xi32, #tpu.memory_space<vmem>>
    %dma_wait3A_1115 = arith.constant 0 : i32
    %dma_wait3A_1116 = arith.constant 0 : i32
    %dma_wait3A_1117 = tpu.memref_slice %arg3[%arg1, %dma_wait3A_1111, %dma_wait3A_1115, %dma_wait3A_1116] : memref<16x164x2x128xi32, #tpu.memory_space<hbm>> -> memref<1x1x2x128xi32, #tpu.memory_space<hbm>>
    %dma_wait3A_1118 = tpu.memref_squeeze %dma_wait3A_1117 : memref<1x1x2x128xi32, #tpu.memory_space<hbm>> -> memref<2x128xi32, #tpu.memory_space<hbm>>
    %dma_wait3A_1119 = arith.constant 2 : i32
    %dma_wait3A_1120 = arith.constant 0 : i32
    %dma_wait3A_1121 = tpu.memref_slice %arg5[%dma_wait3A_1119, %dma_wait3A_1120] : memref<16x128xi32, #tpu.memory_space<vmem>> -> memref<2x128xi32, #tpu.memory_space<vmem>>
    %dma_wait3A_1122 = arith.constant 0 : i32
    %dma_wait3A_1123 = arith.constant 0 : i32
    %dma_wait3A_1124 = tpu.memref_slice %arg3[%arg1, %dma_wait3A_1111, %dma_wait3A_1122, %dma_wait3A_1123] : memref<16x164x2x128xi32, #tpu.memory_space<hbm>> -> memref<1x1x2x128xi32, #tpu.memory_space<hbm>>
    %dma_wait3A_1125 = tpu.memref_squeeze %dma_wait3A_1124 : memref<1x1x2x128xi32, #tpu.memory_space<hbm>> -> memref<2x128xi32, #tpu.memory_space<hbm>>
    tpu.wait_dma2 semaphore(%arg12 : memref<!tpu.dma_semaphore, #tpu.memory_space<semaphore_mem>>) src(%dma_wait3A_1125 : memref<2x128xi32, #tpu.memory_space<hbm>>) dst(%dma_wait3A_1121 : memref<2x128xi32, #tpu.memory_space<vmem>>)
    %dma_start3A_1126 = arith.constant 2 : i32
    %dma_start3A_1127 = arith.constant 0 : i32
    %dma_start3A_1128 = tpu.memref_slice %arg5[%dma_start3A_1126, %dma_start3A_1127] : memref<16x128xi32, #tpu.memory_space<vmem>> -> memref<1x128xi32, #tpu.memory_space<vmem>>
    %dma_start3A_1129 = tpu.memref_squeeze %dma_start3A_1128 : memref<1x128xi32, #tpu.memory_space<vmem>> -> memref<128xi32, #tpu.memory_space<vmem>>
    %dma_start3A_1130 = arith.constant 0 : i32
    %dma_start3A_1131 = arith.constant 0 : i32
    %dma_start3A_1132 = tpu.memref_slice %arg2[%arg0, %dma_start3A_1130, %dma_start3A_1131] : memref<2x10240x128xf32, #tpu.memory_space<hbm>> -> memref<1x10240x128xf32, #tpu.memory_space<hbm>>
    %dma_start3A_1133 = tpu.memref_squeeze %dma_start3A_1132 : memref<1x10240x128xf32, #tpu.memory_space<hbm>> -> memref<10240x128xf32, #tpu.memory_space<hbm>>
    %dma_start3A_1134 = arith.constant 0 : i32
    %dma_start3A_1135 = arith.constant 0 : i32
    %dma_start3A_1136 = tpu.memref_slice %dma_start3A_1133[%dma_start3A_1134, %dma_start3A_1135] : memref<10240x128xf32, #tpu.memory_space<hbm>> -> memref<10240x128xf32, #tpu.memory_space<hbm>>
    tpu.enqueue_indirect_dma source(%dma_start3A_1136 : memref<10240x128xf32, #tpu.memory_space<hbm>>) target(%arg7 : memref<128x128xf32, #tpu.memory_space<vmem>>) offsets(%dma_start3A_1129 : memref<128xi32, #tpu.memory_space<vmem>>) semaphore(%arg10 : memref<!tpu.dma_semaphore, #tpu.memory_space<semaphore_mem>>)
    %scan3A_1137 = arith.constant 0 : i32
    %scan3A_1138 = arith.constant 0 : i32
    %scan3A_1139 = arith.constant 40 : i32
    %scan3A_1140 = arith.addi %scan3A_1138, %scan3A_1139 : i32
    %scan3A_1141 = arith.constant 1 : i32
    scf.for %scan3A_1199 = %scan3A_1138 to %scan3A_1140 step %scan3A_1141  : i32 {
      %mul3A_1200 = arith.constant 4 : i32
      %mul3A_1201 = arith.muli %scan3A_1199, %mul3A_1200 : i32
      %add3A = arith.constant 0 : i32
      %add3A_1202 = arith.addi %mul3A_1201, %add3A : i32
      %dma_wait3A_1203 = arith.constant 0 : i32
      %dma_wait3A_1204 = arith.constant 0 : i32
      %dma_wait3A_1205 = arith.constant 0 : i32
      %dma_wait3A_1206 = tpu.memref_slice %arg5[%dma_wait3A_1204, %dma_wait3A_1205] : memref<16x128xi32, #tpu.memory_space<vmem>> -> memref<2x128xi32, #tpu.memory_space<vmem>>
      %dma_wait3A_1207 = arith.constant 0 : i32
      %dma_wait3A_1208 = arith.constant 0 : i32
      %dma_wait3A_1209 = tpu.memref_slice %arg3[%arg1, %dma_wait3A_1203, %dma_wait3A_1207, %dma_wait3A_1208] : memref<16x164x2x128xi32, #tpu.memory_space<hbm>> -> memref<1x1x2x128xi32, #tpu.memory_space<hbm>>
      %dma_wait3A_1210 = tpu.memref_squeeze %dma_wait3A_1209 : memref<1x1x2x128xi32, #tpu.memory_space<hbm>> -> memref<2x128xi32, #tpu.memory_space<hbm>>
      %dma_wait3A_1211 = arith.constant 0 : i32
      %dma_wait3A_1212 = arith.constant 0 : i32
      %dma_wait3A_1213 = tpu.memref_slice %arg5[%dma_wait3A_1211, %dma_wait3A_1212] : memref<16x128xi32, #tpu.memory_space<vmem>> -> memref<2x128xi32, #tpu.memory_space<vmem>>
      %dma_wait3A_1214 = arith.constant 0 : i32
      %dma_wait3A_1215 = arith.constant 0 : i32
      %dma_wait3A_1216 = tpu.memref_slice %arg3[%arg1, %dma_wait3A_1203, %dma_wait3A_1214, %dma_wait3A_1215] : memref<16x164x2x128xi32, #tpu.memory_space<hbm>> -> memref<1x1x2x128xi32, #tpu.memory_space<hbm>>
      %dma_wait3A_1217 = tpu.memref_squeeze %dma_wait3A_1216 : memref<1x1x2x128xi32, #tpu.memory_space<hbm>> -> memref<2x128xi32, #tpu.memory_space<hbm>>
      tpu.wait_dma2 semaphore(%arg13 : memref<!tpu.dma_semaphore, #tpu.memory_space<semaphore_mem>>) src(%dma_wait3A_1217 : memref<2x128xi32, #tpu.memory_space<hbm>>) dst(%dma_wait3A_1213 : memref<2x128xi32, #tpu.memory_space<vmem>>)
      %dma_wait3A_1218 = arith.constant 0 : i32
      %dma_wait3A_1219 = arith.constant 0 : i32
      %dma_wait3A_1220 = tpu.memref_slice %arg5[%dma_wait3A_1218, %dma_wait3A_1219] : memref<16x128xi32, #tpu.memory_space<vmem>> -> memref<1x128xi32, #tpu.memory_space<vmem>>
      %dma_wait3A_1221 = tpu.memref_squeeze %dma_wait3A_1220 : memref<1x128xi32, #tpu.memory_space<vmem>> -> memref<128xi32, #tpu.memory_space<vmem>>
      %dma_wait3A_1222 = arith.constant 0 : i32
      %dma_wait3A_1223 = arith.constant 0 : i32
      %dma_wait3A_1224 = tpu.memref_slice %arg2[%arg0, %dma_wait3A_1222, %dma_wait3A_1223] : memref<2x10240x128xf32, #tpu.memory_space<hbm>> -> memref<1x10240x128xf32, #tpu.memory_space<hbm>>
      %dma_wait3A_1225 = tpu.memref_squeeze %dma_wait3A_1224 : memref<1x10240x128xf32, #tpu.memory_space<hbm>> -> memref<10240x128xf32, #tpu.memory_space<hbm>>
      %dma_wait3A_1226 = arith.constant 0 : i32
      %dma_wait3A_1227 = arith.constant 0 : i32
      %dma_wait3A_1228 = tpu.memref_slice %dma_wait3A_1225[%dma_wait3A_1226, %dma_wait3A_1227] : memref<10240x128xf32, #tpu.memory_space<hbm>> -> memref<10240x128xf32, #tpu.memory_space<hbm>>
      tpu.wait_indirect_dma semaphore(%arg9 : memref<!tpu.dma_semaphore, #tpu.memory_space<semaphore_mem>>) src(%dma_wait3A_1228 : memref<10240x128xf32, #tpu.memory_space<hbm>>) dst(%arg6 : memref<128x128xf32, #tpu.memory_space<vmem>>)
      %rem3A = arith.constant 8 : i32
      %rem3A_1229 = arith.remsi %add3A_1202, %rem3A : i32
      %mul3A_1230 = arith.constant 2 : i32
      %mul3A_1231 = arith.muli %mul3A_1230, %rem3A_1229 : i32
      %add3A_1232 = arith.constant 1 : i32
      %add3A_1233 = arith.addi %mul3A_1231, %add3A_1232 : i32
      "tpu.region"() ({
        %run_scoped3A = tpu.sem_alloc : memref<!tpu.dma_semaphore, #tpu.memory_space<semaphore_mem>>
        %dma_start3A_1486 = arith.constant 0 : i32
        %dma_start3A_1487 = tpu.memref_slice %arg5[%add3A_1233, %dma_start3A_1486] : memref<16x128xi32, #tpu.memory_space<vmem>> -> memref<1x128xi32, #tpu.memory_space<vmem>>
        %dma_start3A_1488 = tpu.memref_squeeze %dma_start3A_1487 : memref<1x128xi32, #tpu.memory_space<vmem>> -> memref<128xi32, #tpu.memory_space<vmem>>
        %dma_start3A_1489 = arith.constant 0 : i32
        %dma_start3A_1490 = arith.constant 0 : i32
        %dma_start3A_1491 = tpu.memref_slice %arg8[%dma_start3A_1489, %dma_start3A_1490] : memref<10240x128xf32, #tpu.memory_space<vmem_shared>> -> memref<10240x128xf32, #tpu.memory_space<vmem_shared>>
        tpu.enqueue_indirect_dma source(%arg6 : memref<128x128xf32, #tpu.memory_space<vmem>>) target(%dma_start3A_1491 : memref<10240x128xf32, #tpu.memory_space<vmem_shared>>) offsets(%dma_start3A_1488 : memref<128xi32, #tpu.memory_space<vmem>>) semaphore(%run_scoped3A : memref<!tpu.dma_semaphore, #tpu.memory_space<semaphore_mem>>) {add = true}
        %dma_wait3A_1492 = arith.constant 0 : i32
        %dma_wait3A_1493 = tpu.memref_slice %arg5[%add3A_1233, %dma_wait3A_1492] : memref<16x128xi32, #tpu.memory_space<vmem>> -> memref<1x128xi32, #tpu.memory_space<vmem>>
        %dma_wait3A_1494 = tpu.memref_squeeze %dma_wait3A_1493 : memref<1x128xi32, #tpu.memory_space<vmem>> -> memref<128xi32, #tpu.memory_space<vmem>>
        %dma_wait3A_1495 = arith.constant 0 : i32
        %dma_wait3A_1496 = arith.constant 0 : i32
        %dma_wait3A_1497 = tpu.memref_slice %arg8[%dma_wait3A_1495, %dma_wait3A_1496] : memref<10240x128xf32, #tpu.memory_space<vmem_shared>> -> memref<10240x128xf32, #tpu.memory_space<vmem_shared>>
        tpu.wait_indirect_dma semaphore(%run_scoped3A : memref<!tpu.dma_semaphore, #tpu.memory_space<semaphore_mem>>) src(%arg6 : memref<128x128xf32, #tpu.memory_space<vmem>>) dst(%dma_wait3A_1497 : memref<10240x128xf32, #tpu.memory_space<vmem_shared>>)
        tpu.yield
      }) : () -> ()
      %add3A_1234 = arith.constant 2 : i32
      %add3A_1235 = arith.addi %add3A_1202, %add3A_1234 : i32
      %rem3A_1236 = arith.constant 8 : i32
      %rem3A_1237 = arith.remsi %add3A_1235, %rem3A_1236 : i32
      %mul3A_1238 = arith.constant 2 : i32
      %mul3A_1239 = arith.muli %mul3A_1238, %rem3A_1237 : i32
      %dma_start3A_1240 = arith.constant 0 : i32
      %dma_start3A_1241 = tpu.memref_slice %arg5[%mul3A_1239, %dma_start3A_1240] : memref<16x128xi32, #tpu.memory_space<vmem>> -> memref<1x128xi32, #tpu.memory_space<vmem>>
      %dma_start3A_1242 = tpu.memref_squeeze %dma_start3A_1241 : memref<1x128xi32, #tpu.memory_space<vmem>> -> memref<128xi32, #tpu.memory_space<vmem>>
      %dma_start3A_1243 = arith.constant 0 : i32
      %dma_start3A_1244 = arith.constant 0 : i32
      %dma_start3A_1245 = tpu.memref_slice %arg2[%arg0, %dma_start3A_1243, %dma_start3A_1244] : memref<2x10240x128xf32, #tpu.memory_space<hbm>> -> memref<1x10240x128xf32, #tpu.memory_space<hbm>>
      %dma_start3A_1246 = tpu.memref_squeeze %dma_start3A_1245 : memref<1x10240x128xf32, #tpu.memory_space<hbm>> -> memref<10240x128xf32, #tpu.memory_space<hbm>>
      %dma_start3A_1247 = arith.constant 0 : i32
      %dma_start3A_1248 = arith.constant 0 : i32
      %dma_start3A_1249 = tpu.memref_slice %dma_start3A_1246[%dma_start3A_1247, %dma_start3A_1248] : memref<10240x128xf32, #tpu.memory_space<hbm>> -> memref<10240x128xf32, #tpu.memory_space<hbm>>
      tpu.enqueue_indirect_dma source(%dma_start3A_1249 : memref<10240x128xf32, #tpu.memory_space<hbm>>) target(%arg6 : memref<128x128xf32, #tpu.memory_space<vmem>>) offsets(%dma_start3A_1242 : memref<128xi32, #tpu.memory_space<vmem>>) semaphore(%arg9 : memref<!tpu.dma_semaphore, #tpu.memory_space<semaphore_mem>>)
      %add3A_1250 = arith.constant 4 : i32
      %add3A_1251 = arith.addi %add3A_1202, %add3A_1250 : i32
      %add3A_1252 = arith.constant 4 : i32
      %add3A_1253 = arith.addi %add3A_1202, %add3A_1252 : i32
      %rem3A_1254 = arith.constant 8 : i32
      %rem3A_1255 = arith.remsi %add3A_1253, %rem3A_1254 : i32
      %mul3A_1256 = arith.constant 2 : i32
      %mul3A_1257 = arith.muli %mul3A_1256, %rem3A_1255 : i32
      %dma_start3A_1258 = arith.constant 0 : i32
      %dma_start3A_1259 = tpu.memref_slice %arg5[%mul3A_1257, %dma_start3A_1258] : memref<16x128xi32, #tpu.memory_space<vmem>> -> memref<2x128xi32, #tpu.memory_space<vmem>>
      %dma_start3A_1260 = arith.constant 0 : i32
      %dma_start3A_1261 = arith.constant 0 : i32
      %dma_start3A_1262 = tpu.memref_slice %arg3[%arg1, %add3A_1251, %dma_start3A_1260, %dma_start3A_1261] : memref<16x164x2x128xi32, #tpu.memory_space<hbm>> -> memref<1x1x2x128xi32, #tpu.memory_space<hbm>>
      %dma_start3A_1263 = tpu.memref_squeeze %dma_start3A_1262 : memref<1x1x2x128xi32, #tpu.memory_space<hbm>> -> memref<2x128xi32, #tpu.memory_space<hbm>>
      %dma_start3A_1264 = arith.constant 0 : i32
      %dma_start3A_1265 = tpu.memref_slice %arg5[%mul3A_1257, %dma_start3A_1264] : memref<16x128xi32, #tpu.memory_space<vmem>> -> memref<2x128xi32, #tpu.memory_space<vmem>>
      %dma_start3A_1266 = arith.constant 0 : i32
      %dma_start3A_1267 = arith.constant 0 : i32
      %dma_start3A_1268 = tpu.memref_slice %arg3[%arg1, %add3A_1251, %dma_start3A_1266, %dma_start3A_1267] : memref<16x164x2x128xi32, #tpu.memory_space<hbm>> -> memref<1x1x2x128xi32, #tpu.memory_space<hbm>>
      %dma_start3A_1269 = tpu.memref_squeeze %dma_start3A_1268 : memref<1x1x2x128xi32, #tpu.memory_space<hbm>> -> memref<2x128xi32, #tpu.memory_space<hbm>>
      tpu.enqueue_dma source(%dma_start3A_1269 : memref<2x128xi32, #tpu.memory_space<hbm>>) target(%dma_start3A_1265 : memref<2x128xi32, #tpu.memory_space<vmem>>) target_semaphore(%arg11 : memref<!tpu.dma_semaphore, #tpu.memory_space<semaphore_mem>>)
      %mul3A_1270 = arith.constant 4 : i32
      %mul3A_1271 = arith.muli %scan3A_1199, %mul3A_1270 : i32
      %add3A_1272 = arith.constant 1 : i32
      %add3A_1273 = arith.addi %mul3A_1271, %add3A_1272 : i32
      %dma_wait3A_1274 = arith.constant 0 : i32
      %dma_wait3A_1275 = arith.constant 0 : i32
      %dma_wait3A_1276 = arith.constant 0 : i32
      %dma_wait3A_1277 = tpu.memref_slice %arg5[%dma_wait3A_1275, %dma_wait3A_1276] : memref<16x128xi32, #tpu.memory_space<vmem>> -> memref<2x128xi32, #tpu.memory_space<vmem>>
      %dma_wait3A_1278 = arith.constant 0 : i32
      %dma_wait3A_1279 = arith.constant 0 : i32
      %dma_wait3A_1280 = tpu.memref_slice %arg3[%arg1, %dma_wait3A_1274, %dma_wait3A_1278, %dma_wait3A_1279] : memref<16x164x2x128xi32, #tpu.memory_space<hbm>> -> memref<1x1x2x128xi32, #tpu.memory_space<hbm>>
      %dma_wait3A_1281 = tpu.memref_squeeze %dma_wait3A_1280 : memref<1x1x2x128xi32, #tpu.memory_space<hbm>> -> memref<2x128xi32, #tpu.memory_space<hbm>>
      %dma_wait3A_1282 = arith.constant 0 : i32
      %dma_wait3A_1283 = arith.constant 0 : i32
      %dma_wait3A_1284 = tpu.memref_slice %arg5[%dma_wait3A_1282, %dma_wait3A_1283] : memref<16x128xi32, #tpu.memory_space<vmem>> -> memref<2x128xi32, #tpu.memory_space<vmem>>
      %dma_wait3A_1285 = arith.constant 0 : i32
      %dma_wait3A_1286 = arith.constant 0 : i32
      %dma_wait3A_1287 = tpu.memref_slice %arg3[%arg1, %dma_wait3A_1274, %dma_wait3A_1285, %dma_wait3A_1286] : memref<16x164x2x128xi32, #tpu.memory_space<hbm>> -> memref<1x1x2x128xi32, #tpu.memory_space<hbm>>
      %dma_wait3A_1288 = tpu.memref_squeeze %dma_wait3A_1287 : memref<1x1x2x128xi32, #tpu.memory_space<hbm>> -> memref<2x128xi32, #tpu.memory_space<hbm>>
      tpu.wait_dma2 semaphore(%arg14 : memref<!tpu.dma_semaphore, #tpu.memory_space<semaphore_mem>>) src(%dma_wait3A_1288 : memref<2x128xi32, #tpu.memory_space<hbm>>) dst(%dma_wait3A_1284 : memref<2x128xi32, #tpu.memory_space<vmem>>)
      %dma_wait3A_1289 = arith.constant 0 : i32
      %dma_wait3A_1290 = arith.constant 0 : i32
      %dma_wait3A_1291 = tpu.memref_slice %arg5[%dma_wait3A_1289, %dma_wait3A_1290] : memref<16x128xi32, #tpu.memory_space<vmem>> -> memref<1x128xi32, #tpu.memory_space<vmem>>
      %dma_wait3A_1292 = tpu.memref_squeeze %dma_wait3A_1291 : memref<1x128xi32, #tpu.memory_space<vmem>> -> memref<128xi32, #tpu.memory_space<vmem>>
      %dma_wait3A_1293 = arith.constant 0 : i32
      %dma_wait3A_1294 = arith.constant 0 : i32
      %dma_wait3A_1295 = tpu.memref_slice %arg2[%arg0, %dma_wait3A_1293, %dma_wait3A_1294] : memref<2x10240x128xf32, #tpu.memory_space<hbm>> -> memref<1x10240x128xf32, #tpu.memory_space<hbm>>
      %dma_wait3A_1296 = tpu.memref_squeeze %dma_wait3A_1295 : memref<1x10240x128xf32, #tpu.memory_space<hbm>> -> memref<10240x128xf32, #tpu.memory_space<hbm>>
      %dma_wait3A_1297 = arith.constant 0 : i32
      %dma_wait3A_1298 = arith.constant 0 : i32
      %dma_wait3A_1299 = tpu.memref_slice %dma_wait3A_1296[%dma_wait3A_1297, %dma_wait3A_1298] : memref<10240x128xf32, #tpu.memory_space<hbm>> -> memref<10240x128xf32, #tpu.memory_space<hbm>>
      tpu.wait_indirect_dma semaphore(%arg10 : memref<!tpu.dma_semaphore, #tpu.memory_space<semaphore_mem>>) src(%dma_wait3A_1299 : memref<10240x128xf32, #tpu.memory_space<hbm>>) dst(%arg7 : memref<128x128xf32, #tpu.memory_space<vmem>>)
      %rem3A_1300 = arith.constant 8 : i32
      %rem3A_1301 = arith.remsi %add3A_1273, %rem3A_1300 : i32
      %mul3A_1302 = arith.constant 2 : i32
      %mul3A_1303 = arith.muli %mul3A_1302, %rem3A_1301 : i32
      %add3A_1304 = arith.constant 1 : i32
      %add3A_1305 = arith.addi %mul3A_1303, %add3A_1304 : i32
      "tpu.region"() ({
        %run_scoped3A = tpu.sem_alloc : memref<!tpu.dma_semaphore, #tpu.memory_space<semaphore_mem>>
        %dma_start3A_1486 = arith.constant 0 : i32
        %dma_start3A_1487 = tpu.memref_slice %arg5[%add3A_1305, %dma_start3A_1486] : memref<16x128xi32, #tpu.memory_space<vmem>> -> memref<1x128xi32, #tpu.memory_space<vmem>>
        %dma_start3A_1488 = tpu.memref_squeeze %dma_start3A_1487 : memref<1x128xi32, #tpu.memory_space<vmem>> -> memref<128xi32, #tpu.memory_space<vmem>>
        %dma_start3A_1489 = arith.constant 0 : i32
        %dma_start3A_1490 = arith.constant 0 : i32
        %dma_start3A_1491 = tpu.memref_slice %arg8[%dma_start3A_1489, %dma_start3A_1490] : memref<10240x128xf32, #tpu.memory_space<vmem_shared>> -> memref<10240x128xf32, #tpu.memory_space<vmem_shared>>
        tpu.enqueue_indirect_dma source(%arg7 : memref<128x128xf32, #tpu.memory_space<vmem>>) target(%dma_start3A_1491 : memref<10240x128xf32, #tpu.memory_space<vmem_shared>>) offsets(%dma_start3A_1488 : memref<128xi32, #tpu.memory_space<vmem>>) semaphore(%run_scoped3A : memref<!tpu.dma_semaphore, #tpu.memory_space<semaphore_mem>>) {add = true}
        %dma_wait3A_1492 = arith.constant 0 : i32
        %dma_wait3A_1493 = tpu.memref_slice %arg5[%add3A_1305, %dma_wait3A_1492] : memref<16x128xi32, #tpu.memory_space<vmem>> -> memref<1x128xi32, #tpu.memory_space<vmem>>
        %dma_wait3A_1494 = tpu.memref_squeeze %dma_wait3A_1493 : memref<1x128xi32, #tpu.memory_space<vmem>> -> memref<128xi32, #tpu.memory_space<vmem>>
        %dma_wait3A_1495 = arith.constant 0 : i32
        %dma_wait3A_1496 = arith.constant 0 : i32
        %dma_wait3A_1497 = tpu.memref_slice %arg8[%dma_wait3A_1495, %dma_wait3A_1496] : memref<10240x128xf32, #tpu.memory_space<vmem_shared>> -> memref<10240x128xf32, #tpu.memory_space<vmem_shared>>
        tpu.wait_indirect_dma semaphore(%run_scoped3A : memref<!tpu.dma_semaphore, #tpu.memory_space<semaphore_mem>>) src(%arg7 : memref<128x128xf32, #tpu.memory_space<vmem>>) dst(%dma_wait3A_1497 : memref<10240x128xf32, #tpu.memory_space<vmem_shared>>)
        tpu.yield
      }) : () -> ()
      %add3A_1306 = arith.constant 2 : i32
      %add3A_1307 = arith.addi %add3A_1273, %add3A_1306 : i32
      %rem3A_1308 = arith.constant 8 : i32
      %rem3A_1309 = arith.remsi %add3A_1307, %rem3A_1308 : i32
      %mul3A_1310 = arith.constant 2 : i32
      %mul3A_1311 = arith.muli %mul3A_1310, %rem3A_1309 : i32
      %dma_start3A_1312 = arith.constant 0 : i32
      %dma_start3A_1313 = tpu.memref_slice %arg5[%mul3A_1311, %dma_start3A_1312] : memref<16x128xi32, #tpu.memory_space<vmem>> -> memref<1x128xi32, #tpu.memory_space<vmem>>
      %dma_start3A_1314 = tpu.memref_squeeze %dma_start3A_1313 : memref<1x128xi32, #tpu.memory_space<vmem>> -> memref<128xi32, #tpu.memory_space<vmem>>
      %dma_start3A_1315 = arith.constant 0 : i32
      %dma_start3A_1316 = arith.constant 0 : i32
      %dma_start3A_1317 = tpu.memref_slice %arg2[%arg0, %dma_start3A_1315, %dma_start3A_1316] : memref<2x10240x128xf32, #tpu.memory_space<hbm>> -> memref<1x10240x128xf32, #tpu.memory_space<hbm>>
      %dma_start3A_1318 = tpu.memref_squeeze %dma_start3A_1317 : memref<1x10240x128xf32, #tpu.memory_space<hbm>> -> memref<10240x128xf32, #tpu.memory_space<hbm>>
      %dma_start3A_1319 = arith.constant 0 : i32
      %dma_start3A_1320 = arith.constant 0 : i32
      %dma_start3A_1321 = tpu.memref_slice %dma_start3A_1318[%dma_start3A_1319, %dma_start3A_1320] : memref<10240x128xf32, #tpu.memory_space<hbm>> -> memref<10240x128xf32, #tpu.memory_space<hbm>>
      tpu.enqueue_indirect_dma source(%dma_start3A_1321 : memref<10240x128xf32, #tpu.memory_space<hbm>>) target(%arg7 : memref<128x128xf32, #tpu.memory_space<vmem>>) offsets(%dma_start3A_1314 : memref<128xi32, #tpu.memory_space<vmem>>) semaphore(%arg10 : memref<!tpu.dma_semaphore, #tpu.memory_space<semaphore_mem>>)
      %add3A_1322 = arith.constant 4 : i32
      %add3A_1323 = arith.addi %add3A_1273, %add3A_1322 : i32
      %add3A_1324 = arith.constant 4 : i32
      %add3A_1325 = arith.addi %add3A_1273, %add3A_1324 : i32
      %rem3A_1326 = arith.constant 8 : i32
      %rem3A_1327 = arith.remsi %add3A_1325, %rem3A_1326 : i32
      %mul3A_1328 = arith.constant 2 : i32
      %mul3A_1329 = arith.muli %mul3A_1328, %rem3A_1327 : i32
      %dma_start3A_1330 = arith.constant 0 : i32
      %dma_start3A_1331 = tpu.memref_slice %arg5[%mul3A_1329, %dma_start3A_1330] : memref<16x128xi32, #tpu.memory_space<vmem>> -> memref<2x128xi32, #tpu.memory_space<vmem>>
      %dma_start3A_1332 = arith.constant 0 : i32
      %dma_start3A_1333 = arith.constant 0 : i32
      %dma_start3A_1334 = tpu.memref_slice %arg3[%arg1, %add3A_1323, %dma_start3A_1332, %dma_start3A_1333] : memref<16x164x2x128xi32, #tpu.memory_space<hbm>> -> memref<1x1x2x128xi32, #tpu.memory_space<hbm>>
      %dma_start3A_1335 = tpu.memref_squeeze %dma_start3A_1334 : memref<1x1x2x128xi32, #tpu.memory_space<hbm>> -> memref<2x128xi32, #tpu.memory_space<hbm>>
      %dma_start3A_1336 = arith.constant 0 : i32
      %dma_start3A_1337 = tpu.memref_slice %arg5[%mul3A_1329, %dma_start3A_1336] : memref<16x128xi32, #tpu.memory_space<vmem>> -> memref<2x128xi32, #tpu.memory_space<vmem>>
      %dma_start3A_1338 = arith.constant 0 : i32
      %dma_start3A_1339 = arith.constant 0 : i32
      %dma_start3A_1340 = tpu.memref_slice %arg3[%arg1, %add3A_1323, %dma_start3A_1338, %dma_start3A_1339] : memref<16x164x2x128xi32, #tpu.memory_space<hbm>> -> memref<1x1x2x128xi32, #tpu.memory_space<hbm>>
      %dma_start3A_1341 = tpu.memref_squeeze %dma_start3A_1340 : memref<1x1x2x128xi32, #tpu.memory_space<hbm>> -> memref<2x128xi32, #tpu.memory_space<hbm>>
      tpu.enqueue_dma source(%dma_start3A_1341 : memref<2x128xi32, #tpu.memory_space<hbm>>) target(%dma_start3A_1337 : memref<2x128xi32, #tpu.memory_space<vmem>>) target_semaphore(%arg12 : memref<!tpu.dma_semaphore, #tpu.memory_space<semaphore_mem>>)
      %mul3A_1342 = arith.constant 4 : i32
      %mul3A_1343 = arith.muli %scan3A_1199, %mul3A_1342 : i32
      %add3A_1344 = arith.constant 2 : i32
      %add3A_1345 = arith.addi %mul3A_1343, %add3A_1344 : i32
      %dma_wait3A_1346 = arith.constant 0 : i32
      %dma_wait3A_1347 = arith.constant 0 : i32
      %dma_wait3A_1348 = arith.constant 0 : i32
      %dma_wait3A_1349 = tpu.memref_slice %arg5[%dma_wait3A_1347, %dma_wait3A_1348] : memref<16x128xi32, #tpu.memory_space<vmem>> -> memref<2x128xi32, #tpu.memory_space<vmem>>
      %dma_wait3A_1350 = arith.constant 0 : i32
      %dma_wait3A_1351 = arith.constant 0 : i32
      %dma_wait3A_1352 = tpu.memref_slice %arg3[%arg1, %dma_wait3A_1346, %dma_wait3A_1350, %dma_wait3A_1351] : memref<16x164x2x128xi32, #tpu.memory_space<hbm>> -> memref<1x1x2x128xi32, #tpu.memory_space<hbm>>
      %dma_wait3A_1353 = tpu.memref_squeeze %dma_wait3A_1352 : memref<1x1x2x128xi32, #tpu.memory_space<hbm>> -> memref<2x128xi32, #tpu.memory_space<hbm>>
      %dma_wait3A_1354 = arith.constant 0 : i32
      %dma_wait3A_1355 = arith.constant 0 : i32
      %dma_wait3A_1356 = tpu.memref_slice %arg5[%dma_wait3A_1354, %dma_wait3A_1355] : memref<16x128xi32, #tpu.memory_space<vmem>> -> memref<2x128xi32, #tpu.memory_space<vmem>>
      %dma_wait3A_1357 = arith.constant 0 : i32
      %dma_wait3A_1358 = arith.constant 0 : i32
      %dma_wait3A_1359 = tpu.memref_slice %arg3[%arg1, %dma_wait3A_1346, %dma_wait3A_1357, %dma_wait3A_1358] : memref<16x164x2x128xi32, #tpu.memory_space<hbm>> -> memref<1x1x2x128xi32, #tpu.memory_space<hbm>>
      %dma_wait3A_1360 = tpu.memref_squeeze %dma_wait3A_1359 : memref<1x1x2x128xi32, #tpu.memory_space<hbm>> -> memref<2x128xi32, #tpu.memory_space<hbm>>
      tpu.wait_dma2 semaphore(%arg11 : memref<!tpu.dma_semaphore, #tpu.memory_space<semaphore_mem>>) src(%dma_wait3A_1360 : memref<2x128xi32, #tpu.memory_space<hbm>>) dst(%dma_wait3A_1356 : memref<2x128xi32, #tpu.memory_space<vmem>>)
      %dma_wait3A_1361 = arith.constant 0 : i32
      %dma_wait3A_1362 = arith.constant 0 : i32
      %dma_wait3A_1363 = tpu.memref_slice %arg5[%dma_wait3A_1361, %dma_wait3A_1362] : memref<16x128xi32, #tpu.memory_space<vmem>> -> memref<1x128xi32, #tpu.memory_space<vmem>>
      %dma_wait3A_1364 = tpu.memref_squeeze %dma_wait3A_1363 : memref<1x128xi32, #tpu.memory_space<vmem>> -> memref<128xi32, #tpu.memory_space<vmem>>
      %dma_wait3A_1365 = arith.constant 0 : i32
      %dma_wait3A_1366 = arith.constant 0 : i32
      %dma_wait3A_1367 = tpu.memref_slice %arg2[%arg0, %dma_wait3A_1365, %dma_wait3A_1366] : memref<2x10240x128xf32, #tpu.memory_space<hbm>> -> memref<1x10240x128xf32, #tpu.memory_space<hbm>>
      %dma_wait3A_1368 = tpu.memref_squeeze %dma_wait3A_1367 : memref<1x10240x128xf32, #tpu.memory_space<hbm>> -> memref<10240x128xf32, #tpu.memory_space<hbm>>
      %dma_wait3A_1369 = arith.constant 0 : i32
      %dma_wait3A_1370 = arith.constant 0 : i32
      %dma_wait3A_1371 = tpu.memref_slice %dma_wait3A_1368[%dma_wait3A_1369, %dma_wait3A_1370] : memref<10240x128xf32, #tpu.memory_space<hbm>> -> memref<10240x128xf32, #tpu.memory_space<hbm>>
      tpu.wait_indirect_dma semaphore(%arg9 : memref<!tpu.dma_semaphore, #tpu.memory_space<semaphore_mem>>) src(%dma_wait3A_1371 : memref<10240x128xf32, #tpu.memory_space<hbm>>) dst(%arg6 : memref<128x128xf32, #tpu.memory_space<vmem>>)
      %rem3A_1372 = arith.constant 8 : i32
      %rem3A_1373 = arith.remsi %add3A_1345, %rem3A_1372 : i32
      %mul3A_1374 = arith.constant 2 : i32
      %mul3A_1375 = arith.muli %mul3A_1374, %rem3A_1373 : i32
      %add3A_1376 = arith.constant 1 : i32
      %add3A_1377 = arith.addi %mul3A_1375, %add3A_1376 : i32
      "tpu.region"() ({
        %run_scoped3A = tpu.sem_alloc : memref<!tpu.dma_semaphore, #tpu.memory_space<semaphore_mem>>
        %dma_start3A_1486 = arith.constant 0 : i32
        %dma_start3A_1487 = tpu.memref_slice %arg5[%add3A_1377, %dma_start3A_1486] : memref<16x128xi32, #tpu.memory_space<vmem>> -> memref<1x128xi32, #tpu.memory_space<vmem>>
        %dma_start3A_1488 = tpu.memref_squeeze %dma_start3A_1487 : memref<1x128xi32, #tpu.memory_space<vmem>> -> memref<128xi32, #tpu.memory_space<vmem>>
        %dma_start3A_1489 = arith.constant 0 : i32
        %dma_start3A_1490 = arith.constant 0 : i32
        %dma_start3A_1491 = tpu.memref_slice %arg8[%dma_start3A_1489, %dma_start3A_1490] : memref<10240x128xf32, #tpu.memory_space<vmem_shared>> -> memref<10240x128xf32, #tpu.memory_space<vmem_shared>>
        tpu.enqueue_indirect_dma source(%arg6 : memref<128x128xf32, #tpu.memory_space<vmem>>) target(%dma_start3A_1491 : memref<10240x128xf32, #tpu.memory_space<vmem_shared>>) offsets(%dma_start3A_1488 : memref<128xi32, #tpu.memory_space<vmem>>) semaphore(%run_scoped3A : memref<!tpu.dma_semaphore, #tpu.memory_space<semaphore_mem>>) {add = true}
        %dma_wait3A_1492 = arith.constant 0 : i32
        %dma_wait3A_1493 = tpu.memref_slice %arg5[%add3A_1377, %dma_wait3A_1492] : memref<16x128xi32, #tpu.memory_space<vmem>> -> memref<1x128xi32, #tpu.memory_space<vmem>>
        %dma_wait3A_1494 = tpu.memref_squeeze %dma_wait3A_1493 : memref<1x128xi32, #tpu.memory_space<vmem>> -> memref<128xi32, #tpu.memory_space<vmem>>
        %dma_wait3A_1495 = arith.constant 0 : i32
        %dma_wait3A_1496 = arith.constant 0 : i32
        %dma_wait3A_1497 = tpu.memref_slice %arg8[%dma_wait3A_1495, %dma_wait3A_1496] : memref<10240x128xf32, #tpu.memory_space<vmem_shared>> -> memref<10240x128xf32, #tpu.memory_space<vmem_shared>>
        tpu.wait_indirect_dma semaphore(%run_scoped3A : memref<!tpu.dma_semaphore, #tpu.memory_space<semaphore_mem>>) src(%arg6 : memref<128x128xf32, #tpu.memory_space<vmem>>) dst(%dma_wait3A_1497 : memref<10240x128xf32, #tpu.memory_space<vmem_shared>>)
        tpu.yield
      }) : () -> ()
      %add3A_1378 = arith.constant 2 : i32
      %add3A_1379 = arith.addi %add3A_1345, %add3A_1378 : i32
      %rem3A_1380 = arith.constant 8 : i32
      %rem3A_1381 = arith.remsi %add3A_1379, %rem3A_1380 : i32
      %mul3A_1382 = arith.constant 2 : i32
      %mul3A_1383 = arith.muli %mul3A_1382, %rem3A_1381 : i32
      %dma_start3A_1384 = arith.constant 0 : i32
      %dma_start3A_1385 = tpu.memref_slice %arg5[%mul3A_1383, %dma_start3A_1384] : memref<16x128xi32, #tpu.memory_space<vmem>> -> memref<1x128xi32, #tpu.memory_space<vmem>>
      %dma_start3A_1386 = tpu.memref_squeeze %dma_start3A_1385 : memref<1x128xi32, #tpu.memory_space<vmem>> -> memref<128xi32, #tpu.memory_space<vmem>>
      %dma_start3A_1387 = arith.constant 0 : i32
      %dma_start3A_1388 = arith.constant 0 : i32
      %dma_start3A_1389 = tpu.memref_slice %arg2[%arg0, %dma_start3A_1387, %dma_start3A_1388] : memref<2x10240x128xf32, #tpu.memory_space<hbm>> -> memref<1x10240x128xf32, #tpu.memory_space<hbm>>
      %dma_start3A_1390 = tpu.memref_squeeze %dma_start3A_1389 : memref<1x10240x128xf32, #tpu.memory_space<hbm>> -> memref<10240x128xf32, #tpu.memory_space<hbm>>
      %dma_start3A_1391 = arith.constant 0 : i32
      %dma_start3A_1392 = arith.constant 0 : i32
      %dma_start3A_1393 = tpu.memref_slice %dma_start3A_1390[%dma_start3A_1391, %dma_start3A_1392] : memref<10240x128xf32, #tpu.memory_space<hbm>> -> memref<10240x128xf32, #tpu.memory_space<hbm>>
      tpu.enqueue_indirect_dma source(%dma_start3A_1393 : memref<10240x128xf32, #tpu.memory_space<hbm>>) target(%arg6 : memref<128x128xf32, #tpu.memory_space<vmem>>) offsets(%dma_start3A_1386 : memref<128xi32, #tpu.memory_space<vmem>>) semaphore(%arg9 : memref<!tpu.dma_semaphore, #tpu.memory_space<semaphore_mem>>)
      %add3A_1394 = arith.constant 4 : i32
      %add3A_1395 = arith.addi %add3A_1345, %add3A_1394 : i32
      %add3A_1396 = arith.constant 4 : i32
      %add3A_1397 = arith.addi %add3A_1345, %add3A_1396 : i32
      %rem3A_1398 = arith.constant 8 : i32
      %rem3A_1399 = arith.remsi %add3A_1397, %rem3A_1398 : i32
      %mul3A_1400 = arith.constant 2 : i32
      %mul3A_1401 = arith.muli %mul3A_1400, %rem3A_1399 : i32
      %dma_start3A_1402 = arith.constant 0 : i32
      %dma_start3A_1403 = tpu.memref_slice %arg5[%mul3A_1401, %dma_start3A_1402] : memref<16x128xi32, #tpu.memory_space<vmem>> -> memref<2x128xi32, #tpu.memory_space<vmem>>
      %dma_start3A_1404 = arith.constant 0 : i32
      %dma_start3A_1405 = arith.constant 0 : i32
      %dma_start3A_1406 = tpu.memref_slice %arg3[%arg1, %add3A_1395, %dma_start3A_1404, %dma_start3A_1405] : memref<16x164x2x128xi32, #tpu.memory_space<hbm>> -> memref<1x1x2x128xi32, #tpu.memory_space<hbm>>
      %dma_start3A_1407 = tpu.memref_squeeze %dma_start3A_1406 : memref<1x1x2x128xi32, #tpu.memory_space<hbm>> -> memref<2x128xi32, #tpu.memory_space<hbm>>
      %dma_start3A_1408 = arith.constant 0 : i32
      %dma_start3A_1409 = tpu.memref_slice %arg5[%mul3A_1401, %dma_start3A_1408] : memref<16x128xi32, #tpu.memory_space<vmem>> -> memref<2x128xi32, #tpu.memory_space<vmem>>
      %dma_start3A_1410 = arith.constant 0 : i32
      %dma_start3A_1411 = arith.constant 0 : i32
      %dma_start3A_1412 = tpu.memref_slice %arg3[%arg1, %add3A_1395, %dma_start3A_1410, %dma_start3A_1411] : memref<16x164x2x128xi32, #tpu.memory_space<hbm>> -> memref<1x1x2x128xi32, #tpu.memory_space<hbm>>
      %dma_start3A_1413 = tpu.memref_squeeze %dma_start3A_1412 : memref<1x1x2x128xi32, #tpu.memory_space<hbm>> -> memref<2x128xi32, #tpu.memory_space<hbm>>
      tpu.enqueue_dma source(%dma_start3A_1413 : memref<2x128xi32, #tpu.memory_space<hbm>>) target(%dma_start3A_1409 : memref<2x128xi32, #tpu.memory_space<vmem>>) target_semaphore(%arg13 : memref<!tpu.dma_semaphore, #tpu.memory_space<semaphore_mem>>)
      %mul3A_1414 = arith.constant 4 : i32
      %mul3A_1415 = arith.muli %scan3A_1199, %mul3A_1414 : i32
      %add3A_1416 = arith.constant 3 : i32
      %add3A_1417 = arith.addi %mul3A_1415, %add3A_1416 : i32
      %dma_wait3A_1418 = arith.constant 0 : i32
      %dma_wait3A_1419 = arith.constant 0 : i32
      %dma_wait3A_1420 = arith.constant 0 : i32
      %dma_wait3A_1421 = tpu.memref_slice %arg5[%dma_wait3A_1419, %dma_wait3A_1420] : memref<16x128xi32, #tpu.memory_space<vmem>> -> memref<2x128xi32, #tpu.memory_space<vmem>>
      %dma_wait3A_1422 = arith.constant 0 : i32
      %dma_wait3A_1423 = arith.constant 0 : i32
      %dma_wait3A_1424 = tpu.memref_slice %arg3[%arg1, %dma_wait3A_1418, %dma_wait3A_1422, %dma_wait3A_1423] : memref<16x164x2x128xi32, #tpu.memory_space<hbm>> -> memref<1x1x2x128xi32, #tpu.memory_space<hbm>>
      %dma_wait3A_1425 = tpu.memref_squeeze %dma_wait3A_1424 : memref<1x1x2x128xi32, #tpu.memory_space<hbm>> -> memref<2x128xi32, #tpu.memory_space<hbm>>
      %dma_wait3A_1426 = arith.constant 0 : i32
      %dma_wait3A_1427 = arith.constant 0 : i32
      %dma_wait3A_1428 = tpu.memref_slice %arg5[%dma_wait3A_1426, %dma_wait3A_1427] : memref<16x128xi32, #tpu.memory_space<vmem>> -> memref<2x128xi32, #tpu.memory_space<vmem>>
      %dma_wait3A_1429 = arith.constant 0 : i32
      %dma_wait3A_1430 = arith.constant 0 : i32
      %dma_wait3A_1431 = tpu.memref_slice %arg3[%arg1, %dma_wait3A_1418, %dma_wait3A_1429, %dma_wait3A_1430] : memref<16x164x2x128xi32, #tpu.memory_space<hbm>> -> memref<1x1x2x128xi32, #tpu.memory_space<hbm>>
      %dma_wait3A_1432 = tpu.memref_squeeze %dma_wait3A_1431 : memref<1x1x2x128xi32, #tpu.memory_space<hbm>> -> memref<2x128xi32, #tpu.memory_space<hbm>>
      tpu.wait_dma2 semaphore(%arg12 : memref<!tpu.dma_semaphore, #tpu.memory_space<semaphore_mem>>) src(%dma_wait3A_1432 : memref<2x128xi32, #tpu.memory_space<hbm>>) dst(%dma_wait3A_1428 : memref<2x128xi32, #tpu.memory_space<vmem>>)
      %dma_wait3A_1433 = arith.constant 0 : i32
      %dma_wait3A_1434 = arith.constant 0 : i32
      %dma_wait3A_1435 = tpu.memref_slice %arg5[%dma_wait3A_1433, %dma_wait3A_1434] : memref<16x128xi32, #tpu.memory_space<vmem>> -> memref<1x128xi32, #tpu.memory_space<vmem>>
      %dma_wait3A_1436 = tpu.memref_squeeze %dma_wait3A_1435 : memref<1x128xi32, #tpu.memory_space<vmem>> -> memref<128xi32, #tpu.memory_space<vmem>>
      %dma_wait3A_1437 = arith.constant 0 : i32
      %dma_wait3A_1438 = arith.constant 0 : i32
      %dma_wait3A_1439 = tpu.memref_slice %arg2[%arg0, %dma_wait3A_1437, %dma_wait3A_1438] : memref<2x10240x128xf32, #tpu.memory_space<hbm>> -> memref<1x10240x128xf32, #tpu.memory_space<hbm>>
      %dma_wait3A_1440 = tpu.memref_squeeze %dma_wait3A_1439 : memref<1x10240x128xf32, #tpu.memory_space<hbm>> -> memref<10240x128xf32, #tpu.memory_space<hbm>>
      %dma_wait3A_1441 = arith.constant 0 : i32
      %dma_wait3A_1442 = arith.constant 0 : i32
      %dma_wait3A_1443 = tpu.memref_slice %dma_wait3A_1440[%dma_wait3A_1441, %dma_wait3A_1442] : memref<10240x128xf32, #tpu.memory_space<hbm>> -> memref<10240x128xf32, #tpu.memory_space<hbm>>
      tpu.wait_indirect_dma semaphore(%arg10 : memref<!tpu.dma_semaphore, #tpu.memory_space<semaphore_mem>>) src(%dma_wait3A_1443 : memref<10240x128xf32, #tpu.memory_space<hbm>>) dst(%arg7 : memref<128x128xf32, #tpu.memory_space<vmem>>)
      %rem3A_1444 = arith.constant 8 : i32
      %rem3A_1445 = arith.remsi %add3A_1417, %rem3A_1444 : i32
      %mul3A_1446 = arith.constant 2 : i32
      %mul3A_1447 = arith.muli %mul3A_1446, %rem3A_1445 : i32
      %add3A_1448 = arith.constant 1 : i32
      %add3A_1449 = arith.addi %mul3A_1447, %add3A_1448 : i32
      "tpu.region"() ({
        %run_scoped3A = tpu.sem_alloc : memref<!tpu.dma_semaphore, #tpu.memory_space<semaphore_mem>>
        %dma_start3A_1486 = arith.constant 0 : i32
        %dma_start3A_1487 = tpu.memref_slice %arg5[%add3A_1449, %dma_start3A_1486] : memref<16x128xi32, #tpu.memory_space<vmem>> -> memref<1x128xi32, #tpu.memory_space<vmem>>
        %dma_start3A_1488 = tpu.memref_squeeze %dma_start3A_1487 : memref<1x128xi32, #tpu.memory_space<vmem>> -> memref<128xi32, #tpu.memory_space<vmem>>
        %dma_start3A_1489 = arith.constant 0 : i32
        %dma_start3A_1490 = arith.constant 0 : i32
        %dma_start3A_1491 = tpu.memref_slice %arg8[%dma_start3A_1489, %dma_start3A_1490] : memref<10240x128xf32, #tpu.memory_space<vmem_shared>> -> memref<10240x128xf32, #tpu.memory_space<vmem_shared>>
        tpu.enqueue_indirect_dma source(%arg7 : memref<128x128xf32, #tpu.memory_space<vmem>>) target(%dma_start3A_1491 : memref<10240x128xf32, #tpu.memory_space<vmem_shared>>) offsets(%dma_start3A_1488 : memref<128xi32, #tpu.memory_space<vmem>>) semaphore(%run_scoped3A : memref<!tpu.dma_semaphore, #tpu.memory_space<semaphore_mem>>) {add = true}
        %dma_wait3A_1492 = arith.constant 0 : i32
        %dma_wait3A_1493 = tpu.memref_slice %arg5[%add3A_1449, %dma_wait3A_1492] : memref<16x128xi32, #tpu.memory_space<vmem>> -> memref<1x128xi32, #tpu.memory_space<vmem>>
        %dma_wait3A_1494 = tpu.memref_squeeze %dma_wait3A_1493 : memref<1x128xi32, #tpu.memory_space<vmem>> -> memref<128xi32, #tpu.memory_space<vmem>>
        %dma_wait3A_1495 = arith.constant 0 : i32
        %dma_wait3A_1496 = arith.constant 0 : i32
        %dma_wait3A_1497 = tpu.memref_slice %arg8[%dma_wait3A_1495, %dma_wait3A_1496] : memref<10240x128xf32, #tpu.memory_space<vmem_shared>> -> memref<10240x128xf32, #tpu.memory_space<vmem_shared>>
        tpu.wait_indirect_dma semaphore(%run_scoped3A : memref<!tpu.dma_semaphore, #tpu.memory_space<semaphore_mem>>) src(%arg7 : memref<128x128xf32, #tpu.memory_space<vmem>>) dst(%dma_wait3A_1497 : memref<10240x128xf32, #tpu.memory_space<vmem_shared>>)
        tpu.yield
      }) : () -> ()
      %add3A_1450 = arith.constant 2 : i32
      %add3A_1451 = arith.addi %add3A_1417, %add3A_1450 : i32
      %rem3A_1452 = arith.constant 8 : i32
      %rem3A_1453 = arith.remsi %add3A_1451, %rem3A_1452 : i32
      %mul3A_1454 = arith.constant 2 : i32
      %mul3A_1455 = arith.muli %mul3A_1454, %rem3A_1453 : i32
      %dma_start3A_1456 = arith.constant 0 : i32
      %dma_start3A_1457 = tpu.memref_slice %arg5[%mul3A_1455, %dma_start3A_1456] : memref<16x128xi32, #tpu.memory_space<vmem>> -> memref<1x128xi32, #tpu.memory_space<vmem>>
      %dma_start3A_1458 = tpu.memref_squeeze %dma_start3A_1457 : memref<1x128xi32, #tpu.memory_space<vmem>> -> memref<128xi32, #tpu.memory_space<vmem>>
      %dma_start3A_1459 = arith.constant 0 : i32
      %dma_start3A_1460 = arith.constant 0 : i32
      %dma_start3A_1461 = tpu.memref_slice %arg2[%arg0, %dma_start3A_1459, %dma_start3A_1460] : memref<2x10240x128xf32, #tpu.memory_space<hbm>> -> memref<1x10240x128xf32, #tpu.memory_space<hbm>>
      %dma_start3A_1462 = tpu.memref_squeeze %dma_start3A_1461 : memref<1x10240x128xf32, #tpu.memory_space<hbm>> -> memref<10240x128xf32, #tpu.memory_space<hbm>>
      %dma_start3A_1463 = arith.constant 0 : i32
      %dma_start3A_1464 = arith.constant 0 : i32
      %dma_start3A_1465 = tpu.memref_slice %dma_start3A_1462[%dma_start3A_1463, %dma_start3A_1464] : memref<10240x128xf32, #tpu.memory_space<hbm>> -> memref<10240x128xf32, #tpu.memory_space<hbm>>
      tpu.enqueue_indirect_dma source(%dma_start3A_1465 : memref<10240x128xf32, #tpu.memory_space<hbm>>) target(%arg7 : memref<128x128xf32, #tpu.memory_space<vmem>>) offsets(%dma_start3A_1458 : memref<128xi32, #tpu.memory_space<vmem>>) semaphore(%arg10 : memref<!tpu.dma_semaphore, #tpu.memory_space<semaphore_mem>>)
      %add3A_1466 = arith.constant 4 : i32
      %add3A_1467 = arith.addi %add3A_1417, %add3A_1466 : i32
      %add3A_1468 = arith.constant 4 : i32
      %add3A_1469 = arith.addi %add3A_1417, %add3A_1468 : i32
      %rem3A_1470 = arith.constant 8 : i32
      %rem3A_1471 = arith.remsi %add3A_1469, %rem3A_1470 : i32
      %mul3A_1472 = arith.constant 2 : i32
      %mul3A_1473 = arith.muli %mul3A_1472, %rem3A_1471 : i32
      %dma_start3A_1474 = arith.constant 0 : i32
      %dma_start3A_1475 = tpu.memref_slice %arg5[%mul3A_1473, %dma_start3A_1474] : memref<16x128xi32, #tpu.memory_space<vmem>> -> memref<2x128xi32, #tpu.memory_space<vmem>>
      %dma_start3A_1476 = arith.constant 0 : i32
      %dma_start3A_1477 = arith.constant 0 : i32
      %dma_start3A_1478 = tpu.memref_slice %arg3[%arg1, %add3A_1467, %dma_start3A_1476, %dma_start3A_1477] : memref<16x164x2x128xi32, #tpu.memory_space<hbm>> -> memref<1x1x2x128xi32, #tpu.memory_space<hbm>>
      %dma_start3A_1479 = tpu.memref_squeeze %dma_start3A_1478 : memref<1x1x2x128xi32, #tpu.memory_space<hbm>> -> memref<2x128xi32, #tpu.memory_space<hbm>>
      %dma_start3A_1480 = arith.constant 0 : i32
      %dma_start3A_1481 = tpu.memref_slice %arg5[%mul3A_1473, %dma_start3A_1480] : memref<16x128xi32, #tpu.memory_space<vmem>> -> memref<2x128xi32, #tpu.memory_space<vmem>>
      %dma_start3A_1482 = arith.constant 0 : i32
      %dma_start3A_1483 = arith.constant 0 : i32
      %dma_start3A_1484 = tpu.memref_slice %arg3[%arg1, %add3A_1467, %dma_start3A_1482, %dma_start3A_1483] : memref<16x164x2x128xi32, #tpu.memory_space<hbm>> -> memref<1x1x2x128xi32, #tpu.memory_space<hbm>>
      %dma_start3A_1485 = tpu.memref_squeeze %dma_start3A_1484 : memref<1x1x2x128xi32, #tpu.memory_space<hbm>> -> memref<2x128xi32, #tpu.memory_space<hbm>>
      tpu.enqueue_dma source(%dma_start3A_1485 : memref<2x128xi32, #tpu.memory_space<hbm>>) target(%dma_start3A_1481 : memref<2x128xi32, #tpu.memory_space<vmem>>) target_semaphore(%arg14 : memref<!tpu.dma_semaphore, #tpu.memory_space<semaphore_mem>>)
    }
    %scan3A_1142 = arith.constant 40 : i32
    %dma_wait3A_1143 = arith.constant 0 : i32
    %dma_wait3A_1144 = arith.constant 0 : i32
    %dma_wait3A_1145 = tpu.memref_slice %arg5[%dma_wait3A_1143, %dma_wait3A_1144] : memref<16x128xi32, #tpu.memory_space<vmem>> -> memref<1x128xi32, #tpu.memory_space<vmem>>
    %dma_wait3A_1146 = tpu.memref_squeeze %dma_wait3A_1145 : memref<1x128xi32, #tpu.memory_space<vmem>> -> memref<128xi32, #tpu.memory_space<vmem>>
    %dma_wait3A_1147 = arith.constant 0 : i32
    %dma_wait3A_1148 = arith.constant 0 : i32
    %dma_wait3A_1149 = tpu.memref_slice %arg2[%arg0, %dma_wait3A_1147, %dma_wait3A_1148] : memref<2x10240x128xf32, #tpu.memory_space<hbm>> -> memref<1x10240x128xf32, #tpu.memory_space<hbm>>
    %dma_wait3A_1150 = tpu.memref_squeeze %dma_wait3A_1149 : memref<1x10240x128xf32, #tpu.memory_space<hbm>> -> memref<10240x128xf32, #tpu.memory_space<hbm>>
    %dma_wait3A_1151 = arith.constant 0 : i32
    %dma_wait3A_1152 = arith.constant 0 : i32
    %dma_wait3A_1153 = tpu.memref_slice %dma_wait3A_1150[%dma_wait3A_1151, %dma_wait3A_1152] : memref<10240x128xf32, #tpu.memory_space<hbm>> -> memref<10240x128xf32, #tpu.memory_space<hbm>>
    tpu.wait_indirect_dma semaphore(%arg9 : memref<!tpu.dma_semaphore, #tpu.memory_space<semaphore_mem>>) src(%dma_wait3A_1153 : memref<10240x128xf32, #tpu.memory_space<hbm>>) dst(%arg6 : memref<128x128xf32, #tpu.memory_space<vmem>>)
    %dma_wait3A_1154 = arith.constant 0 : i32
    %dma_wait3A_1155 = arith.constant 0 : i32
    %dma_wait3A_1156 = arith.constant 0 : i32
    %dma_wait3A_1157 = tpu.memref_slice %arg5[%dma_wait3A_1155, %dma_wait3A_1156] : memref<16x128xi32, #tpu.memory_space<vmem>> -> memref<2x128xi32, #tpu.memory_space<vmem>>
    %dma_wait3A_1158 = arith.constant 0 : i32
    %dma_wait3A_1159 = arith.constant 0 : i32
    %dma_wait3A_1160 = tpu.memref_slice %arg3[%arg1, %dma_wait3A_1154, %dma_wait3A_1158, %dma_wait3A_1159] : memref<16x164x2x128xi32, #tpu.memory_space<hbm>> -> memref<1x1x2x128xi32, #tpu.memory_space<hbm>>
    %dma_wait3A_1161 = tpu.memref_squeeze %dma_wait3A_1160 : memref<1x1x2x128xi32, #tpu.memory_space<hbm>> -> memref<2x128xi32, #tpu.memory_space<hbm>>
    %dma_wait3A_1162 = arith.constant 0 : i32
    %dma_wait3A_1163 = arith.constant 0 : i32
    %dma_wait3A_1164 = tpu.memref_slice %arg5[%dma_wait3A_1162, %dma_wait3A_1163] : memref<16x128xi32, #tpu.memory_space<vmem>> -> memref<2x128xi32, #tpu.memory_space<vmem>>
    %dma_wait3A_1165 = arith.constant 0 : i32
    %dma_wait3A_1166 = arith.constant 0 : i32
    %dma_wait3A_1167 = tpu.memref_slice %arg3[%arg1, %dma_wait3A_1154, %dma_wait3A_1165, %dma_wait3A_1166] : memref<16x164x2x128xi32, #tpu.memory_space<hbm>> -> memref<1x1x2x128xi32, #tpu.memory_space<hbm>>
    %dma_wait3A_1168 = tpu.memref_squeeze %dma_wait3A_1167 : memref<1x1x2x128xi32, #tpu.memory_space<hbm>> -> memref<2x128xi32, #tpu.memory_space<hbm>>
    tpu.wait_dma2 semaphore(%arg13 : memref<!tpu.dma_semaphore, #tpu.memory_space<semaphore_mem>>) src(%dma_wait3A_1168 : memref<2x128xi32, #tpu.memory_space<hbm>>) dst(%dma_wait3A_1164 : memref<2x128xi32, #tpu.memory_space<vmem>>)
    %dma_wait3A_1169 = arith.constant 0 : i32
    %dma_wait3A_1170 = arith.constant 0 : i32
    %dma_wait3A_1171 = tpu.memref_slice %arg5[%dma_wait3A_1169, %dma_wait3A_1170] : memref<16x128xi32, #tpu.memory_space<vmem>> -> memref<1x128xi32, #tpu.memory_space<vmem>>
    %dma_wait3A_1172 = tpu.memref_squeeze %dma_wait3A_1171 : memref<1x128xi32, #tpu.memory_space<vmem>> -> memref<128xi32, #tpu.memory_space<vmem>>
    %dma_wait3A_1173 = arith.constant 0 : i32
    %dma_wait3A_1174 = arith.constant 0 : i32
    %dma_wait3A_1175 = tpu.memref_slice %arg2[%arg0, %dma_wait3A_1173, %dma_wait3A_1174] : memref<2x10240x128xf32, #tpu.memory_space<hbm>> -> memref<1x10240x128xf32, #tpu.memory_space<hbm>>
    %dma_wait3A_1176 = tpu.memref_squeeze %dma_wait3A_1175 : memref<1x10240x128xf32, #tpu.memory_space<hbm>> -> memref<10240x128xf32, #tpu.memory_space<hbm>>
    %dma_wait3A_1177 = arith.constant 0 : i32
    %dma_wait3A_1178 = arith.constant 0 : i32
    %dma_wait3A_1179 = tpu.memref_slice %dma_wait3A_1176[%dma_wait3A_1177, %dma_wait3A_1178] : memref<10240x128xf32, #tpu.memory_space<hbm>> -> memref<10240x128xf32, #tpu.memory_space<hbm>>
    tpu.wait_indirect_dma semaphore(%arg10 : memref<!tpu.dma_semaphore, #tpu.memory_space<semaphore_mem>>) src(%dma_wait3A_1179 : memref<10240x128xf32, #tpu.memory_space<hbm>>) dst(%arg7 : memref<128x128xf32, #tpu.memory_space<vmem>>)
    %dma_wait3A_1180 = arith.constant 0 : i32
    %dma_wait3A_1181 = arith.constant 0 : i32
    %dma_wait3A_1182 = arith.constant 0 : i32
    %dma_wait3A_1183 = tpu.memref_slice %arg5[%dma_wait3A_1181, %dma_wait3A_1182] : memref<16x128xi32, #tpu.memory_space<vmem>> -> memref<2x128xi32, #tpu.memory_space<vmem>>
    %dma_wait3A_1184 = arith.constant 0 : i32
    %dma_wait3A_1185 = arith.constant 0 : i32
    %dma_wait3A_1186 = tpu.memref_slice %arg3[%arg1, %dma_wait3A_1180, %dma_wait3A_1184, %dma_wait3A_1185] : memref<16x164x2x128xi32, #tpu.memory_space<hbm>> -> memref<1x1x2x128xi32, #tpu.memory_space<hbm>>
    %dma_wait3A_1187 = tpu.memref_squeeze %dma_wait3A_1186 : memref<1x1x2x128xi32, #tpu.memory_space<hbm>> -> memref<2x128xi32, #tpu.memory_space<hbm>>
    %dma_wait3A_1188 = arith.constant 0 : i32
    %dma_wait3A_1189 = arith.constant 0 : i32
    %dma_wait3A_1190 = tpu.memref_slice %arg5[%dma_wait3A_1188, %dma_wait3A_1189] : memref<16x128xi32, #tpu.memory_space<vmem>> -> memref<2x128xi32, #tpu.memory_space<vmem>>
    %dma_wait3A_1191 = arith.constant 0 : i32
    %dma_wait3A_1192 = arith.constant 0 : i32
    %dma_wait3A_1193 = tpu.memref_slice %arg3[%arg1, %dma_wait3A_1180, %dma_wait3A_1191, %dma_wait3A_1192] : memref<16x164x2x128xi32, #tpu.memory_space<hbm>> -> memref<1x1x2x128xi32, #tpu.memory_space<hbm>>
    %dma_wait3A_1194 = tpu.memref_squeeze %dma_wait3A_1193 : memref<1x1x2x128xi32, #tpu.memory_space<hbm>> -> memref<2x128xi32, #tpu.memory_space<hbm>>
    tpu.wait_dma2 semaphore(%arg14 : memref<!tpu.dma_semaphore, #tpu.memory_space<semaphore_mem>>) src(%dma_wait3A_1194 : memref<2x128xi32, #tpu.memory_space<hbm>>) dst(%dma_wait3A_1190 : memref<2x128xi32, #tpu.memory_space<vmem>>)
    %barrier3A_1195 = arith.constant 0 : index
    tpu.barrier barrier_id(%barrier3A_1195)
    %mul3A = arith.constant 640 : i32
    %mul3A_1196 = arith.muli %arg1, %mul3A : i32
    %mul3A_1197 = arith.constant 640 : i32
    %mul3A_1198 = arith.muli %arg1, %mul3A_1197 : i32
    "tpu.region"() ({
      %run_scoped3A = tpu.sem_alloc : memref<!tpu.dma_semaphore, #tpu.memory_space<semaphore_mem>>
      %dma_start3A_1199 = arith.constant 0 : i32
      %dma_start3A_1200 = tpu.memref_slice %arg4[%arg0, %mul3A_1198, %dma_start3A_1199] : memref<2x10240x128xf32, #tpu.memory_space<hbm>> -> memref<1x640x128xf32, #tpu.memory_space<hbm>>
      %dma_start3A_1201 = tpu.memref_squeeze %dma_start3A_1200 : memref<1x640x128xf32, #tpu.memory_space<hbm>> -> memref<640x128xf32, #tpu.memory_space<hbm>>
      %dma_start3A_1202 = arith.constant 0 : i32
      %dma_start3A_1203 = tpu.memref_slice %arg8[%mul3A_1196, %dma_start3A_1202] : memref<10240x128xf32, #tpu.memory_space<vmem_shared>> -> memref<640x128xf32, #tpu.memory_space<vmem_shared>>
      tpu.enqueue_dma source(%dma_start3A_1203 : memref<640x128xf32, #tpu.memory_space<vmem_shared>>) target(%dma_start3A_1201 : memref<640x128xf32, #tpu.memory_space<hbm>>) target_semaphore(%run_scoped3A : memref<!tpu.dma_semaphore, #tpu.memory_space<semaphore_mem>>)
      %dma_wait3A_1204 = arith.constant 0 : i32
      %dma_wait3A_1205 = tpu.memref_slice %arg4[%arg0, %mul3A_1198, %dma_wait3A_1204] : memref<2x10240x128xf32, #tpu.memory_space<hbm>> -> memref<1x640x128xf32, #tpu.memory_space<hbm>>
      %dma_wait3A_1206 = tpu.memref_squeeze %dma_wait3A_1205 : memref<1x640x128xf32, #tpu.memory_space<hbm>> -> memref<640x128xf32, #tpu.memory_space<hbm>>
      %dma_wait3A_1207 = arith.constant 0 : i32
      %dma_wait3A_1208 = tpu.memref_slice %arg8[%mul3A_1196, %dma_wait3A_1207] : memref<10240x128xf32, #tpu.memory_space<vmem_shared>> -> memref<640x128xf32, #tpu.memory_space<vmem_shared>>
      tpu.wait_dma2 semaphore(%run_scoped3A : memref<!tpu.dma_semaphore, #tpu.memory_space<semaphore_mem>>) src(%dma_wait3A_1208 : memref<640x128xf32, #tpu.memory_space<vmem_shared>>) dst(%dma_wait3A_1206 : memref<640x128xf32, #tpu.memory_space<hbm>>)
      tpu.yield
    }) : () -> ()
    return
  }
}

#map = affine_map<(d0, d1) -> (0, 0, 0, 0)>
#map1 = affine_map<(d0, d1) -> (0, 0)>
module attributes {stable_mosaic.version = 14 : i64} {
  func.func @_deg_body(%arg0: i32, %arg1: i32, %arg2: memref<2x16x80x128xi32, #tpu.memory_space<hbm>>, %arg3: memref<2x10240xf32, #tpu.memory_space<hbm>>, %arg4: memref<80x128xi32, #tpu.memory_space<vmem>>, %arg5: memref<128xf32, #tpu.memory_space<vmem>>, %arg6: memref<640xf32, #tpu.memory_space<vmem>>, %arg7: memref<10240xf32, #tpu.memory_space<vmem_shared>>) attributes {dimension_semantics = [#tpu.dimension_semantics<core_parallel>, #tpu.dimension_semantics<subcore_parallel>], iteration_bounds = array<i64: 2, 16>, scalar_prefetch = 0 : i64, scratch_operands = 4 : i64, tpu.core_type = #tpu.core_type<sc_vector_subcore>, window_params = [{transform_indices = #map}, {transform_indices = #map1}]} {
    %broadcast_in_dim3A = arith.constant 1.000000e+00 : f32
    %broadcast_in_dim3A_0 = vector.broadcast %broadcast_in_dim3A : f32 to vector<16xf32>
    %swap3A = arith.constant 0 : index
    %swap3A_1 = tpu.vector_load %arg5[%swap3A] {strides = array<i32>} : memref<128xf32, #tpu.memory_space<vmem>>, vector<16xf32>,
    %swap3A_2 = vector.shape_cast %swap3A_1 : vector<16xf32> to vector<16xf32>
    %swap3A_3 = vector.shape_cast %broadcast_in_dim3A_0 : vector<16xf32> to vector<16xf32>
    tpu.vector_store %arg5[%swap3A], %swap3A_3 {strides = array<i32>} : memref<128xf32, #tpu.memory_space<vmem>>, vector<16xf32>,
    %broadcast_in_dim3A_4 = arith.constant 1.000000e+00 : f32
    %broadcast_in_dim3A_5 = vector.broadcast %broadcast_in_dim3A_4 : f32 to vector<16xf32>
    %swap3A_6 = arith.constant 16 : index
    %swap3A_7 = tpu.vector_load %arg5[%swap3A_6] {strides = array<i32>} : memref<128xf32, #tpu.memory_space<vmem>>, vector<16xf32>,
    %swap3A_8 = vector.shape_cast %swap3A_7 : vector<16xf32> to vector<16xf32>
    %swap3A_9 = vector.shape_cast %broadcast_in_dim3A_5 : vector<16xf32> to vector<16xf32>
    tpu.vector_store %arg5[%swap3A_6], %swap3A_9 {strides = array<i32>} : memref<128xf32, #tpu.memory_space<vmem>>, vector<16xf32>,
    %broadcast_in_dim3A_10 = arith.constant 1.000000e+00 : f32
    %broadcast_in_dim3A_11 = vector.broadcast %broadcast_in_dim3A_10 : f32 to vector<16xf32>
    %swap3A_12 = arith.constant 32 : index
    %swap3A_13 = tpu.vector_load %arg5[%swap3A_12] {strides = array<i32>} : memref<128xf32, #tpu.memory_space<vmem>>, vector<16xf32>,
    %swap3A_14 = vector.shape_cast %swap3A_13 : vector<16xf32> to vector<16xf32>
    %swap3A_15 = vector.shape_cast %broadcast_in_dim3A_11 : vector<16xf32> to vector<16xf32>
    tpu.vector_store %arg5[%swap3A_12], %swap3A_15 {strides = array<i32>} : memref<128xf32, #tpu.memory_space<vmem>>, vector<16xf32>,
    %broadcast_in_dim3A_16 = arith.constant 1.000000e+00 : f32
    %broadcast_in_dim3A_17 = vector.broadcast %broadcast_in_dim3A_16 : f32 to vector<16xf32>
    %swap3A_18 = arith.constant 48 : index
    %swap3A_19 = tpu.vector_load %arg5[%swap3A_18] {strides = array<i32>} : memref<128xf32, #tpu.memory_space<vmem>>, vector<16xf32>,
    %swap3A_20 = vector.shape_cast %swap3A_19 : vector<16xf32> to vector<16xf32>
    %swap3A_21 = vector.shape_cast %broadcast_in_dim3A_17 : vector<16xf32> to vector<16xf32>
    tpu.vector_store %arg5[%swap3A_18], %swap3A_21 {strides = array<i32>} : memref<128xf32, #tpu.memory_space<vmem>>, vector<16xf32>,
    %broadcast_in_dim3A_22 = arith.constant 1.000000e+00 : f32
    %broadcast_in_dim3A_23 = vector.broadcast %broadcast_in_dim3A_22 : f32 to vector<16xf32>
    %swap3A_24 = arith.constant 64 : index
    %swap3A_25 = tpu.vector_load %arg5[%swap3A_24] {strides = array<i32>} : memref<128xf32, #tpu.memory_space<vmem>>, vector<16xf32>,
    %swap3A_26 = vector.shape_cast %swap3A_25 : vector<16xf32> to vector<16xf32>
    %swap3A_27 = vector.shape_cast %broadcast_in_dim3A_23 : vector<16xf32> to vector<16xf32>
    tpu.vector_store %arg5[%swap3A_24], %swap3A_27 {strides = array<i32>} : memref<128xf32, #tpu.memory_space<vmem>>, vector<16xf32>,
    %broadcast_in_dim3A_28 = arith.constant 1.000000e+00 : f32
    %broadcast_in_dim3A_29 = vector.broadcast %broadcast_in_dim3A_28 : f32 to vector<16xf32>
    %swap3A_30 = arith.constant 80 : index
    %swap3A_31 = tpu.vector_load %arg5[%swap3A_30] {strides = array<i32>} : memref<128xf32, #tpu.memory_space<vmem>>, vector<16xf32>,
    %swap3A_32 = vector.shape_cast %swap3A_31 : vector<16xf32> to vector<16xf32>
    %swap3A_33 = vector.shape_cast %broadcast_in_dim3A_29 : vector<16xf32> to vector<16xf32>
    tpu.vector_store %arg5[%swap3A_30], %swap3A_33 {strides = array<i32>} : memref<128xf32, #tpu.memory_space<vmem>>, vector<16xf32>,
    %broadcast_in_dim3A_34 = arith.constant 1.000000e+00 : f32
    %broadcast_in_dim3A_35 = vector.broadcast %broadcast_in_dim3A_34 : f32 to vector<16xf32>
    %swap3A_36 = arith.constant 96 : index
    %swap3A_37 = tpu.vector_load %arg5[%swap3A_36] {strides = array<i32>} : memref<128xf32, #tpu.memory_space<vmem>>, vector<16xf32>,
    %swap3A_38 = vector.shape_cast %swap3A_37 : vector<16xf32> to vector<16xf32>
    %swap3A_39 = vector.shape_cast %broadcast_in_dim3A_35 : vector<16xf32> to vector<16xf32>
    tpu.vector_store %arg5[%swap3A_36], %swap3A_39 {strides = array<i32>} : memref<128xf32, #tpu.memory_space<vmem>>, vector<16xf32>,
    %broadcast_in_dim3A_40 = arith.constant 1.000000e+00 : f32
    %broadcast_in_dim3A_41 = vector.broadcast %broadcast_in_dim3A_40 : f32 to vector<16xf32>
    %swap3A_42 = arith.constant 112 : index
    %swap3A_43 = tpu.vector_load %arg5[%swap3A_42] {strides = array<i32>} : memref<128xf32, #tpu.memory_space<vmem>>, vector<16xf32>,
    %swap3A_44 = vector.shape_cast %swap3A_43 : vector<16xf32> to vector<16xf32>
    %swap3A_45 = vector.shape_cast %broadcast_in_dim3A_41 : vector<16xf32> to vector<16xf32>
    tpu.vector_store %arg5[%swap3A_42], %swap3A_45 {strides = array<i32>} : memref<128xf32, #tpu.memory_space<vmem>>, vector<16xf32>,
    %broadcast_in_dim3A_46 = arith.constant 0.000000e+00 : f32
    %broadcast_in_dim3A_47 = vector.broadcast %broadcast_in_dim3A_46 : f32 to vector<16xf32>
    %swap3A_48 = arith.constant 0 : index
    %swap3A_49 = tpu.vector_load %arg6[%swap3A_48] {strides = array<i32>} : memref<640xf32, #tpu.memory_space<vmem>>, vector<16xf32>,
    %swap3A_50 = vector.shape_cast %swap3A_49 : vector<16xf32> to vector<16xf32>
    %swap3A_51 = vector.shape_cast %broadcast_in_dim3A_47 : vector<16xf32> to vector<16xf32>
    tpu.vector_store %arg6[%swap3A_48], %swap3A_51 {strides = array<i32>} : memref<640xf32, #tpu.memory_space<vmem>>, vector<16xf32>,
    %broadcast_in_dim3A_52 = arith.constant 0.000000e+00 : f32
    %broadcast_in_dim3A_53 = vector.broadcast %broadcast_in_dim3A_52 : f32 to vector<16xf32>
    %swap3A_54 = arith.constant 16 : index
    %swap3A_55 = tpu.vector_load %arg6[%swap3A_54] {strides = array<i32>} : memref<640xf32, #tpu.memory_space<vmem>>, vector<16xf32>,
    %swap3A_56 = vector.shape_cast %swap3A_55 : vector<16xf32> to vector<16xf32>
    %swap3A_57 = vector.shape_cast %broadcast_in_dim3A_53 : vector<16xf32> to vector<16xf32>
    tpu.vector_store %arg6[%swap3A_54], %swap3A_57 {strides = array<i32>} : memref<640xf32, #tpu.memory_space<vmem>>, vector<16xf32>,
    %broadcast_in_dim3A_58 = arith.constant 0.000000e+00 : f32
    %broadcast_in_dim3A_59 = vector.broadcast %broadcast_in_dim3A_58 : f32 to vector<16xf32>
    %swap3A_60 = arith.constant 32 : index
    %swap3A_61 = tpu.vector_load %arg6[%swap3A_60] {strides = array<i32>} : memref<640xf32, #tpu.memory_space<vmem>>, vector<16xf32>,
    %swap3A_62 = vector.shape_cast %swap3A_61 : vector<16xf32> to vector<16xf32>
    %swap3A_63 = vector.shape_cast %broadcast_in_dim3A_59 : vector<16xf32> to vector<16xf32>
    tpu.vector_store %arg6[%swap3A_60], %swap3A_63 {strides = array<i32>} : memref<640xf32, #tpu.memory_space<vmem>>, vector<16xf32>,
    %broadcast_in_dim3A_64 = arith.constant 0.000000e+00 : f32
    %broadcast_in_dim3A_65 = vector.broadcast %broadcast_in_dim3A_64 : f32 to vector<16xf32>
    %swap3A_66 = arith.constant 48 : index
    %swap3A_67 = tpu.vector_load %arg6[%swap3A_66] {strides = array<i32>} : memref<640xf32, #tpu.memory_space<vmem>>, vector<16xf32>,
    %swap3A_68 = vector.shape_cast %swap3A_67 : vector<16xf32> to vector<16xf32>
    %swap3A_69 = vector.shape_cast %broadcast_in_dim3A_65 : vector<16xf32> to vector<16xf32>
    tpu.vector_store %arg6[%swap3A_66], %swap3A_69 {strides = array<i32>} : memref<640xf32, #tpu.memory_space<vmem>>, vector<16xf32>,
    %broadcast_in_dim3A_70 = arith.constant 0.000000e+00 : f32
    %broadcast_in_dim3A_71 = vector.broadcast %broadcast_in_dim3A_70 : f32 to vector<16xf32>
    %swap3A_72 = arith.constant 64 : index
    %swap3A_73 = tpu.vector_load %arg6[%swap3A_72] {strides = array<i32>} : memref<640xf32, #tpu.memory_space<vmem>>, vector<16xf32>,
    %swap3A_74 = vector.shape_cast %swap3A_73 : vector<16xf32> to vector<16xf32>
    %swap3A_75 = vector.shape_cast %broadcast_in_dim3A_71 : vector<16xf32> to vector<16xf32>
    tpu.vector_store %arg6[%swap3A_72], %swap3A_75 {strides = array<i32>} : memref<640xf32, #tpu.memory_space<vmem>>, vector<16xf32>,
    %broadcast_in_dim3A_76 = arith.constant 0.000000e+00 : f32
    %broadcast_in_dim3A_77 = vector.broadcast %broadcast_in_dim3A_76 : f32 to vector<16xf32>
    %swap3A_78 = arith.constant 80 : index
    %swap3A_79 = tpu.vector_load %arg6[%swap3A_78] {strides = array<i32>} : memref<640xf32, #tpu.memory_space<vmem>>, vector<16xf32>,
    %swap3A_80 = vector.shape_cast %swap3A_79 : vector<16xf32> to vector<16xf32>
    %swap3A_81 = vector.shape_cast %broadcast_in_dim3A_77 : vector<16xf32> to vector<16xf32>
    tpu.vector_store %arg6[%swap3A_78], %swap3A_81 {strides = array<i32>} : memref<640xf32, #tpu.memory_space<vmem>>, vector<16xf32>,
    %broadcast_in_dim3A_82 = arith.constant 0.000000e+00 : f32
    %broadcast_in_dim3A_83 = vector.broadcast %broadcast_in_dim3A_82 : f32 to vector<16xf32>
    %swap3A_84 = arith.constant 96 : index
    %swap3A_85 = tpu.vector_load %arg6[%swap3A_84] {strides = array<i32>} : memref<640xf32, #tpu.memory_space<vmem>>, vector<16xf32>,
    %swap3A_86 = vector.shape_cast %swap3A_85 : vector<16xf32> to vector<16xf32>
    %swap3A_87 = vector.shape_cast %broadcast_in_dim3A_83 : vector<16xf32> to vector<16xf32>
    tpu.vector_store %arg6[%swap3A_84], %swap3A_87 {strides = array<i32>} : memref<640xf32, #tpu.memory_space<vmem>>, vector<16xf32>,
    %broadcast_in_dim3A_88 = arith.constant 0.000000e+00 : f32
    %broadcast_in_dim3A_89 = vector.broadcast %broadcast_in_dim3A_88 : f32 to vector<16xf32>
    %swap3A_90 = arith.constant 112 : index
    %swap3A_91 = tpu.vector_load %arg6[%swap3A_90] {strides = array<i32>} : memref<640xf32, #tpu.memory_space<vmem>>, vector<16xf32>,
    %swap3A_92 = vector.shape_cast %swap3A_91 : vector<16xf32> to vector<16xf32>
    %swap3A_93 = vector.shape_cast %broadcast_in_dim3A_89 : vector<16xf32> to vector<16xf32>
    tpu.vector_store %arg6[%swap3A_90], %swap3A_93 {strides = array<i32>} : memref<640xf32, #tpu.memory_space<vmem>>, vector<16xf32>,
    %broadcast_in_dim3A_94 = arith.constant 0.000000e+00 : f32
    %broadcast_in_dim3A_95 = vector.broadcast %broadcast_in_dim3A_94 : f32 to vector<16xf32>
    %swap3A_96 = arith.constant 128 : index
    %swap3A_97 = tpu.vector_load %arg6[%swap3A_96] {strides = array<i32>} : memref<640xf32, #tpu.memory_space<vmem>>, vector<16xf32>,
    %swap3A_98 = vector.shape_cast %swap3A_97 : vector<16xf32> to vector<16xf32>
    %swap3A_99 = vector.shape_cast %broadcast_in_dim3A_95 : vector<16xf32> to vector<16xf32>
    tpu.vector_store %arg6[%swap3A_96], %swap3A_99 {strides = array<i32>} : memref<640xf32, #tpu.memory_space<vmem>>, vector<16xf32>,
    %broadcast_in_dim3A_100 = arith.constant 0.000000e+00 : f32
    %broadcast_in_dim3A_101 = vector.broadcast %broadcast_in_dim3A_100 : f32 to vector<16xf32>
    %swap3A_102 = arith.constant 144 : index
    %swap3A_103 = tpu.vector_load %arg6[%swap3A_102] {strides = array<i32>} : memref<640xf32, #tpu.memory_space<vmem>>, vector<16xf32>,
    %swap3A_104 = vector.shape_cast %swap3A_103 : vector<16xf32> to vector<16xf32>
    %swap3A_105 = vector.shape_cast %broadcast_in_dim3A_101 : vector<16xf32> to vector<16xf32>
    tpu.vector_store %arg6[%swap3A_102], %swap3A_105 {strides = array<i32>} : memref<640xf32, #tpu.memory_space<vmem>>, vector<16xf32>,
    %broadcast_in_dim3A_106 = arith.constant 0.000000e+00 : f32
    %broadcast_in_dim3A_107 = vector.broadcast %broadcast_in_dim3A_106 : f32 to vector<16xf32>
    %swap3A_108 = arith.constant 160 : index
    %swap3A_109 = tpu.vector_load %arg6[%swap3A_108] {strides = array<i32>} : memref<640xf32, #tpu.memory_space<vmem>>, vector<16xf32>,
    %swap3A_110 = vector.shape_cast %swap3A_109 : vector<16xf32> to vector<16xf32>
    %swap3A_111 = vector.shape_cast %broadcast_in_dim3A_107 : vector<16xf32> to vector<16xf32>
    tpu.vector_store %arg6[%swap3A_108], %swap3A_111 {strides = array<i32>} : memref<640xf32, #tpu.memory_space<vmem>>, vector<16xf32>,
    %broadcast_in_dim3A_112 = arith.constant 0.000000e+00 : f32
    %broadcast_in_dim3A_113 = vector.broadcast %broadcast_in_dim3A_112 : f32 to vector<16xf32>
    %swap3A_114 = arith.constant 176 : index
    %swap3A_115 = tpu.vector_load %arg6[%swap3A_114] {strides = array<i32>} : memref<640xf32, #tpu.memory_space<vmem>>, vector<16xf32>,
    %swap3A_116 = vector.shape_cast %swap3A_115 : vector<16xf32> to vector<16xf32>
    %swap3A_117 = vector.shape_cast %broadcast_in_dim3A_113 : vector<16xf32> to vector<16xf32>
    tpu.vector_store %arg6[%swap3A_114], %swap3A_117 {strides = array<i32>} : memref<640xf32, #tpu.memory_space<vmem>>, vector<16xf32>,
    %broadcast_in_dim3A_118 = arith.constant 0.000000e+00 : f32
    %broadcast_in_dim3A_119 = vector.broadcast %broadcast_in_dim3A_118 : f32 to vector<16xf32>
    %swap3A_120 = arith.constant 192 : index
    %swap3A_121 = tpu.vector_load %arg6[%swap3A_120] {strides = array<i32>} : memref<640xf32, #tpu.memory_space<vmem>>, vector<16xf32>,
    %swap3A_122 = vector.shape_cast %swap3A_121 : vector<16xf32> to vector<16xf32>
    %swap3A_123 = vector.shape_cast %broadcast_in_dim3A_119 : vector<16xf32> to vector<16xf32>
    tpu.vector_store %arg6[%swap3A_120], %swap3A_123 {strides = array<i32>} : memref<640xf32, #tpu.memory_space<vmem>>, vector<16xf32>,
    %broadcast_in_dim3A_124 = arith.constant 0.000000e+00 : f32
    %broadcast_in_dim3A_125 = vector.broadcast %broadcast_in_dim3A_124 : f32 to vector<16xf32>
    %swap3A_126 = arith.constant 208 : index
    %swap3A_127 = tpu.vector_load %arg6[%swap3A_126] {strides = array<i32>} : memref<640xf32, #tpu.memory_space<vmem>>, vector<16xf32>,
    %swap3A_128 = vector.shape_cast %swap3A_127 : vector<16xf32> to vector<16xf32>
    %swap3A_129 = vector.shape_cast %broadcast_in_dim3A_125 : vector<16xf32> to vector<16xf32>
    tpu.vector_store %arg6[%swap3A_126], %swap3A_129 {strides = array<i32>} : memref<640xf32, #tpu.memory_space<vmem>>, vector<16xf32>,
    %broadcast_in_dim3A_130 = arith.constant 0.000000e+00 : f32
    %broadcast_in_dim3A_131 = vector.broadcast %broadcast_in_dim3A_130 : f32 to vector<16xf32>
    %swap3A_132 = arith.constant 224 : index
    %swap3A_133 = tpu.vector_load %arg6[%swap3A_132] {strides = array<i32>} : memref<640xf32, #tpu.memory_space<vmem>>, vector<16xf32>,
    %swap3A_134 = vector.shape_cast %swap3A_133 : vector<16xf32> to vector<16xf32>
    %swap3A_135 = vector.shape_cast %broadcast_in_dim3A_131 : vector<16xf32> to vector<16xf32>
    tpu.vector_store %arg6[%swap3A_132], %swap3A_135 {strides = array<i32>} : memref<640xf32, #tpu.memory_space<vmem>>, vector<16xf32>,
    %broadcast_in_dim3A_136 = arith.constant 0.000000e+00 : f32
    %broadcast_in_dim3A_137 = vector.broadcast %broadcast_in_dim3A_136 : f32 to vector<16xf32>
    %swap3A_138 = arith.constant 240 : index
    %swap3A_139 = tpu.vector_load %arg6[%swap3A_138] {strides = array<i32>} : memref<640xf32, #tpu.memory_space<vmem>>, vector<16xf32>,
    %swap3A_140 = vector.shape_cast %swap3A_139 : vector<16xf32> to vector<16xf32>
    %swap3A_141 = vector.shape_cast %broadcast_in_dim3A_137 : vector<16xf32> to vector<16xf32>
    tpu.vector_store %arg6[%swap3A_138], %swap3A_141 {strides = array<i32>} : memref<640xf32, #tpu.memory_space<vmem>>, vector<16xf32>,
    %broadcast_in_dim3A_142 = arith.constant 0.000000e+00 : f32
    %broadcast_in_dim3A_143 = vector.broadcast %broadcast_in_dim3A_142 : f32 to vector<16xf32>
    %swap3A_144 = arith.constant 256 : index
    %swap3A_145 = tpu.vector_load %arg6[%swap3A_144] {strides = array<i32>} : memref<640xf32, #tpu.memory_space<vmem>>, vector<16xf32>,
    %swap3A_146 = vector.shape_cast %swap3A_145 : vector<16xf32> to vector<16xf32>
    %swap3A_147 = vector.shape_cast %broadcast_in_dim3A_143 : vector<16xf32> to vector<16xf32>
    tpu.vector_store %arg6[%swap3A_144], %swap3A_147 {strides = array<i32>} : memref<640xf32, #tpu.memory_space<vmem>>, vector<16xf32>,
    %broadcast_in_dim3A_148 = arith.constant 0.000000e+00 : f32
    %broadcast_in_dim3A_149 = vector.broadcast %broadcast_in_dim3A_148 : f32 to vector<16xf32>
    %swap3A_150 = arith.constant 272 : index
    %swap3A_151 = tpu.vector_load %arg6[%swap3A_150] {strides = array<i32>} : memref<640xf32, #tpu.memory_space<vmem>>, vector<16xf32>,
    %swap3A_152 = vector.shape_cast %swap3A_151 : vector<16xf32> to vector<16xf32>
    %swap3A_153 = vector.shape_cast %broadcast_in_dim3A_149 : vector<16xf32> to vector<16xf32>
    tpu.vector_store %arg6[%swap3A_150], %swap3A_153 {strides = array<i32>} : memref<640xf32, #tpu.memory_space<vmem>>, vector<16xf32>,
    %broadcast_in_dim3A_154 = arith.constant 0.000000e+00 : f32
    %broadcast_in_dim3A_155 = vector.broadcast %broadcast_in_dim3A_154 : f32 to vector<16xf32>
    %swap3A_156 = arith.constant 288 : index
    %swap3A_157 = tpu.vector_load %arg6[%swap3A_156] {strides = array<i32>} : memref<640xf32, #tpu.memory_space<vmem>>, vector<16xf32>,
    %swap3A_158 = vector.shape_cast %swap3A_157 : vector<16xf32> to vector<16xf32>
    %swap3A_159 = vector.shape_cast %broadcast_in_dim3A_155 : vector<16xf32> to vector<16xf32>
    tpu.vector_store %arg6[%swap3A_156], %swap3A_159 {strides = array<i32>} : memref<640xf32, #tpu.memory_space<vmem>>, vector<16xf32>,
    %broadcast_in_dim3A_160 = arith.constant 0.000000e+00 : f32
    %broadcast_in_dim3A_161 = vector.broadcast %broadcast_in_dim3A_160 : f32 to vector<16xf32>
    %swap3A_162 = arith.constant 304 : index
    %swap3A_163 = tpu.vector_load %arg6[%swap3A_162] {strides = array<i32>} : memref<640xf32, #tpu.memory_space<vmem>>, vector<16xf32>,
    %swap3A_164 = vector.shape_cast %swap3A_163 : vector<16xf32> to vector<16xf32>
    %swap3A_165 = vector.shape_cast %broadcast_in_dim3A_161 : vector<16xf32> to vector<16xf32>
    tpu.vector_store %arg6[%swap3A_162], %swap3A_165 {strides = array<i32>} : memref<640xf32, #tpu.memory_space<vmem>>, vector<16xf32>,
    %broadcast_in_dim3A_166 = arith.constant 0.000000e+00 : f32
    %broadcast_in_dim3A_167 = vector.broadcast %broadcast_in_dim3A_166 : f32 to vector<16xf32>
    %swap3A_168 = arith.constant 320 : index
    %swap3A_169 = tpu.vector_load %arg6[%swap3A_168] {strides = array<i32>} : memref<640xf32, #tpu.memory_space<vmem>>, vector<16xf32>,
    %swap3A_170 = vector.shape_cast %swap3A_169 : vector<16xf32> to vector<16xf32>
    %swap3A_171 = vector.shape_cast %broadcast_in_dim3A_167 : vector<16xf32> to vector<16xf32>
    tpu.vector_store %arg6[%swap3A_168], %swap3A_171 {strides = array<i32>} : memref<640xf32, #tpu.memory_space<vmem>>, vector<16xf32>,
    %broadcast_in_dim3A_172 = arith.constant 0.000000e+00 : f32
    %broadcast_in_dim3A_173 = vector.broadcast %broadcast_in_dim3A_172 : f32 to vector<16xf32>
    %swap3A_174 = arith.constant 336 : index
    %swap3A_175 = tpu.vector_load %arg6[%swap3A_174] {strides = array<i32>} : memref<640xf32, #tpu.memory_space<vmem>>, vector<16xf32>,
    %swap3A_176 = vector.shape_cast %swap3A_175 : vector<16xf32> to vector<16xf32>
    %swap3A_177 = vector.shape_cast %broadcast_in_dim3A_173 : vector<16xf32> to vector<16xf32>
    tpu.vector_store %arg6[%swap3A_174], %swap3A_177 {strides = array<i32>} : memref<640xf32, #tpu.memory_space<vmem>>, vector<16xf32>,
    %broadcast_in_dim3A_178 = arith.constant 0.000000e+00 : f32
    %broadcast_in_dim3A_179 = vector.broadcast %broadcast_in_dim3A_178 : f32 to vector<16xf32>
    %swap3A_180 = arith.constant 352 : index
    %swap3A_181 = tpu.vector_load %arg6[%swap3A_180] {strides = array<i32>} : memref<640xf32, #tpu.memory_space<vmem>>, vector<16xf32>,
    %swap3A_182 = vector.shape_cast %swap3A_181 : vector<16xf32> to vector<16xf32>
    %swap3A_183 = vector.shape_cast %broadcast_in_dim3A_179 : vector<16xf32> to vector<16xf32>
    tpu.vector_store %arg6[%swap3A_180], %swap3A_183 {strides = array<i32>} : memref<640xf32, #tpu.memory_space<vmem>>, vector<16xf32>,
    %broadcast_in_dim3A_184 = arith.constant 0.000000e+00 : f32
    %broadcast_in_dim3A_185 = vector.broadcast %broadcast_in_dim3A_184 : f32 to vector<16xf32>
    %swap3A_186 = arith.constant 368 : index
    %swap3A_187 = tpu.vector_load %arg6[%swap3A_186] {strides = array<i32>} : memref<640xf32, #tpu.memory_space<vmem>>, vector<16xf32>,
    %swap3A_188 = vector.shape_cast %swap3A_187 : vector<16xf32> to vector<16xf32>
    %swap3A_189 = vector.shape_cast %broadcast_in_dim3A_185 : vector<16xf32> to vector<16xf32>
    tpu.vector_store %arg6[%swap3A_186], %swap3A_189 {strides = array<i32>} : memref<640xf32, #tpu.memory_space<vmem>>, vector<16xf32>,
    %broadcast_in_dim3A_190 = arith.constant 0.000000e+00 : f32
    %broadcast_in_dim3A_191 = vector.broadcast %broadcast_in_dim3A_190 : f32 to vector<16xf32>
    %swap3A_192 = arith.constant 384 : index
    %swap3A_193 = tpu.vector_load %arg6[%swap3A_192] {strides = array<i32>} : memref<640xf32, #tpu.memory_space<vmem>>, vector<16xf32>,
    %swap3A_194 = vector.shape_cast %swap3A_193 : vector<16xf32> to vector<16xf32>
    %swap3A_195 = vector.shape_cast %broadcast_in_dim3A_191 : vector<16xf32> to vector<16xf32>
    tpu.vector_store %arg6[%swap3A_192], %swap3A_195 {strides = array<i32>} : memref<640xf32, #tpu.memory_space<vmem>>, vector<16xf32>,
    %broadcast_in_dim3A_196 = arith.constant 0.000000e+00 : f32
    %broadcast_in_dim3A_197 = vector.broadcast %broadcast_in_dim3A_196 : f32 to vector<16xf32>
    %swap3A_198 = arith.constant 400 : index
    %swap3A_199 = tpu.vector_load %arg6[%swap3A_198] {strides = array<i32>} : memref<640xf32, #tpu.memory_space<vmem>>, vector<16xf32>,
    %swap3A_200 = vector.shape_cast %swap3A_199 : vector<16xf32> to vector<16xf32>
    %swap3A_201 = vector.shape_cast %broadcast_in_dim3A_197 : vector<16xf32> to vector<16xf32>
    tpu.vector_store %arg6[%swap3A_198], %swap3A_201 {strides = array<i32>} : memref<640xf32, #tpu.memory_space<vmem>>, vector<16xf32>,
    %broadcast_in_dim3A_202 = arith.constant 0.000000e+00 : f32
    %broadcast_in_dim3A_203 = vector.broadcast %broadcast_in_dim3A_202 : f32 to vector<16xf32>
    %swap3A_204 = arith.constant 416 : index
    %swap3A_205 = tpu.vector_load %arg6[%swap3A_204] {strides = array<i32>} : memref<640xf32, #tpu.memory_space<vmem>>, vector<16xf32>,
    %swap3A_206 = vector.shape_cast %swap3A_205 : vector<16xf32> to vector<16xf32>
    %swap3A_207 = vector.shape_cast %broadcast_in_dim3A_203 : vector<16xf32> to vector<16xf32>
    tpu.vector_store %arg6[%swap3A_204], %swap3A_207 {strides = array<i32>} : memref<640xf32, #tpu.memory_space<vmem>>, vector<16xf32>,
    %broadcast_in_dim3A_208 = arith.constant 0.000000e+00 : f32
    %broadcast_in_dim3A_209 = vector.broadcast %broadcast_in_dim3A_208 : f32 to vector<16xf32>
    %swap3A_210 = arith.constant 432 : index
    %swap3A_211 = tpu.vector_load %arg6[%swap3A_210] {strides = array<i32>} : memref<640xf32, #tpu.memory_space<vmem>>, vector<16xf32>,
    %swap3A_212 = vector.shape_cast %swap3A_211 : vector<16xf32> to vector<16xf32>
    %swap3A_213 = vector.shape_cast %broadcast_in_dim3A_209 : vector<16xf32> to vector<16xf32>
    tpu.vector_store %arg6[%swap3A_210], %swap3A_213 {strides = array<i32>} : memref<640xf32, #tpu.memory_space<vmem>>, vector<16xf32>,
    %broadcast_in_dim3A_214 = arith.constant 0.000000e+00 : f32
    %broadcast_in_dim3A_215 = vector.broadcast %broadcast_in_dim3A_214 : f32 to vector<16xf32>
    %swap3A_216 = arith.constant 448 : index
    %swap3A_217 = tpu.vector_load %arg6[%swap3A_216] {strides = array<i32>} : memref<640xf32, #tpu.memory_space<vmem>>, vector<16xf32>,
    %swap3A_218 = vector.shape_cast %swap3A_217 : vector<16xf32> to vector<16xf32>
    %swap3A_219 = vector.shape_cast %broadcast_in_dim3A_215 : vector<16xf32> to vector<16xf32>
    tpu.vector_store %arg6[%swap3A_216], %swap3A_219 {strides = array<i32>} : memref<640xf32, #tpu.memory_space<vmem>>, vector<16xf32>,
    %broadcast_in_dim3A_220 = arith.constant 0.000000e+00 : f32
    %broadcast_in_dim3A_221 = vector.broadcast %broadcast_in_dim3A_220 : f32 to vector<16xf32>
    %swap3A_222 = arith.constant 464 : index
    %swap3A_223 = tpu.vector_load %arg6[%swap3A_222] {strides = array<i32>} : memref<640xf32, #tpu.memory_space<vmem>>, vector<16xf32>,
    %swap3A_224 = vector.shape_cast %swap3A_223 : vector<16xf32> to vector<16xf32>
    %swap3A_225 = vector.shape_cast %broadcast_in_dim3A_221 : vector<16xf32> to vector<16xf32>
    tpu.vector_store %arg6[%swap3A_222], %swap3A_225 {strides = array<i32>} : memref<640xf32, #tpu.memory_space<vmem>>, vector<16xf32>,
    %broadcast_in_dim3A_226 = arith.constant 0.000000e+00 : f32
    %broadcast_in_dim3A_227 = vector.broadcast %broadcast_in_dim3A_226 : f32 to vector<16xf32>
    %swap3A_228 = arith.constant 480 : index
    %swap3A_229 = tpu.vector_load %arg6[%swap3A_228] {strides = array<i32>} : memref<640xf32, #tpu.memory_space<vmem>>, vector<16xf32>,
    %swap3A_230 = vector.shape_cast %swap3A_229 : vector<16xf32> to vector<16xf32>
    %swap3A_231 = vector.shape_cast %broadcast_in_dim3A_227 : vector<16xf32> to vector<16xf32>
    tpu.vector_store %arg6[%swap3A_228], %swap3A_231 {strides = array<i32>} : memref<640xf32, #tpu.memory_space<vmem>>, vector<16xf32>,
    %broadcast_in_dim3A_232 = arith.constant 0.000000e+00 : f32
    %broadcast_in_dim3A_233 = vector.broadcast %broadcast_in_dim3A_232 : f32 to vector<16xf32>
    %swap3A_234 = arith.constant 496 : index
    %swap3A_235 = tpu.vector_load %arg6[%swap3A_234] {strides = array<i32>} : memref<640xf32, #tpu.memory_space<vmem>>, vector<16xf32>,
    %swap3A_236 = vector.shape_cast %swap3A_235 : vector<16xf32> to vector<16xf32>
    %swap3A_237 = vector.shape_cast %broadcast_in_dim3A_233 : vector<16xf32> to vector<16xf32>
    tpu.vector_store %arg6[%swap3A_234], %swap3A_237 {strides = array<i32>} : memref<640xf32, #tpu.memory_space<vmem>>, vector<16xf32>,
    %broadcast_in_dim3A_238 = arith.constant 0.000000e+00 : f32
    %broadcast_in_dim3A_239 = vector.broadcast %broadcast_in_dim3A_238 : f32 to vector<16xf32>
    %swap3A_240 = arith.constant 512 : index
    %swap3A_241 = tpu.vector_load %arg6[%swap3A_240] {strides = array<i32>} : memref<640xf32, #tpu.memory_space<vmem>>, vector<16xf32>,
    %swap3A_242 = vector.shape_cast %swap3A_241 : vector<16xf32> to vector<16xf32>
    %swap3A_243 = vector.shape_cast %broadcast_in_dim3A_239 : vector<16xf32> to vector<16xf32>
    tpu.vector_store %arg6[%swap3A_240], %swap3A_243 {strides = array<i32>} : memref<640xf32, #tpu.memory_space<vmem>>, vector<16xf32>,
    %broadcast_in_dim3A_244 = arith.constant 0.000000e+00 : f32
    %broadcast_in_dim3A_245 = vector.broadcast %broadcast_in_dim3A_244 : f32 to vector<16xf32>
    %swap3A_246 = arith.constant 528 : index
    %swap3A_247 = tpu.vector_load %arg6[%swap3A_246] {strides = array<i32>} : memref<640xf32, #tpu.memory_space<vmem>>, vector<16xf32>,
    %swap3A_248 = vector.shape_cast %swap3A_247 : vector<16xf32> to vector<16xf32>
    %swap3A_249 = vector.shape_cast %broadcast_in_dim3A_245 : vector<16xf32> to vector<16xf32>
    tpu.vector_store %arg6[%swap3A_246], %swap3A_249 {strides = array<i32>} : memref<640xf32, #tpu.memory_space<vmem>>, vector<16xf32>,
    %broadcast_in_dim3A_250 = arith.constant 0.000000e+00 : f32
    %broadcast_in_dim3A_251 = vector.broadcast %broadcast_in_dim3A_250 : f32 to vector<16xf32>
    %swap3A_252 = arith.constant 544 : index
    %swap3A_253 = tpu.vector_load %arg6[%swap3A_252] {strides = array<i32>} : memref<640xf32, #tpu.memory_space<vmem>>, vector<16xf32>,
    %swap3A_254 = vector.shape_cast %swap3A_253 : vector<16xf32> to vector<16xf32>
    %swap3A_255 = vector.shape_cast %broadcast_in_dim3A_251 : vector<16xf32> to vector<16xf32>
    tpu.vector_store %arg6[%swap3A_252], %swap3A_255 {strides = array<i32>} : memref<640xf32, #tpu.memory_space<vmem>>, vector<16xf32>,
    %broadcast_in_dim3A_256 = arith.constant 0.000000e+00 : f32
    %broadcast_in_dim3A_257 = vector.broadcast %broadcast_in_dim3A_256 : f32 to vector<16xf32>
    %swap3A_258 = arith.constant 560 : index
    %swap3A_259 = tpu.vector_load %arg6[%swap3A_258] {strides = array<i32>} : memref<640xf32, #tpu.memory_space<vmem>>, vector<16xf32>,
    %swap3A_260 = vector.shape_cast %swap3A_259 : vector<16xf32> to vector<16xf32>
    %swap3A_261 = vector.shape_cast %broadcast_in_dim3A_257 : vector<16xf32> to vector<16xf32>
    tpu.vector_store %arg6[%swap3A_258], %swap3A_261 {strides = array<i32>} : memref<640xf32, #tpu.memory_space<vmem>>, vector<16xf32>,
    %broadcast_in_dim3A_262 = arith.constant 0.000000e+00 : f32
    %broadcast_in_dim3A_263 = vector.broadcast %broadcast_in_dim3A_262 : f32 to vector<16xf32>
    %swap3A_264 = arith.constant 576 : index
    %swap3A_265 = tpu.vector_load %arg6[%swap3A_264] {strides = array<i32>} : memref<640xf32, #tpu.memory_space<vmem>>, vector<16xf32>,
    %swap3A_266 = vector.shape_cast %swap3A_265 : vector<16xf32> to vector<16xf32>
    %swap3A_267 = vector.shape_cast %broadcast_in_dim3A_263 : vector<16xf32> to vector<16xf32>
    tpu.vector_store %arg6[%swap3A_264], %swap3A_267 {strides = array<i32>} : memref<640xf32, #tpu.memory_space<vmem>>, vector<16xf32>,
    %broadcast_in_dim3A_268 = arith.constant 0.000000e+00 : f32
    %broadcast_in_dim3A_269 = vector.broadcast %broadcast_in_dim3A_268 : f32 to vector<16xf32>
    %swap3A_270 = arith.constant 592 : index
    %swap3A_271 = tpu.vector_load %arg6[%swap3A_270] {strides = array<i32>} : memref<640xf32, #tpu.memory_space<vmem>>, vector<16xf32>,
    %swap3A_272 = vector.shape_cast %swap3A_271 : vector<16xf32> to vector<16xf32>
    %swap3A_273 = vector.shape_cast %broadcast_in_dim3A_269 : vector<16xf32> to vector<16xf32>
    tpu.vector_store %arg6[%swap3A_270], %swap3A_273 {strides = array<i32>} : memref<640xf32, #tpu.memory_space<vmem>>, vector<16xf32>,
    %broadcast_in_dim3A_274 = arith.constant 0.000000e+00 : f32
    %broadcast_in_dim3A_275 = vector.broadcast %broadcast_in_dim3A_274 : f32 to vector<16xf32>
    %swap3A_276 = arith.constant 608 : index
    %swap3A_277 = tpu.vector_load %arg6[%swap3A_276] {strides = array<i32>} : memref<640xf32, #tpu.memory_space<vmem>>, vector<16xf32>,
    %swap3A_278 = vector.shape_cast %swap3A_277 : vector<16xf32> to vector<16xf32>
    %swap3A_279 = vector.shape_cast %broadcast_in_dim3A_275 : vector<16xf32> to vector<16xf32>
    tpu.vector_store %arg6[%swap3A_276], %swap3A_279 {strides = array<i32>} : memref<640xf32, #tpu.memory_space<vmem>>, vector<16xf32>,
    %broadcast_in_dim3A_280 = arith.constant 0.000000e+00 : f32
    %broadcast_in_dim3A_281 = vector.broadcast %broadcast_in_dim3A_280 : f32 to vector<16xf32>
    %swap3A_282 = arith.constant 624 : index
    %swap3A_283 = tpu.vector_load %arg6[%swap3A_282] {strides = array<i32>} : memref<640xf32, #tpu.memory_space<vmem>>, vector<16xf32>,
    %swap3A_284 = vector.shape_cast %swap3A_283 : vector<16xf32> to vector<16xf32>
    %swap3A_285 = vector.shape_cast %broadcast_in_dim3A_281 : vector<16xf32> to vector<16xf32>
    tpu.vector_store %arg6[%swap3A_282], %swap3A_285 {strides = array<i32>} : memref<640xf32, #tpu.memory_space<vmem>>, vector<16xf32>,
    %mul3A = arith.constant 640 : i32
    %mul3A_286 = arith.muli %arg1, %mul3A : i32
    "tpu.region"() ({
      %run_scoped3A = tpu.sem_alloc : memref<!tpu.dma_semaphore, #tpu.memory_space<semaphore_mem>>
      %dma_start3A = tpu.memref_slice %arg7[%mul3A_286] : memref<10240xf32, #tpu.memory_space<vmem_shared>> -> memref<640xf32, #tpu.memory_space<vmem_shared>>
      %dma_start3A_297 = tpu.memref_slice %arg7[%mul3A_286] : memref<10240xf32, #tpu.memory_space<vmem_shared>> -> memref<640xf32, #tpu.memory_space<vmem_shared>>
      tpu.enqueue_dma source(%arg6 : memref<640xf32, #tpu.memory_space<vmem>>) target(%dma_start3A_297 : memref<640xf32, #tpu.memory_space<vmem_shared>>) target_semaphore(%run_scoped3A : memref<!tpu.dma_semaphore, #tpu.memory_space<semaphore_mem>>)
      %dma_wait3A = tpu.memref_slice %arg7[%mul3A_286] : memref<10240xf32, #tpu.memory_space<vmem_shared>> -> memref<640xf32, #tpu.memory_space<vmem_shared>>
      %dma_wait3A_298 = tpu.memref_slice %arg7[%mul3A_286] : memref<10240xf32, #tpu.memory_space<vmem_shared>> -> memref<640xf32, #tpu.memory_space<vmem_shared>>
      tpu.wait_dma2 semaphore(%run_scoped3A : memref<!tpu.dma_semaphore, #tpu.memory_space<semaphore_mem>>) src(%arg6 : memref<640xf32, #tpu.memory_space<vmem>>) dst(%dma_wait3A_298 : memref<640xf32, #tpu.memory_space<vmem_shared>>)
      tpu.yield
    }) : () -> ()
    "tpu.region"() ({
      %run_scoped3A = tpu.sem_alloc : memref<!tpu.dma_semaphore, #tpu.memory_space<semaphore_mem>>
      %dma_start3A = arith.constant 0 : i32
      %dma_start3A_297 = arith.constant 0 : i32
      %dma_start3A_298 = tpu.memref_slice %arg2[%arg0, %arg1, %dma_start3A, %dma_start3A_297] : memref<2x16x80x128xi32, #tpu.memory_space<hbm>> -> memref<1x1x80x128xi32, #tpu.memory_space<hbm>>
      %dma_start3A_299 = tpu.memref_squeeze %dma_start3A_298 : memref<1x1x80x128xi32, #tpu.memory_space<hbm>> -> memref<80x128xi32, #tpu.memory_space<hbm>>
      %dma_start3A_300 = arith.constant 0 : i32
      %dma_start3A_301 = arith.constant 0 : i32
      %dma_start3A_302 = tpu.memref_slice %arg2[%arg0, %arg1, %dma_start3A_300, %dma_start3A_301] : memref<2x16x80x128xi32, #tpu.memory_space<hbm>> -> memref<1x1x80x128xi32, #tpu.memory_space<hbm>>
      %dma_start3A_303 = tpu.memref_squeeze %dma_start3A_302 : memref<1x1x80x128xi32, #tpu.memory_space<hbm>> -> memref<80x128xi32, #tpu.memory_space<hbm>>
      tpu.enqueue_dma source(%dma_start3A_303 : memref<80x128xi32, #tpu.memory_space<hbm>>) target(%arg4 : memref<80x128xi32, #tpu.memory_space<vmem>>) target_semaphore(%run_scoped3A : memref<!tpu.dma_semaphore, #tpu.memory_space<semaphore_mem>>)
      %dma_wait3A = arith.constant 0 : i32
      %dma_wait3A_304 = arith.constant 0 : i32
      %dma_wait3A_305 = tpu.memref_slice %arg2[%arg0, %arg1, %dma_wait3A, %dma_wait3A_304] : memref<2x16x80x128xi32, #tpu.memory_space<hbm>> -> memref<1x1x80x128xi32, #tpu.memory_space<hbm>>
      %dma_wait3A_306 = tpu.memref_squeeze %dma_wait3A_305 : memref<1x1x80x128xi32, #tpu.memory_space<hbm>> -> memref<80x128xi32, #tpu.memory_space<hbm>>
      %dma_wait3A_307 = arith.constant 0 : i32
      %dma_wait3A_308 = arith.constant 0 : i32
      %dma_wait3A_309 = tpu.memref_slice %arg2[%arg0, %arg1, %dma_wait3A_307, %dma_wait3A_308] : memref<2x16x80x128xi32, #tpu.memory_space<hbm>> -> memref<1x1x80x128xi32, #tpu.memory_space<hbm>>
      %dma_wait3A_310 = tpu.memref_squeeze %dma_wait3A_309 : memref<1x1x80x128xi32, #tpu.memory_space<hbm>> -> memref<80x128xi32, #tpu.memory_space<hbm>>
      tpu.wait_dma2 semaphore(%run_scoped3A : memref<!tpu.dma_semaphore, #tpu.memory_space<semaphore_mem>>) src(%dma_wait3A_310 : memref<80x128xi32, #tpu.memory_space<hbm>>) dst(%arg4 : memref<80x128xi32, #tpu.memory_space<vmem>>)
      tpu.yield
    }) : () -> ()
    %barrier3A = arith.constant 0 : index
    tpu.barrier barrier_id(%barrier3A)
    %scan3A = arith.constant 0 : i32
    %scan3A_287 = arith.constant 0 : i32
    %scan3A_288 = arith.constant 80 : i32
    %scan3A_289 = arith.addi %scan3A_287, %scan3A_288 : i32
    %scan3A_290 = arith.constant 1 : i32
    scf.for %scan3A_297 = %scan3A_287 to %scan3A_289 step %scan3A_290  : i32 {
      "tpu.region"() ({
        %run_scoped3A = tpu.sem_alloc : memref<!tpu.dma_semaphore, #tpu.memory_space<semaphore_mem>>
        %dma_start3A = arith.constant 0 : i32
        %dma_start3A_298 = tpu.memref_slice %arg4[%scan3A_297, %dma_start3A] : memref<80x128xi32, #tpu.memory_space<vmem>> -> memref<1x128xi32, #tpu.memory_space<vmem>>
        %dma_start3A_299 = tpu.memref_squeeze %dma_start3A_298 : memref<1x128xi32, #tpu.memory_space<vmem>> -> memref<128xi32, #tpu.memory_space<vmem>>
        %dma_start3A_300 = arith.constant 0 : i32
        %dma_start3A_301 = tpu.memref_slice %arg7[%dma_start3A_300] : memref<10240xf32, #tpu.memory_space<vmem_shared>> -> memref<10240xf32, #tpu.memory_space<vmem_shared>>
        tpu.enqueue_indirect_dma source(%arg5 : memref<128xf32, #tpu.memory_space<vmem>>) target(%dma_start3A_301 : memref<10240xf32, #tpu.memory_space<vmem_shared>>) offsets(%dma_start3A_299 : memref<128xi32, #tpu.memory_space<vmem>>) semaphore(%run_scoped3A : memref<!tpu.dma_semaphore, #tpu.memory_space<semaphore_mem>>) {add = true}
        %dma_wait3A = arith.constant 0 : i32
        %dma_wait3A_302 = tpu.memref_slice %arg4[%scan3A_297, %dma_wait3A] : memref<80x128xi32, #tpu.memory_space<vmem>> -> memref<1x128xi32, #tpu.memory_space<vmem>>
        %dma_wait3A_303 = tpu.memref_squeeze %dma_wait3A_302 : memref<1x128xi32, #tpu.memory_space<vmem>> -> memref<128xi32, #tpu.memory_space<vmem>>
        %dma_wait3A_304 = arith.constant 0 : i32
        %dma_wait3A_305 = tpu.memref_slice %arg7[%dma_wait3A_304] : memref<10240xf32, #tpu.memory_space<vmem_shared>> -> memref<10240xf32, #tpu.memory_space<vmem_shared>>
        tpu.wait_indirect_dma semaphore(%run_scoped3A : memref<!tpu.dma_semaphore, #tpu.memory_space<semaphore_mem>>) src(%arg5 : memref<128xf32, #tpu.memory_space<vmem>>) dst(%dma_wait3A_305 : memref<10240xf32, #tpu.memory_space<vmem_shared>>)
        tpu.yield
      }) : () -> ()
    }
    %scan3A_291 = arith.constant 80 : i32
    %barrier3A_292 = arith.constant 0 : index
    tpu.barrier barrier_id(%barrier3A_292)
    %mul3A_293 = arith.constant 640 : i32
    %mul3A_294 = arith.muli %arg1, %mul3A_293 : i32
    %mul3A_295 = arith.constant 640 : i32
    %mul3A_296 = arith.muli %arg1, %mul3A_295 : i32
    "tpu.region"() ({
      %run_scoped3A = tpu.sem_alloc : memref<!tpu.dma_semaphore, #tpu.memory_space<semaphore_mem>>
      %dma_start3A = tpu.memref_slice %arg3[%arg0, %mul3A_296] : memref<2x10240xf32, #tpu.memory_space<hbm>> -> memref<1x640xf32, #tpu.memory_space<hbm>>
      %dma_start3A_297 = tpu.memref_squeeze %dma_start3A : memref<1x640xf32, #tpu.memory_space<hbm>> -> memref<640xf32, #tpu.memory_space<hbm>>
      %dma_start3A_298 = tpu.memref_slice %arg7[%mul3A_294] : memref<10240xf32, #tpu.memory_space<vmem_shared>> -> memref<640xf32, #tpu.memory_space<vmem_shared>>
      tpu.enqueue_dma source(%dma_start3A_298 : memref<640xf32, #tpu.memory_space<vmem_shared>>) target(%dma_start3A_297 : memref<640xf32, #tpu.memory_space<hbm>>) target_semaphore(%run_scoped3A : memref<!tpu.dma_semaphore, #tpu.memory_space<semaphore_mem>>)
      %dma_wait3A = tpu.memref_slice %arg3[%arg0, %mul3A_296] : memref<2x10240xf32, #tpu.memory_space<hbm>> -> memref<1x640xf32, #tpu.memory_space<hbm>>
      %dma_wait3A_299 = tpu.memref_squeeze %dma_wait3A : memref<1x640xf32, #tpu.memory_space<hbm>> -> memref<640xf32, #tpu.memory_space<hbm>>
      %dma_wait3A_300 = tpu.memref_slice %arg7[%mul3A_294] : memref<10240xf32, #tpu.memory_space<vmem_shared>> -> memref<640xf32, #tpu.memory_space<vmem_shared>>
      tpu.wait_dma2 semaphore(%run_scoped3A : memref<!tpu.dma_semaphore, #tpu.memory_space<semaphore_mem>>) src(%dma_wait3A_300 : memref<640xf32, #tpu.memory_space<vmem_shared>>) dst(%dma_wait3A_299 : memref<640xf32, #tpu.memory_space<hbm>>)
      tpu.yield
    }) : () -> ()
    return
  }
}

module attributes {stable_mosaic.version = 14 : i64} {
  func.func @_dense1a_body(%arg0: i32, %arg1: memref<1024x128xf32, #tpu.memory_space<vmem>>, %arg2: memref<1024x128xf32, #tpu.memory_space<vmem>>, %arg3: memref<128x128xf32, #tpu.memory_space<vmem>>, %arg4: memref<1024x128xf32, #tpu.memory_space<vmem>>, %arg5: memref<1024x128xf32, #tpu.memory_space<vmem>>) attributes {dimension_semantics = [#tpu.dimension_semantics<arbitrary>], iteration_bounds = array<i64: 10>, scalar_prefetch = 0 : i64, scratch_operands = 0 : i64, tpu.core_type = #tpu.core_type<tc>, window_params = [{transform_indices = @transform_0, window_bounds = array<i64: 1024, 128>}, {transform_indices = @transform_1, window_bounds = array<i64: 1024, 128>}, {pipeline_mode = #tpu.pipeline_mode<synchronous>, transform_indices = @transform_2, window_bounds = array<i64: 128, 128>}, {transform_indices = @transform_3, window_bounds = array<i64: 1024, 128>}, {transform_indices = @transform_4, window_bounds = array<i64: 1024, 128>}]} {
    %get3A = arith.constant 0 : index
    %get3A_0 = arith.constant 0 : index
    %get3A_1 = vector.load %arg1[%get3A, %get3A_0] : memref<1024x128xf32, #tpu.memory_space<vmem>>, vector<1024x128xf32>
    %get3A_2 = arith.constant 0 : index
    %get3A_3 = arith.constant 0 : index
    %get3A_4 = vector.load %arg3[%get3A_2, %get3A_3] : memref<128x128xf32, #tpu.memory_space<vmem>>, vector<128x128xf32>
    %dot_general3A = arith.constant dense<0.000000e+00> : vector<1024x128xf32>
    %dot_general3A_5 = tpu.matmul %get3A_1, %get3A_4, %dot_general3A {dimension_numbers = #tpu.dot_dimension_numbers<[1], [0], [0], [1], [0, 0, 1, 1], [], []>, transpose_lhs_hint = false} : vector<1024x128xf32>, vector<128x128xf32>, vector<1024x128xf32> -> vector<1024x128xf32>
    %swap3A = arith.constant 0 : index
    %swap3A_6 = arith.constant 0 : index
    %swap3A_7 = vector.load %arg4[%swap3A, %swap3A_6] : memref<1024x128xf32, #tpu.memory_space<vmem>>, vector<1024x128xf32>
    tpu.vector_store %arg4[%swap3A, %swap3A_6], %dot_general3A_5 {strides = array<i32>} : memref<1024x128xf32, #tpu.memory_space<vmem>>, vector<1024x128xf32>,
    %get3A_8 = arith.constant 0 : index
    %get3A_9 = arith.constant 0 : index
    %get3A_10 = vector.load %arg2[%get3A_8, %get3A_9] : memref<1024x128xf32, #tpu.memory_space<vmem>>, vector<1024x128xf32>
    %get3A_11 = arith.constant 0 : index
    %get3A_12 = arith.constant 0 : index
    %get3A_13 = vector.load %arg3[%get3A_11, %get3A_12] : memref<128x128xf32, #tpu.memory_space<vmem>>, vector<128x128xf32>
    %dot_general3A_14 = arith.constant dense<0.000000e+00> : vector<1024x128xf32>
    %dot_general3A_15 = tpu.matmul %get3A_10, %get3A_13, %dot_general3A_14 {dimension_numbers = #tpu.dot_dimension_numbers<[1], [0], [0], [1], [0, 0, 1, 1], [], []>, transpose_lhs_hint = false} : vector<1024x128xf32>, vector<128x128xf32>, vector<1024x128xf32> -> vector<1024x128xf32>
    %swap3A_16 = arith.constant 0 : index
    %swap3A_17 = arith.constant 0 : index
    %swap3A_18 = vector.load %arg5[%swap3A_16, %swap3A_17] : memref<1024x128xf32, #tpu.memory_space<vmem>>, vector<1024x128xf32>
    tpu.vector_store %arg5[%swap3A_16, %swap3A_17], %dot_general3A_15 {strides = array<i32>} : memref<1024x128xf32, #tpu.memory_space<vmem>>, vector<1024x128xf32>,
    return
  }
  func.func @transform_0(%arg0: i32) -> (i32, i32) {
    %c0_i32 = arith.constant 0 : i32
    %c0_i32_0 = arith.constant 0 : i32
    return %arg0, %c0_i32 : i32, i32
  }
  func.func @transform_1(%arg0: i32) -> (i32, i32) {
    %c0_i32 = arith.constant 0 : i32
    %c0_i32_0 = arith.constant 0 : i32
    return %arg0, %c0_i32 : i32, i32
  }
  func.func @transform_2(%arg0: i32) -> (i32, i32) {
    %c0_i32 = arith.constant 0 : i32
    %c0_i32_0 = arith.constant 0 : i32
    %c0_i32_1 = arith.constant 0 : i32
    return %c0_i32, %c0_i32_0 : i32, i32
  }
  func.func @transform_3(%arg0: i32) -> (i32, i32) {
    %c0_i32 = arith.constant 0 : i32
    %c0_i32_0 = arith.constant 0 : i32
    return %arg0, %c0_i32 : i32, i32
  }
  func.func @transform_4(%arg0: i32) -> (i32, i32) {
    %c0_i32 = arith.constant 0 : i32
    %c0_i32_0 = arith.constant 0 : i32
    return %arg0, %c0_i32 : i32, i32
  }
}

module attributes {stable_mosaic.version = 14 : i64} {
  func.func @_dense1b_body(%arg0: i32, %arg1: memref<1024x128xf32, #tpu.memory_space<vmem>>, %arg2: memref<1024x128xf32, #tpu.memory_space<vmem>>, %arg3: memref<1024x2xf32, #tpu.memory_space<vmem>>, %arg4: memref<2x1024x128xf32, #tpu.memory_space<vmem>>) attributes {dimension_semantics = [#tpu.dimension_semantics<arbitrary>], iteration_bounds = array<i64: 10>, scalar_prefetch = 0 : i64, scratch_operands = 0 : i64, tpu.core_type = #tpu.core_type<tc>, window_params = [{transform_indices = @transform_0, window_bounds = array<i64: 1024, 128>}, {transform_indices = @transform_1, window_bounds = array<i64: 1024, 128>}, {transform_indices = @transform_2, window_bounds = array<i64: 1024, 2>}, {transform_indices = @transform_3, window_bounds = array<i64: 2, 1024, 128>}]} {
    %get3A = arith.constant 0 : index
    %get3A_0 = arith.constant 0 : index
    %get3A_1 = vector.load %arg3[%get3A, %get3A_0] : memref<1024x2xf32, #tpu.memory_space<vmem>>, vector<1024x1xf32>
    %get3A_2 = arith.constant 0 : index
    %get3A_3 = arith.constant 1 : index
    %get3A_4 = vector.load %arg3[%get3A_2, %get3A_3] : memref<1024x2xf32, #tpu.memory_space<vmem>>, vector<1024x1xf32>
    %add3A = arith.addf %get3A_1, %get3A_4 : vector<1024x1xf32>
    %add3A_5 = arith.constant 1.000000e+00 : f32
    %add3A_6 = vector.broadcast %add3A_5 : f32 to vector<1024x1xf32>
    %add3A_7 = arith.addf %add3A, %add3A_6 : vector<1024x1xf32>
    %rsqrt3A = math.rsqrt %add3A_7 : vector<1024x1xf32>
    %get3A_8 = arith.constant 0 : index
    %get3A_9 = arith.constant 0 : index
    %get3A_10 = vector.load %arg1[%get3A_8, %get3A_9] : memref<1024x128xf32, #tpu.memory_space<vmem>>, vector<1024x128xf32>
    %mul3A = vector.broadcast %rsqrt3A : vector<1024x1xf32> to vector<1024x128xf32>
    %mul3A_11 = arith.mulf %get3A_10, %mul3A : vector<1024x128xf32>
    %get3A_12 = arith.constant 0 : index
    %get3A_13 = arith.constant 0 : index
    %get3A_14 = vector.load %arg2[%get3A_12, %get3A_13] : memref<1024x128xf32, #tpu.memory_space<vmem>>, vector<1024x128xf32>
    %mul3A_15 = vector.broadcast %rsqrt3A : vector<1024x1xf32> to vector<1024x128xf32>
    %mul3A_16 = arith.mulf %get3A_14, %mul3A_15 : vector<1024x128xf32>
    %slice3A = vector.extract_strided_slice %mul3A_11 {offsets = [0, 0], sizes = [1024, 64], strides = [1, 1]} : vector<1024x128xf32> to vector<1024x64xf32>
    %slice3A_17 = vector.extract_strided_slice %mul3A_16 {offsets = [0, 0], sizes = [1024, 64], strides = [1, 1]} : vector<1024x128xf32> to vector<1024x64xf32>
    %concatenate3A = tpu.concatenate %slice3A, %slice3A_17 in 1 : vector<1024x64xf32>, vector<1024x64xf32> -> vector<1024x128xf32>
    %swap3A = arith.constant 0 : index
    %swap3A_18 = arith.constant 0 : index
    %swap3A_19 = arith.constant 0 : index
    %swap3A_20 = vector.load %arg4[%swap3A, %swap3A_18, %swap3A_19] : memref<2x1024x128xf32, #tpu.memory_space<vmem>>, vector<1x1024x128xf32>
    %swap3A_21 = vector.shape_cast %swap3A_20 : vector<1x1024x128xf32> to vector<1024x128xf32>
    %swap3A_22 = vector.shape_cast %concatenate3A : vector<1024x128xf32> to vector<1x1024x128xf32>
    tpu.vector_store %arg4[%swap3A, %swap3A_18, %swap3A_19], %swap3A_22 {strides = array<i32>} : memref<2x1024x128xf32, #tpu.memory_space<vmem>>, vector<1x1024x128xf32>,
    %slice3A_23 = vector.extract_strided_slice %mul3A_11 {offsets = [0, 64], sizes = [1024, 64], strides = [1, 1]} : vector<1024x128xf32> to vector<1024x64xf32>
    %slice3A_24 = vector.extract_strided_slice %mul3A_16 {offsets = [0, 64], sizes = [1024, 64], strides = [1, 1]} : vector<1024x128xf32> to vector<1024x64xf32>
    %concatenate3A_25 = tpu.concatenate %slice3A_23, %slice3A_24 in 1 : vector<1024x64xf32>, vector<1024x64xf32> -> vector<1024x128xf32>
    %swap3A_26 = arith.constant 1 : index
    %swap3A_27 = arith.constant 0 : index
    %swap3A_28 = arith.constant 0 : index
    %swap3A_29 = vector.load %arg4[%swap3A_26, %swap3A_27, %swap3A_28] : memref<2x1024x128xf32, #tpu.memory_space<vmem>>, vector<1x1024x128xf32>
    %swap3A_30 = vector.shape_cast %swap3A_29 : vector<1x1024x128xf32> to vector<1024x128xf32>
    %swap3A_31 = vector.shape_cast %concatenate3A_25 : vector<1024x128xf32> to vector<1x1024x128xf32>
    tpu.vector_store %arg4[%swap3A_26, %swap3A_27, %swap3A_28], %swap3A_31 {strides = array<i32>} : memref<2x1024x128xf32, #tpu.memory_space<vmem>>, vector<1x1024x128xf32>,
    return
  }
  func.func @transform_0(%arg0: i32) -> (i32, i32) {
    %c0_i32 = arith.constant 0 : i32
    %c0_i32_0 = arith.constant 0 : i32
    return %arg0, %c0_i32 : i32, i32
  }
  func.func @transform_1(%arg0: i32) -> (i32, i32) {
    %c0_i32 = arith.constant 0 : i32
    %c0_i32_0 = arith.constant 0 : i32
    return %arg0, %c0_i32 : i32, i32
  }
  func.func @transform_2(%arg0: i32) -> (i32, i32) {
    %c0_i32 = arith.constant 0 : i32
    %c0_i32_0 = arith.constant 0 : i32
    return %arg0, %c0_i32 : i32, i32
  }
  func.func @transform_3(%arg0: i32) -> (i32, i32, i32) {
    %c0_i32 = arith.constant 0 : i32
    %c0_i32_0 = arith.constant 0 : i32
    %c0_i32_1 = arith.constant 0 : i32
    return %c0_i32, %arg0, %c0_i32_0 : i32, i32, i32
  }
}

module attributes {stable_mosaic.version = 14 : i64} {
  func.func @_dense2_body(%arg0: i32, %arg1: memref<1x1024x128xf32, #tpu.memory_space<vmem>>, %arg2: memref<1x1024x128xf32, #tpu.memory_space<vmem>>, %arg3: memref<1024x2xf32, #tpu.memory_space<vmem>>, %arg4: memref<1024x128xf32, #tpu.memory_space<vmem>>, %arg5: memref<1024x128xf32, #tpu.memory_space<vmem>>, %arg6: memref<1x128xf32, #tpu.memory_space<vmem>>, %arg7: memref<1024x1xf32, #tpu.memory_space<vmem>>, %arg8: memref<1024x128xf32, #tpu.memory_space<vmem>>, %arg9: memref<1024x128xf32, #tpu.memory_space<vmem>>, %arg10: memref<1x1x128xf32, #tpu.memory_space<vmem>>, %arg11: memref<1x1x1xf32, #tpu.memory_space<vmem>>) attributes {dimension_semantics = [#tpu.dimension_semantics<arbitrary>], iteration_bounds = array<i64: 10>, scalar_prefetch = 0 : i64, scratch_operands = 0 : i64, tpu.core_type = #tpu.core_type<tc>, window_params = [{transform_indices = @transform_0, window_bounds = array<i64: 1, 1024, 128>}, {transform_indices = @transform_1, window_bounds = array<i64: 1, 1024, 128>}, {transform_indices = @transform_2, window_bounds = array<i64: 1024, 2>}, {transform_indices = @transform_3, window_bounds = array<i64: 1024, 128>}, {transform_indices = @transform_4, window_bounds = array<i64: 1024, 128>}, {pipeline_mode = #tpu.pipeline_mode<synchronous>, transform_indices = @transform_5, window_bounds = array<i64: 1, 128>}, {transform_indices = @transform_6, window_bounds = array<i64: 1024, 1>}, {transform_indices = @transform_7, window_bounds = array<i64: 1024, 128>}, {transform_indices = @transform_8, window_bounds = array<i64: 1024, 128>}, {transform_indices = @transform_9, window_bounds = array<i64: 1, 1, 128>}, {transform_indices = @transform_10, window_bounds = array<i64: 1, 1, 1>}]} {
    %get3A = arith.constant 0 : index
    %get3A_0 = arith.constant 0 : index
    %get3A_1 = vector.load %arg3[%get3A, %get3A_0] : memref<1024x2xf32, #tpu.memory_space<vmem>>, vector<1024x1xf32>
    %get3A_2 = arith.constant 0 : index
    %get3A_3 = arith.constant 1 : index
    %get3A_4 = vector.load %arg3[%get3A_2, %get3A_3] : memref<1024x2xf32, #tpu.memory_space<vmem>>, vector<1024x1xf32>
    %add3A = arith.addf %get3A_1, %get3A_4 : vector<1024x1xf32>
    %add3A_5 = arith.constant 1.000000e+00 : f32
    %add3A_6 = vector.broadcast %add3A_5 : f32 to vector<1024x1xf32>
    %add3A_7 = arith.addf %add3A, %add3A_6 : vector<1024x1xf32>
    %rsqrt3A = math.rsqrt %add3A_7 : vector<1024x1xf32>
    %div3A = arith.constant 1.000000e+00 : f32
    %div3A_8 = vector.broadcast %div3A : f32 to vector<1024x1xf32>
    %div3A_9 = arith.divf %div3A_8, %add3A_7 : vector<1024x1xf32>
    %get3A_10 = arith.constant 0 : index
    %get3A_11 = arith.constant 0 : index
    %get3A_12 = vector.load %arg6[%get3A_10, %get3A_11] : memref<1x128xf32, #tpu.memory_space<vmem>>, vector<1x128xf32>
    %get3A_13 = arith.constant 0 : index
    %get3A_14 = arith.constant 0 : index
    %get3A_15 = vector.load %arg7[%get3A_13, %get3A_14] : memref<1024x1xf32, #tpu.memory_space<vmem>>, vector<1024x1xf32>
    %get3A_16 = arith.constant 0 : index
    %get3A_17 = arith.constant 0 : index
    %get3A_18 = arith.constant 0 : index
    %get3A_19 = vector.load %arg1[%get3A_16, %get3A_17, %get3A_18] : memref<1x1024x128xf32, #tpu.memory_space<vmem>>, vector<1x1024x128xf32>
    %get3A_20 = vector.shape_cast %get3A_19 : vector<1x1024x128xf32> to vector<1024x128xf32>
    %get3A_21 = arith.constant 0 : index
    %get3A_22 = arith.constant 0 : index
    %get3A_23 = arith.constant 0 : index
    %get3A_24 = vector.load %arg2[%get3A_21, %get3A_22, %get3A_23] : memref<1x1024x128xf32, #tpu.memory_space<vmem>>, vector<1x1024x128xf32>
    %get3A_25 = vector.shape_cast %get3A_24 : vector<1x1024x128xf32> to vector<1024x128xf32>
    %slice3A = vector.extract_strided_slice %get3A_20 {offsets = [0, 0], sizes = [1024, 64], strides = [1, 1]} : vector<1024x128xf32> to vector<1024x64xf32>
    %slice3A_26 = vector.extract_strided_slice %get3A_25 {offsets = [0, 0], sizes = [1024, 64], strides = [1, 1]} : vector<1024x128xf32> to vector<1024x64xf32>
    %concatenate3A = tpu.concatenate %slice3A, %slice3A_26 in 1 : vector<1024x64xf32>, vector<1024x64xf32> -> vector<1024x128xf32>
    %mul3A = vector.broadcast %rsqrt3A : vector<1024x1xf32> to vector<1024x128xf32>
    %mul3A_27 = arith.mulf %concatenate3A, %mul3A : vector<1024x128xf32>
    %get3A_28 = arith.constant 0 : index
    %get3A_29 = arith.constant 0 : index
    %get3A_30 = vector.load %arg4[%get3A_28, %get3A_29] : memref<1024x128xf32, #tpu.memory_space<vmem>>, vector<1024x128xf32>
    %mul3A_31 = vector.broadcast %div3A_9 : vector<1024x1xf32> to vector<1024x128xf32>
    %mul3A_32 = arith.mulf %get3A_30, %mul3A_31 : vector<1024x128xf32>
    %add3A_33 = arith.addf %mul3A_27, %mul3A_32 : vector<1024x128xf32>
    %add3A_34 = vector.broadcast %get3A_12 : vector<1x128xf32> to vector<1024x128xf32>
    %add3A_35 = arith.addf %add3A_33, %add3A_34 : vector<1024x128xf32>
    %max3A = arith.constant 0.000000e+00 : f32
    %max3A_36 = vector.broadcast %max3A : f32 to vector<1024x128xf32>
    %max3A_37 = arith.maximumf %add3A_35, %max3A_36 : vector<1024x128xf32>
    %swap3A = arith.constant 0 : index
    %swap3A_38 = arith.constant 0 : index
    %swap3A_39 = vector.load %arg8[%swap3A, %swap3A_38] : memref<1024x128xf32, #tpu.memory_space<vmem>>, vector<1024x128xf32>
    tpu.vector_store %arg8[%swap3A, %swap3A_38], %max3A_37 {strides = array<i32>} : memref<1024x128xf32, #tpu.memory_space<vmem>>, vector<1024x128xf32>,
    %mul3A_40 = vector.broadcast %get3A_15 : vector<1024x1xf32> to vector<1024x128xf32>
    %mul3A_41 = arith.mulf %max3A_37, %mul3A_40 : vector<1024x128xf32>
    %reduce_sum3A = arith.constant dense<0.000000e+00> : vector<128xf32>
    %reduce_sum3A_42 = vector.multi_reduction <add>, %mul3A_41, %reduce_sum3A [0] : vector<1024x128xf32> to vector<128xf32>
    %broadcast_in_dim3A = vector.shape_cast %reduce_sum3A_42 : vector<128xf32> to vector<1x128xf32>
    %broadcast_in_dim3A_43 = vector.shape_cast %broadcast_in_dim3A : vector<1x128xf32> to vector<1x1x128xf32>
    %swap3A_44 = arith.constant 0 : index
    %swap3A_45 = arith.constant 0 : index
    %swap3A_46 = arith.constant 0 : index
    %swap3A_47 = vector.load %arg10[%swap3A_44, %swap3A_45, %swap3A_46] : memref<1x1x128xf32, #tpu.memory_space<vmem>>, vector<1x1x128xf32>
    tpu.vector_store %arg10[%swap3A_44, %swap3A_45, %swap3A_46], %broadcast_in_dim3A_43 {strides = array<i32>} : memref<1x1x128xf32, #tpu.memory_space<vmem>>, vector<1x1x128xf32>,
    %reduce_sum3A_48 = arith.constant dense<0.000000e+00> : vector<1xf32>
    %reduce_sum3A_49 = vector.multi_reduction <add>, %get3A_15, %reduce_sum3A_48 [0] : vector<1024x1xf32> to vector<1xf32>
    %broadcast_in_dim3A_50 = vector.shape_cast %reduce_sum3A_49 : vector<1xf32> to vector<1x1xf32>
    %broadcast_in_dim3A_51 = vector.shape_cast %broadcast_in_dim3A_50 : vector<1x1xf32> to vector<1x1x1xf32>
    %swap3A_52 = arith.constant 0 : index
    %swap3A_53 = arith.constant 0 : index
    %swap3A_54 = arith.constant 0 : index
    %swap3A_55 = vector.load %arg11[%swap3A_52, %swap3A_53, %swap3A_54] : memref<1x1x1xf32, #tpu.memory_space<vmem>>, vector<1x1x1xf32>
    tpu.vector_store %arg11[%swap3A_52, %swap3A_53, %swap3A_54], %broadcast_in_dim3A_51 {strides = array<i32>} : memref<1x1x1xf32, #tpu.memory_space<vmem>>, vector<1x1x1xf32>,
    %slice3A_56 = vector.extract_strided_slice %get3A_20 {offsets = [0, 64], sizes = [1024, 64], strides = [1, 1]} : vector<1024x128xf32> to vector<1024x64xf32>
    %slice3A_57 = vector.extract_strided_slice %get3A_25 {offsets = [0, 64], sizes = [1024, 64], strides = [1, 1]} : vector<1024x128xf32> to vector<1024x64xf32>
    %concatenate3A_58 = tpu.concatenate %slice3A_56, %slice3A_57 in 1 : vector<1024x64xf32>, vector<1024x64xf32> -> vector<1024x128xf32>
    %mul3A_59 = vector.broadcast %rsqrt3A : vector<1024x1xf32> to vector<1024x128xf32>
    %mul3A_60 = arith.mulf %concatenate3A_58, %mul3A_59 : vector<1024x128xf32>
    %get3A_61 = arith.constant 0 : index
    %get3A_62 = arith.constant 0 : index
    %get3A_63 = vector.load %arg5[%get3A_61, %get3A_62] : memref<1024x128xf32, #tpu.memory_space<vmem>>, vector<1024x128xf32>
    %mul3A_64 = vector.broadcast %div3A_9 : vector<1024x1xf32> to vector<1024x128xf32>
    %mul3A_65 = arith.mulf %get3A_63, %mul3A_64 : vector<1024x128xf32>
    %add3A_66 = arith.addf %mul3A_60, %mul3A_65 : vector<1024x128xf32>
    %add3A_67 = vector.broadcast %get3A_12 : vector<1x128xf32> to vector<1024x128xf32>
    %add3A_68 = arith.addf %add3A_66, %add3A_67 : vector<1024x128xf32>
    %max3A_69 = arith.constant 0.000000e+00 : f32
    %max3A_70 = vector.broadcast %max3A_69 : f32 to vector<1024x128xf32>
    %max3A_71 = arith.maximumf %add3A_68, %max3A_70 : vector<1024x128xf32>
    %swap3A_72 = arith.constant 0 : index
    %swap3A_73 = arith.constant 0 : index
    %swap3A_74 = vector.load %arg9[%swap3A_72, %swap3A_73] : memref<1024x128xf32, #tpu.memory_space<vmem>>, vector<1024x128xf32>
    tpu.vector_store %arg9[%swap3A_72, %swap3A_73], %max3A_71 {strides = array<i32>} : memref<1024x128xf32, #tpu.memory_space<vmem>>, vector<1024x128xf32>,
    return
  }
  func.func @transform_0(%arg0: i32) -> (i32, i32, i32) {
    %c0_i32 = arith.constant 0 : i32
    %c0_i32_0 = arith.constant 0 : i32
    %c0_i32_1 = arith.constant 0 : i32
    return %c0_i32, %arg0, %c0_i32_0 : i32, i32, i32
  }
  func.func @transform_1(%arg0: i32) -> (i32, i32, i32) {
    %c1_i32 = arith.constant 1 : i32
    %c0_i32 = arith.constant 0 : i32
    %c0_i32_0 = arith.constant 0 : i32
    return %c1_i32, %arg0, %c0_i32 : i32, i32, i32
  }
  func.func @transform_2(%arg0: i32) -> (i32, i32) {
    %c0_i32 = arith.constant 0 : i32
    %c0_i32_0 = arith.constant 0 : i32
    return %arg0, %c0_i32 : i32, i32
  }
  func.func @transform_3(%arg0: i32) -> (i32, i32) {
    %c0_i32 = arith.constant 0 : i32
    %c0_i32_0 = arith.constant 0 : i32
    return %arg0, %c0_i32 : i32, i32
  }
  func.func @transform_4(%arg0: i32) -> (i32, i32) {
    %c0_i32 = arith.constant 0 : i32
    %c0_i32_0 = arith.constant 0 : i32
    return %arg0, %c0_i32 : i32, i32
  }
  func.func @transform_5(%arg0: i32) -> (i32, i32) {
    %c0_i32 = arith.constant 0 : i32
    %c0_i32_0 = arith.constant 0 : i32
    %c0_i32_1 = arith.constant 0 : i32
    return %c0_i32, %c0_i32_0 : i32, i32
  }
  func.func @transform_6(%arg0: i32) -> (i32, i32) {
    %c0_i32 = arith.constant 0 : i32
    %c0_i32_0 = arith.constant 0 : i32
    return %arg0, %c0_i32 : i32, i32
  }
  func.func @transform_7(%arg0: i32) -> (i32, i32) {
    %c0_i32 = arith.constant 0 : i32
    %c0_i32_0 = arith.constant 0 : i32
    return %arg0, %c0_i32 : i32, i32
  }
  func.func @transform_8(%arg0: i32) -> (i32, i32) {
    %c0_i32 = arith.constant 0 : i32
    %c0_i32_0 = arith.constant 0 : i32
    return %arg0, %c0_i32 : i32, i32
  }
  func.func @transform_9(%arg0: i32) -> (i32, i32, i32) {
    %c0_i32 = arith.constant 0 : i32
    %c0_i32_0 = arith.constant 0 : i32
    %c0_i32_1 = arith.constant 0 : i32
    return %arg0, %c0_i32, %c0_i32_0 : i32, i32, i32
  }
  func.func @transform_10(%arg0: i32) -> (i32, i32, i32) {
    %c0_i32 = arith.constant 0 : i32
    %c0_i32_0 = arith.constant 0 : i32
    %c0_i32_1 = arith.constant 0 : i32
    return %arg0, %c0_i32, %c0_i32_0 : i32, i32, i32
  }
}

module attributes {stable_mosaic.version = 14 : i64} {
  func.func @_dense3_body(%arg0: i32, %arg1: memref<1024x128xf32, #tpu.memory_space<vmem>>, %arg2: memref<1024x128xf32, #tpu.memory_space<vmem>>, %arg3: memref<10x1x128xf32, #tpu.memory_space<vmem>>, %arg4: memref<10x1x1xf32, #tpu.memory_space<vmem>>, %arg5: memref<128x128xf32, #tpu.memory_space<vmem>>, %arg6: memref<1x1xf32, #tpu.memory_space<vmem>>, %arg7: memref<1024x1xf32, #tpu.memory_space<vmem>>, %arg8: memref<1024x1xf32, #tpu.memory_space<vmem>>, %arg9: memref<1024x1xf32, #tpu.memory_space<vmem>>, %arg10: memref<1024x1xf32, #tpu.memory_space<vmem>>) attributes {dimension_semantics = [#tpu.dimension_semantics<arbitrary>], iteration_bounds = array<i64: 10>, scalar_prefetch = 0 : i64, scratch_operands = 0 : i64, tpu.core_type = #tpu.core_type<tc>, window_params = [{transform_indices = @transform_0, window_bounds = array<i64: 1024, 128>}, {transform_indices = @transform_1, window_bounds = array<i64: 1024, 128>}, {pipeline_mode = #tpu.pipeline_mode<synchronous>, transform_indices = @transform_2, window_bounds = array<i64: 10, 1, 128>}, {pipeline_mode = #tpu.pipeline_mode<synchronous>, transform_indices = @transform_3, window_bounds = array<i64: 10, 1, 1>}, {pipeline_mode = #tpu.pipeline_mode<synchronous>, transform_indices = @transform_4, window_bounds = array<i64: 128, 128>}, {pipeline_mode = #tpu.pipeline_mode<synchronous>, transform_indices = @transform_5, window_bounds = array<i64: 1, 1>}, {transform_indices = @transform_6, window_bounds = array<i64: 1024, 1>}, {transform_indices = @transform_7, window_bounds = array<i64: 1024, 1>}, {transform_indices = @transform_8, window_bounds = array<i64: 1024, 1>}, {transform_indices = @transform_9, window_bounds = array<i64: 1024, 1>}]} {
    %get3A = arith.constant 0 : index
    %get3A_0 = arith.constant 0 : index
    %get3A_1 = arith.constant 0 : index
    %get3A_2 = vector.load %arg3[%get3A, %get3A_0, %get3A_1] : memref<10x1x128xf32, #tpu.memory_space<vmem>>, vector<10x1x128xf32>
    %reduce_sum3A = arith.constant dense<0.000000e+00> : vector<1x128xf32>
    %reduce_sum3A_3 = vector.multi_reduction <add>, %get3A_2, %reduce_sum3A [0] : vector<10x1x128xf32> to vector<1x128xf32>
    %get3A_4 = arith.constant 0 : index
    %get3A_5 = arith.constant 0 : index
    %get3A_6 = arith.constant 0 : index
    %get3A_7 = vector.load %arg4[%get3A_4, %get3A_5, %get3A_6] : memref<10x1x1xf32, #tpu.memory_space<vmem>>, vector<10x1x1xf32>
    %reduce_sum3A_8 = vector.shape_cast %get3A_7 : vector<10x1x1xf32> to vector<1x10x1x1xf32>
    %reduce_sum3A_9 = arith.constant dense<0.000000e+00> : vector<1xf32>
    %reduce_sum3A_10 = vector.multi_reduction <add>, %reduce_sum3A_8, %reduce_sum3A_9 [1, 2, 3] : vector<1x10x1x1xf32> to vector<1xf32>
    %reduce_sum3A_11 = vector.shape_cast %reduce_sum3A_10 : vector<1xf32> to vector<1x1x1x1xf32>
    %reduce_sum3A_12 = vector.extract %reduce_sum3A_11[0, 0, 0, 0] : f32 from vector<1x1x1x1xf32>
    %div3A = vector.broadcast %reduce_sum3A_12 : f32 to vector<1x128xf32>
    %div3A_13 = arith.divf %reduce_sum3A_3, %div3A : vector<1x128xf32>
    %logistic3A = arith.negf %div3A_13 : vector<1x128xf32>
    %logistic3A_14 = math.exp %logistic3A : vector<1x128xf32>
    %logistic3A_15 = arith.constant 1.000000e+00 : f32
    %logistic3A_16 = vector.broadcast %logistic3A_15 : f32 to vector<1x128xf32>
    %logistic3A_17 = arith.addf %logistic3A_16, %logistic3A_14 : vector<1x128xf32>
    %logistic3A_18 = arith.divf %logistic3A_16, %logistic3A_17 : vector<1x128xf32>
    %get3A_19 = arith.constant 0 : index
    %get3A_20 = arith.constant 0 : index
    %get3A_21 = vector.load %arg5[%get3A_19, %get3A_20] : memref<128x128xf32, #tpu.memory_space<vmem>>, vector<128x128xf32>
    %dot_general3A = arith.constant dense<0.000000e+00> : vector<128x1xf32>
    %dot_general3A_22 = tpu.matmul %get3A_21, %logistic3A_18, %dot_general3A {dimension_numbers = #tpu.dot_dimension_numbers<[1], [1], [0], [0], [0, 0, 1, 0], [], []>, transpose_lhs_hint = false} : vector<128x128xf32>, vector<1x128xf32>, vector<128x1xf32> -> vector<128x1xf32>
    %get3A_23 = arith.constant 0 : index
    %get3A_24 = arith.constant 0 : index
    %get3A_25 = vector.load %arg6[%get3A_23, %get3A_24] : memref<1x1xf32, #tpu.memory_space<vmem>>, vector<1x1xf32>
    %get3A_26 = vector.extract %get3A_25[0, 0] : f32 from vector<1x1xf32>
    %get3A_27 = arith.constant 0 : index
    %get3A_28 = arith.constant 0 : index
    %get3A_29 = vector.load %arg1[%get3A_27, %get3A_28] : memref<1024x128xf32, #tpu.memory_space<vmem>>, vector<1024x128xf32>
    %dot_general3A_30 = arith.constant dense<0.000000e+00> : vector<1024x1xf32>
    %dot_general3A_31 = tpu.matmul %get3A_29, %dot_general3A_22, %dot_general3A_30 {dimension_numbers = #tpu.dot_dimension_numbers<[1], [0], [0], [1], [0, 0, 1, 1], [], []>, transpose_lhs_hint = false} : vector<1024x128xf32>, vector<128x1xf32>, vector<1024x1xf32> -> vector<1024x1xf32>
    %add3A = vector.broadcast %get3A_26 : f32 to vector<1024x1xf32>
    %add3A_32 = arith.addf %dot_general3A_31, %add3A : vector<1024x1xf32>
    %get3A_33 = arith.constant 0 : index
    %get3A_34 = arith.constant 0 : index
    %get3A_35 = vector.load %arg7[%get3A_33, %get3A_34] : memref<1024x1xf32, #tpu.memory_space<vmem>>, vector<1024x1xf32>
    %add3A_36 = arith.addf %add3A_32, %get3A_35 : vector<1024x1xf32>
    %swap3A = arith.constant 0 : index
    %swap3A_37 = arith.constant 0 : index
    %swap3A_38 = vector.load %arg9[%swap3A, %swap3A_37] : memref<1024x1xf32, #tpu.memory_space<vmem>>, vector<1024x1xf32>
    tpu.vector_store %arg9[%swap3A, %swap3A_37], %add3A_36 {strides = array<i32>} : memref<1024x1xf32, #tpu.memory_space<vmem>>, vector<1024x1xf32>,
    %get3A_39 = arith.constant 0 : index
    %get3A_40 = arith.constant 0 : index
    %get3A_41 = vector.load %arg2[%get3A_39, %get3A_40] : memref<1024x128xf32, #tpu.memory_space<vmem>>, vector<1024x128xf32>
    %dot_general3A_42 = arith.constant dense<0.000000e+00> : vector<1024x1xf32>
    %dot_general3A_43 = tpu.matmul %get3A_41, %dot_general3A_22, %dot_general3A_42 {dimension_numbers = #tpu.dot_dimension_numbers<[1], [0], [0], [1], [0, 0, 1, 1], [], []>, transpose_lhs_hint = false} : vector<1024x128xf32>, vector<128x1xf32>, vector<1024x1xf32> -> vector<1024x1xf32>
    %add3A_44 = vector.broadcast %get3A_26 : f32 to vector<1024x1xf32>
    %add3A_45 = arith.addf %dot_general3A_43, %add3A_44 : vector<1024x1xf32>
    %get3A_46 = arith.constant 0 : index
    %get3A_47 = arith.constant 0 : index
    %get3A_48 = vector.load %arg8[%get3A_46, %get3A_47] : memref<1024x1xf32, #tpu.memory_space<vmem>>, vector<1024x1xf32>
    %add3A_49 = arith.addf %add3A_45, %get3A_48 : vector<1024x1xf32>
    %swap3A_50 = arith.constant 0 : index
    %swap3A_51 = arith.constant 0 : index
    %swap3A_52 = vector.load %arg10[%swap3A_50, %swap3A_51] : memref<1024x1xf32, #tpu.memory_space<vmem>>, vector<1024x1xf32>
    tpu.vector_store %arg10[%swap3A_50, %swap3A_51], %add3A_49 {strides = array<i32>} : memref<1024x1xf32, #tpu.memory_space<vmem>>, vector<1024x1xf32>,
    return
  }
  func.func @transform_0(%arg0: i32) -> (i32, i32) {
    %c0_i32 = arith.constant 0 : i32
    %c0_i32_0 = arith.constant 0 : i32
    return %arg0, %c0_i32 : i32, i32
  }
  func.func @transform_1(%arg0: i32) -> (i32, i32) {
    %c0_i32 = arith.constant 0 : i32
    %c0_i32_0 = arith.constant 0 : i32
    return %arg0, %c0_i32 : i32, i32
  }
  func.func @transform_2(%arg0: i32) -> (i32, i32, i32) {
    %c0_i32 = arith.constant 0 : i32
    %c0_i32_0 = arith.constant 0 : i32
    %c0_i32_1 = arith.constant 0 : i32
    %c0_i32_2 = arith.constant 0 : i32
    return %c0_i32, %c0_i32_0, %c0_i32_1 : i32, i32, i32
  }
  func.func @transform_3(%arg0: i32) -> (i32, i32, i32) {
    %c0_i32 = arith.constant 0 : i32
    %c0_i32_0 = arith.constant 0 : i32
    %c0_i32_1 = arith.constant 0 : i32
    %c0_i32_2 = arith.constant 0 : i32
    return %c0_i32, %c0_i32_0, %c0_i32_1 : i32, i32, i32
  }
  func.func @transform_4(%arg0: i32) -> (i32, i32) {
    %c0_i32 = arith.constant 0 : i32
    %c0_i32_0 = arith.constant 0 : i32
    %c0_i32_1 = arith.constant 0 : i32
    return %c0_i32, %c0_i32_0 : i32, i32
  }
  func.func @transform_5(%arg0: i32) -> (i32, i32) {
    %c0_i32 = arith.constant 0 : i32
    %c0_i32_0 = arith.constant 0 : i32
    %c0_i32_1 = arith.constant 0 : i32
    return %c0_i32, %c0_i32_0 : i32, i32
  }
  func.func @transform_6(%arg0: i32) -> (i32, i32) {
    %c0_i32 = arith.constant 0 : i32
    %c0_i32_0 = arith.constant 0 : i32
    return %arg0, %c0_i32 : i32, i32
  }
  func.func @transform_7(%arg0: i32) -> (i32, i32) {
    %c0_i32 = arith.constant 0 : i32
    %c0_i32_0 = arith.constant 0 : i32
    return %arg0, %c0_i32 : i32, i32
  }
  func.func @transform_8(%arg0: i32) -> (i32, i32) {
    %c0_i32 = arith.constant 0 : i32
    %c0_i32_0 = arith.constant 0 : i32
    return %arg0, %c0_i32 : i32, i32
  }
  func.func @transform_9(%arg0: i32) -> (i32, i32) {
    %c0_i32 = arith.constant 0 : i32
    %c0_i32_0 = arith.constant 0 : i32
    return %arg0, %c0_i32 : i32, i32
  }
}

</mosaic_0001>

<sc_bundles>
// kernel: kernel.11.cloned.1.call-start
scs
__scs_entry_jumppad:
0x0: {  	(pc) =	sbr.rel $0x88, $3  }
0x1: {  	(tag) =	ssettag $0x0;
	lr =	simm.s32 $0x1  }
0x2: {  	[smem:$0x3F97] =	sst lr;
	_ =	strace $0xD0000000  }
0x3: {  	_ = 	snop  }
0x4: {  	_ = 	snop  }
0x5: {  	_ = 	snop  }
0x6: {  	_ = 	snop  }
0x7: {  	_ = 	snop  }
__scs_overlays_trampoline_lowered:
0x8: {  	[smem:$0x3FA6] =	sst s0  }
0x9: {  	[smem:$0x3FA7] =	sst s1  }
0xa: {  	[smem:$0x3FA8] =	sst s2  }
0xb: {  	[smem:$0x3FA9] =	sst s3  }
0xc: {  	[smem:$0x3FAA] =	sst s4  }
0xd: {  	[smem:$0x3FAB] =	sst s5  }
0xe: {  	[smem:$0x3FAC] =	sst s6  }
0xf: {  	[smem:$0x3FAD] =	sst s7  }
0x10: {  	[smem:$0x3FAE] =	sst s8  }
0x11: {  	[smem:$0x3FAF] =	sst s9;
	s0 =	simm.s32 @!p0 $0x0  }
0x12: {  	s1 =	sld [smem:$0x3F95];
	s0 =	simm.s32 @p0 $0x1  }
0x13: {  	[smem:$0x3FB0] =	sst s0;
	s0 =	simm.s32 @!p1 $0x0  }
0x14: {  	s2 =	sld [smem:$0x3F94];
	s0 =	simm.s32 @p1 $0x1  }
0x15: {  	[smem:$0x3FB1] =	sst s0;
	s0 =	simm.s32 @!p2 $0x0  }
0x16: {  	s3 =	sld [smem:$0x3FDB];
	s0 =	simm.s32 @p2 $0x1  }
0x17: {  	s4 =	simm.s32 $0x1BF5;
	[smem:$0x3FB3] =	sst s0  }
0x18: {  	s0 =	sld [smem:$0x3F96];
	_ =	swait.ge [sflag:s4], $0x0  }
0x19: {  	s7 =	sld [smem:$0x3F97]  }
0x1a: {  	s8 =	sadd.s32 $0xFFFFE003, lr  }
0x1b: {  	s9 =	sadd.s32 $0xFFFFFEF7, lr;
	s5 =	simm.s32 $0xFFFFFFFF;
	p2 =	slt.u32 s8, $0xFFFFF086  }
0x1c: {  	p1 =	slt.u32 s9, $0xF7A;
	s5 =	simm.s32 @!p2 $0x0  }
0x1d: {  	s5 =	simm.s32 @p1 $0x1;
	p0 =	seq.s32 s7, s2  }
0x1e: {  	s7 =	smul.u32 @!p0 $0xF7A, s2;
	p2 =	seq.s32 @!p0 s5, $0x0  }
0x1f: {  	s9 =	smul.u32 $0xF7A, s1;
	s8 =	simm.s32 @!p0 $0x1BF5;
	p2 =	por !p2, p0  }
0x20: {  	[sflag:s8] =	ssyncset.s32 @!p0 $0xFFFFF086;
	s6 =	sadd.s32 @!p0 s3, s7;
	s7 =	simm.s32 @!p0 $0x108  }
0x21: {  	s3 =	sadd.s32 s3, s9;
	s6 =	sadd.s32 @!p0 $0x88, s6;
	s7 =	simm.s32 @p2 $0x1082  }
0x22: {  	[simem:s7], [sflag:s8] =	dma.local @!p0 [hbm:s6], $0xF7A  }
0x23: {  	s9 =	sor.u32 $0xD0000000, s2;
	s6 =	simm.s32 $0x108;
	_ =	swait.ge @!p0 [sflag:s8], $0x0  }
0x24: {  	s3 =	sadd.s32 $0x88, s3;
	s6 =	simm.s32 @!p1 $0x1082;
	[sflag:s4] =	ssyncset.s32 $0xFFFFF086  }
0x25: {  	[simem:s6], [sflag:s4] =	dma.local [hbm:s3], $0xF7A  }
0x26: {  	[smem:$0x3F97] =	sst s1;
	(tag) =	ssettag s2;
	_ =	strace s9  }
0x27: {  	s1 =	sld [smem:$0x3FA7]  }
0x28: {  	s2 =	sld [smem:$0x3FA8]  }
0x29: {  	s4 =	sld [smem:$0x3FAA]  }
0x2a: {  	p0 =	seq.s32 s5, $0x0;
	s5 =	sld [smem:$0x3FAB]  }
0x2b: {  	s6 =	sld [smem:$0x3FAC]  }
0x2c: {  	s7 =	sld [smem:$0x3FAD]  }
0x2d: {  	s3 =	simm.s32 $0x108;
	s8 =	sld [smem:$0x3FAE]  }
0x2e: {  	s3 =	simm.s32 @!p0 $0x1082;
	s9 =	sld [smem:$0x3FAF]  }
0x2f: {  	lr =	sadd.s32 s0, s3;
	s0 =	sld [smem:$0x3FA6]  }
0x30: {  	s3 =	sld [smem:$0x3FA9]  }
0x31: {  	[smem:$0x3FB2] =	sst s10  }
0x32: {  	s10 =	sld [smem:$0x3FB0];
	_ =	sdelay $0x3  }
0x33: {  	p0 =	seq.s32 s10, $0x1;
	s10 =	sld [smem:$0x3FB2];
	_ =	sdelay $0x3  }
0x34: {  	[smem:$0x3FB2] =	sst s10  }
0x35: {  	s10 =	sld [smem:$0x3FB1];
	_ =	sdelay $0x3  }
0x36: {  	p1 =	seq.s32 s10, $0x1;
	s10 =	sld [smem:$0x3FB2];
	_ =	sdelay $0x3  }
0x37: {  	[smem:$0x3FB2] =	sst s10  }
0x38: {  	s10 =	sld [smem:$0x3FB3]  }
0x39: {  	_ = 	snop;
	(pc) =	sbr.ind lr, $3  }
0x3a: {  	_ = 	snop  }
0x3b: {  	_ = 	snop  }
0x3c: {  	p2 =	seq.s32 s10, $0x1;
	s10 =	sld [smem:$0x3FB2]  }
0x3d: {  	_ =	shalt  }
0x3e: {  	_ =	shalt  }
0x3f: {  	_ =	shalt  }
0x40: {  	_ =	shalt  }
0x41: {  	_ =	shalt  }
0x42: {  	_ =	shalt  }
0x43: {  	_ =	shalt  }
0x44: {  	_ =	shalt  }
0x45: {  	_ =	shalt  }
0x46: {  	_ =	shalt  }
0x47: {  	_ =	shalt  }
0x48: {  	_ =	shalt  }
0x49: {  	_ =	shalt  }
0x4a: {  	_ =	shalt  }
0x4b: {  	_ =	shalt  }
0x4c: {  	_ =	shalt  }
0x4d: {  	_ =	shalt  }
0x4e: {  	_ =	shalt  }
0x4f: {  	_ =	shalt  }
0x50: {  	_ =	shalt  }
0x51: {  	_ =	shalt  }
0x52: {  	_ =	shalt  }
0x53: {  	_ =	shalt  }
0x54: {  	_ =	shalt  }
0x55: {  	_ =	shalt  }
0x56: {  	_ =	shalt  }
0x57: {  	_ =	shalt  }
0x58: {  	_ =	shalt  }
0x59: {  	_ =	shalt  }
0x5a: {  	_ =	shalt  }
0x5b: {  	_ =	shalt  }
0x5c: {  	_ =	shalt  }
0x5d: {  	_ =	shalt  }
0x5e: {  	_ =	shalt  }
0x5f: {  	_ =	shalt  }
0x60: {  	_ =	shalt  }
0x61: {  	_ =	shalt  }
0x62: {  	_ =	shalt  }
0x63: {  	_ =	shalt  }
0x64: {  	_ =	shalt  }
0x65: {  	_ =	shalt  }
0x66: {  	_ =	shalt  }
0x67: {  	_ =	shalt  }
0x68: {  	_ =	shalt  }
0x69: {  	_ =	shalt  }
0x6a: {  	_ =	shalt  }
0x6b: {  	_ =	shalt  }
0x6c: {  	_ =	shalt  }
0x6d: {  	_ =	shalt  }
0x6e: {  	_ =	shalt  }
0x6f: {  	_ =	shalt  }
0x70: {  	_ =	shalt  }
0x71: {  	_ =	shalt  }
0x72: {  	_ =	shalt  }
0x73: {  	_ =	shalt  }
0x74: {  	_ =	shalt  }
0x75: {  	_ =	shalt  }
0x76: {  	_ =	shalt  }
0x77: {  	_ =	shalt  }
0x78: {  	_ =	shalt  }
0x79: {  	_ =	shalt  }
0x7a: {  	_ =	shalt  }
0x7b: {  	_ =	shalt  }
0x7c: {  	_ =	shalt  }
0x7d: {  	_ =	shalt  }
0x7e: {  	_ =	shalt  }
0x7f: {  	_ =	shalt  }
0x80: {  	_ =	shalt  }
0x81: {  	_ =	shalt  }
0x82: {  	_ =	shalt  }
0x83: {  	_ =	shalt  }
0x84: {  	_ =	shalt  }
0x85: {  	_ =	shalt  }
0x86: {  	_ =	shalt  }
0x87: {  	_ =	shalt  }
.Lfunc_end0:
.L_simem_size_0:
called_computation.1_lowered:
.L_overlay_start_0:
0x88: {  	s2 =	sld [smem:$0x3FD9]  }
0x89: {  	s3 =	sld [smem:$0x3FFE];
	_ =	sdelay $0x1  }
0x8a: {  	s1 =	srdreg.scid  }
0x8b: {  	s0 =	sand.u32 $0x1, s1  }
0x8c: {  	s16 =	sshll.u32 s0, $0xA;
	s2 =	sadd.s32 s3, s2  }
0x8d: {  	s2 =	sadd.s32 s2, s16  }
0x8e: {  	[smem:$0x3FBE] =	sst s2  }
0x8f: {  	_ = 	snop  }
0x90: {  	(tm) =	ssettm $0x1  }
0x91: {  	s17 =	sld [smem:$0x3FFB];
	_ =	sdelay $0x3  }
0x92: {  	_ =	strace s17  }
0x93: {  	s2 =	sld [smem:$0x3FFC];
	_ =	sdelay $0x3  }
0x94: {  	_ =	strace s2  }
0x95: {  	s2 =	sld [smem:$0x3FFD];
	_ =	sdelay $0x3  }
0x96: {  	_ =	strace s2  }
0x97: {  	_ =	strace $0x8FFFFFFF  }
0x98: {  	s18 =	sld [smem:$0x3FDB];
	_ =	sdelay $0x1  }
0x99: {  	s19 =	simm.s32 $_scs_section_size  }
0x9a: {  	s4 =	simm.s32 $_size__tile_overlayer_lowered;
	s5 =	simm.s32 $_tile_overlayer_lowered  }
0x9b: {  	s22 =	simm.s32 $0x1BFF;
	s21 =	sshll.u32 s5, $0x1;
	s2 =	sadd.s32 s19, s18  }
0x9c: {  	s6 =	simm.s32 $0x0;
	s20 =	sshll.u32 s4, $0x1;
	s4 =	sadd.s32 s21, s2  }
0x9d: {  	[timem:s6], [sflag:s22] =	dma.local [hbm:s4], s20  }
0x9e: {  	_ =	swait.ge [sflag:s22], s20  }
0x9f: {  	s3 =	ssub.s32 $0x0, s20;
	[sflag:s22] =	ssyncset.done $0x0  }
0xa0: {  	[sflag:s22] =	ssyncadd.s32 s3;
	_ =	sdelay $0x1  }
0xa1: {  	s23 =	simm.s32 $0x1B8B  }
0xa2: {  	_ =	swait.ge [sflag:s23], $0x1  }
0xa3: {  	[sflag:s23] =	ssyncset.done $0x0  }
0xa4: {  	s25 =	simm.s32 $0x1B8E;
	s24 =	sld [smem:$0x3FFE];
	[sflag:s23] =	ssyncadd.s32 $0xFFFFFFFF  }
0xa5: {  	s26 =	simm.s32 $execute0_lowered;
	[smem:$0x3FD2] =	sst s25  }
0xa6: {  	s4 =	sshll.u32 s26, $0x1;
	_ =	strace $0x80000049;
	[dreg:$0x1] =	wrdreg $0xFFFFFFFF  }
0xa7: {  	s28 =	simm.s32 $_size_execute0_lowered;
	s2 =	sadd.s32 s2, s4;
	[dreg:$0x0] =	wrdreg $0x0  }
0xa8: {  	s4 =	sshll.u32 s28, $0x1;
	[dreg:$0x2] =	wrdreg s2  }
0xa9: {  	[dreg:$0x3] =	wrdreg s4  }
0xaa: {  	[dreg:$0x4] =	wrdreg $0xC0  }
0xab: {  	_ =	task [dreg:s6], $0x5FFFF  }
0xac: {  	[dreg:$0x1] =	wrdreg $0xFFFFFFFF  }
0xad: {  	[dreg:$0x0] =	wrdreg $0x60  }
0xae: {  	[dreg:$0x2] =	wrdreg s24  }
0xaf: {  	[dreg:$0x3] =	wrdreg $0x88000  }
0xb0: {  	[dreg:$0x4] =	wrdreg $0x9  }
0xb1: {  	_ =	task.clear_ibuf [dreg:s6], $0x5FFFF;
	_ =	strace $0x90000049  }
0xb2: {  	s29 =	simm.s32 $0x9;
	_ =	strace $0x8000004B  }
0xb3: {  	_ =	swait.ge [sflag:s29], $0x1  }
0xb4: {  	[sflag:s29] =	ssyncadd.s32 $0xFFFFFFFF  }
0xb5: {  	_ =	strace $0x9000004B  }
0xb6: {  	_ =	sfence  }
0xb7: {  	s30 =	sld [smem:$0x0];
	_ =	sdelay $0x2  }
0xb8: {  	s31 =	sshll.u32 s1, $0xD;
	s1 =	sshrl.u32 s1, $0x2  }
0xb9: {  	s3 =	sand.u32 $0x4000, s31;
	s1 =	sadd.s32 s1, s30  }
0xba: {  	s0 =	sor.u32 s3, s0;
	s1 =	sshll.u32 s1, $0x11  }
0xbb: {  	s0 =	sor.u32 s1, s0  }
0xbc: {  	s0 =	sadd.s32 $0x8F2B, s0  }
0xbd: {  	[sflag:s0] =	ssyncadd.remote.s32 $0x1  }
0xbe: {  	_ =	sfence.sel $0xFFFF  }
0xbf: {  	[dreg:$0x0] =	wrdreg $0xFFFFFFFF;
	(pc) =	sbr.abs _section_cstart, $3  }
0xc0: {  	[dreg:$0x1] =	wrdreg $0xFFFFFFFF  }
0xc1: {  	_ =	task.clear_ibuf [dreg:s6], $0x2FFFF;
	_ =	strace $0x9FFFFFFF  }
0xc2: {  	(tm) =	ssettm $0x7FFFFFFF  }
0xc3: {  	_ =	shalt  }
tec
execute0_lowered:
.L_overlay_start_1:
0x0: {  	(tag) =	ssettag $0x1  }
0x1: {  	s4 =	rddreg [dreg:$0x0]  }
0x2: {  	s0 =	srdreg.scid;
	s2 =	rddreg [dreg:$0x1];
	s3 =	simm.s32 $0x0  }
0x3: {  	s25 =	stileid.u32;
	s14 =	simm.s32 $0x7;
	s15 =	simm.s32 $0x100  }
0x4: {  	s18 =	simm.s32 $0x3;
	s19 =	simm.s32 $0x80;
	s20 =	simm.s32 $0x4  }
0x5: {  	s21 =	simm.s32 $0x4800;
	s22 =	simm.s32 $0x5;
	s8 =	smul.u32 $0x14000, s25  }
0x6: {  	s23 =	simm.s32 $0x1;
	s24 =	simm.s32 $0x6;
	s26 =	smul.u32 $0xA400, s25  }
0x7: {  	s5 =	sand.u32 $0x1, s0;
	[smem:$0x7FF] =	sst s3;
	s28 =	smul.u32 $0x50000, s25  }
0x8: {  	s12 =	sadd.s32 $0xBC00, s4;
	s13 =	smul.u32 $0x1480, s25;
	s25 =	simm.s32 $0x2  }
0x9: {  	s6 =	smul.u32 $0x140000, s5;
	_ =	strace $0x8000004A;
	s5 =	ssub.s32 $0x2, s5  }
0xa: {  	s29 =	sshrl.u32 s5, $0x1;
	s30 =	sshrl.u32 s26, $0x3;
	s31 =	sshrl.u32 s28, $0x2  }
0xb: {  	s26 =	simm.s32 $0x0;
	s7 =	sshrl.u32 s6, $0x3;
	s6 =	sadd.s32 s8, s6  }
0xc: {  	s11 =	ssub.s32 s5, s29;
	s5 =	sadd.s32 s31, s2;
	s6 =	sshrl.u32 s6, $0x3  }
0xd: {  	s9 =	sadd.s32 s7, s4;
	s11 =	smax.u32 s11, $0x1;
	s10 =	sadd.s32 s6, s4  }
0xe: {  	s4 =	sadd.s32 s12, s30;
	s9 =	sadd.s32 $0x48400, s9;
	s12 =	sadd.s32 s13, s12  }
0xf: {  	s13 =	simm.s32 $0x800;
	s6 =	sadd.s32 $0x20, s4;
	s7 =	sadd.s32 $0x40, s4  }
0x10: {  	v0 =	vimm.f32 $0.0e+00;
	s8 =	sadd.s32 $0x60, s4;
	s10 =	sadd.s32 $0x98400, s10;
	s12 =	sadd.s32 $0x80, s12  }
.LBB2_1:
0x11: {  	[tilespmem:$0x800] =	vst v0  }
0x12: {  	[tilespmem:$0x810] =	vst v0  }
0x13: {  	[tilespmem:$0x820] =	vst v0  }
0x14: {  	[tilespmem:$0x830] =	vst v0  }
0x15: {  	[tilespmem:$0x840] =	vst v0  }
0x16: {  	[tilespmem:$0x850] =	vst v0  }
0x17: {  	[tilespmem:$0x860] =	vst v0  }
0x18: {  	[tilespmem:$0x870] =	vst v0  }
0x19: {  	[tilespmem:$0x880] =	vst v0  }
0x1a: {  	[tilespmem:$0x890] =	vst v0  }
0x1b: {  	[tilespmem:$0x8A0] =	vst v0  }
0x1c: {  	[tilespmem:$0x8B0] =	vst v0  }
0x1d: {  	[tilespmem:$0x8C0] =	vst v0  }
0x1e: {  	[tilespmem:$0x8D0] =	vst v0  }
0x1f: {  	[tilespmem:$0x8E0] =	vst v0  }
0x20: {  	[tilespmem:$0x8F0] =	vst v0  }
0x21: {  	[tilespmem:$0x900] =	vst v0  }
0x22: {  	[tilespmem:$0x910] =	vst v0  }
0x23: {  	[tilespmem:$0x920] =	vst v0  }
0x24: {  	[tilespmem:$0x930] =	vst v0  }
0x25: {  	[tilespmem:$0x940] =	vst v0  }
0x26: {  	[tilespmem:$0x950] =	vst v0  }
0x27: {  	[tilespmem:$0x960] =	vst v0  }
0x28: {  	[tilespmem:$0x970] =	vst v0  }
0x29: {  	[tilespmem:$0x980] =	vst v0  }
0x2a: {  	[tilespmem:$0x990] =	vst v0  }
0x2b: {  	[tilespmem:$0x9A0] =	vst v0  }
0x2c: {  	[tilespmem:$0x9B0] =	vst v0  }
0x2d: {  	[tilespmem:$0x9C0] =	vst v0  }
0x2e: {  	[tilespmem:$0x9D0] =	vst v0  }
0x2f: {  	[tilespmem:$0x9E0] =	vst v0  }
0x30: {  	[tilespmem:$0x9F0] =	vst v0  }
0x31: {  	[tilespmem:$0xA00] =	vst v0  }
0x32: {  	[tilespmem:$0xA10] =	vst v0  }
0x33: {  	[tilespmem:$0xA20] =	vst v0  }
0x34: {  	[tilespmem:$0xA30] =	vst v0  }
0x35: {  	[tilespmem:$0xA40] =	vst v0  }
0x36: {  	[tilespmem:$0xA50] =	vst v0  }
0x37: {  	[tilespmem:$0xA60] =	vst v0  }
0x38: {  	[tilespmem:$0xA70] =	vst v0  }
0x39: {  	[tilespmem:$0xA80] =	vst v0  }
0x3a: {  	[tilespmem:$0xA90] =	vst v0  }
0x3b: {  	[tilespmem:$0xAA0] =	vst v0  }
0x3c: {  	[tilespmem:$0xAB0] =	vst v0  }
0x3d: {  	[tilespmem:$0xAC0] =	vst v0  }
0x3e: {  	[tilespmem:$0xAD0] =	vst v0  }
0x3f: {  	[tilespmem:$0xAE0] =	vst v0  }
0x40: {  	[tilespmem:$0xAF0] =	vst v0  }
0x41: {  	[tilespmem:$0xB00] =	vst v0  }
0x42: {  	[tilespmem:$0xB10] =	vst v0  }
0x43: {  	[tilespmem:$0xB20] =	vst v0  }
0x44: {  	[tilespmem:$0xB30] =	vst v0  }
0x45: {  	[tilespmem:$0xB40] =	vst v0  }
0x46: {  	[tilespmem:$0xB50] =	vst v0  }
0x47: {  	[tilespmem:$0xB60] =	vst v0  }
0x48: {  	[tilespmem:$0xB70] =	vst v0  }
0x49: {  	[tilespmem:$0xB80] =	vst v0  }
0x4a: {  	[tilespmem:$0xB90] =	vst v0  }
0x4b: {  	[tilespmem:$0xBA0] =	vst v0  }
0x4c: {  	[tilespmem:$0xBB0] =	vst v0  }
0x4d: {  	[tilespmem:$0xBC0] =	vst v0  }
0x4e: {  	[tilespmem:$0xBD0] =	vst v0  }
0x4f: {  	[tilespmem:$0xBE0] =	vst v0  }
0x50: {  	[tilespmem:$0xBF0] =	vst v0  }
0x51: {  	[tilespmem:$0xC00] =	vst v0  }
0x52: {  	[tilespmem:$0xC10] =	vst v0  }
0x53: {  	[tilespmem:$0xC20] =	vst v0  }
0x54: {  	[tilespmem:$0xC30] =	vst v0  }
0x55: {  	[tilespmem:$0xC40] =	vst v0  }
0x56: {  	[tilespmem:$0xC50] =	vst v0  }
0x57: {  	[tilespmem:$0xC60] =	vst v0  }
0x58: {  	[tilespmem:$0xC70] =	vst v0  }
0x59: {  	[tilespmem:$0xC80] =	vst v0  }
0x5a: {  	[tilespmem:$0xC90] =	vst v0  }
0x5b: {  	[tilespmem:$0xCA0] =	vst v0  }
0x5c: {  	[tilespmem:$0xCB0] =	vst v0  }
0x5d: {  	[tilespmem:$0xCC0] =	vst v0  }
0x5e: {  	[tilespmem:$0xCD0] =	vst v0  }
0x5f: {  	[tilespmem:$0xCE0] =	vst v0  }
0x60: {  	[tilespmem:$0xCF0] =	vst v0  }
0x61: {  	[tilespmem:$0xD00] =	vst v0  }
0x62: {  	[tilespmem:$0xD10] =	vst v0  }
0x63: {  	[tilespmem:$0xD20] =	vst v0  }
0x64: {  	[tilespmem:$0xD30] =	vst v0  }
0x65: {  	[tilespmem:$0xD40] =	vst v0  }
0x66: {  	[tilespmem:$0xD50] =	vst v0  }
0x67: {  	[tilespmem:$0xD60] =	vst v0  }
0x68: {  	[tilespmem:$0xD70] =	vst v0  }
0x69: {  	[tilespmem:$0xD80] =	vst v0  }
0x6a: {  	[tilespmem:$0xD90] =	vst v0  }
0x6b: {  	[tilespmem:$0xDA0] =	vst v0  }
0x6c: {  	[tilespmem:$0xDB0] =	vst v0  }
0x6d: {  	[tilespmem:$0xDC0] =	vst v0  }
0x6e: {  	[tilespmem:$0xDD0] =	vst v0  }
0x6f: {  	[tilespmem:$0xDE0] =	vst v0  }
0x70: {  	[tilespmem:$0xDF0] =	vst v0  }
0x71: {  	[tilespmem:$0xE00] =	vst v0  }
0x72: {  	[tilespmem:$0xE10] =	vst v0  }
0x73: {  	[tilespmem:$0xE20] =	vst v0  }
0x74: {  	[tilespmem:$0xE30] =	vst v0  }
0x75: {  	[tilespmem:$0xE40] =	vst v0  }
0x76: {  	[tilespmem:$0xE50] =	vst v0  }
0x77: {  	[tilespmem:$0xE60] =	vst v0  }
0x78: {  	[tilespmem:$0xE70] =	vst v0  }
0x79: {  	[tilespmem:$0xE80] =	vst v0  }
0x7a: {  	[tilespmem:$0xE90] =	vst v0  }
0x7b: {  	[tilespmem:$0xEA0] =	vst v0  }
0x7c: {  	[tilespmem:$0xEB0] =	vst v0  }
0x7d: {  	[tilespmem:$0xEC0] =	vst v0  }
0x7e: {  	[tilespmem:$0xED0] =	vst v0  }
0x7f: {  	[tilespmem:$0xEE0] =	vst v0  }
0x80: {  	[tilespmem:$0xEF0] =	vst v0  }
0x81: {  	[tilespmem:$0xF00] =	vst v0  }
0x82: {  	[tilespmem:$0xF10] =	vst v0  }
0x83: {  	[tilespmem:$0xF20] =	vst v0  }
0x84: {  	[tilespmem:$0xF30] =	vst v0  }
0x85: {  	[tilespmem:$0xF40] =	vst v0  }
0x86: {  	[tilespmem:$0xF50] =	vst v0  }
0x87: {  	[tilespmem:$0xF60] =	vst v0  }
0x88: {  	[tilespmem:$0xF70] =	vst v0  }
0x89: {  	[tilespmem:$0xF80] =	vst v0  }
0x8a: {  	[tilespmem:$0xF90] =	vst v0  }
0x8b: {  	[tilespmem:$0xFA0] =	vst v0  }
0x8c: {  	[tilespmem:$0xFB0] =	vst v0  }
0x8d: {  	[tilespmem:$0xFC0] =	vst v0  }
0x8e: {  	[tilespmem:$0xFD0] =	vst v0  }
0x8f: {  	[tilespmem:$0xFE0] =	vst v0  }
0x90: {  	[tilespmem:$0xFF0] =	vst v0;
	s28 =	sadd.s32 $0x0, s5  }
0x91: {  	[spmem:s28] =	stream.linear.scatter [tilespmem:s13], [sflag:$0x7], $0x800, $0x38;
	[tilespmem:$0x1C800] =	vst v63  }
0x92: {  	s28 =	simm.s32 $0x2000;
	_ =	swait.ge [sflag:s14], $0x800  }
.LBB2_2:
0x93: {  	s29 =	sshra.s32 s28, $0x2;
	[sflag:s14] =	ssyncset.done $0x0;
	p0 =	sne.s32 s28, $0x4E000  }
.Ltmp0:
0x94: {  	s29 =	sadd.s32 s29, s5;
	[sflag:s14] =	ssyncadd.s32 $0xFFFFF800;
	(pc) =	sbr.rel @p0 .LBB2_2-.Ltmp0, $3  }
0x95: {  	[spmem:s29] =	stream.linear.scatter [tilespmem:s13], [sflag:$0x7], $0x800, $0x38;
	[tilespmem:$0x1C800] =	vst v63  }
0x96: {  	s28 =	sadd.s32 $0x2000, s28;
	_ =	sdelay $0x1  }
0x97: {  	_ =	swait.ge [sflag:s14], $0x800  }
0x98: {  	[sflag:s14] =	ssyncset.done $0x0  }
0x99: {  	[sflag:s14] =	ssyncadd.s32 $0xFFFFF800  }
0x9a: {  	[bflag:$0x0] =	sbarrier.arrive $0xFFFF  }
0x9b: {  	[tilespmem:s3], [sflag:$0x3] =	stream.linear.gather [hbm4b:s4+s3], $0x100, $0x38;
	[tilespmem:$0x1C800] =	vst v63  }
0x9c: {  	_ = 	snop  }
0x9d: {  	[tilespmem:s15], [sflag:$0x4] =	stream.linear.gather [hbm4b:s6+s3], $0x100, $0x38;
	[tilespmem:$0x1C800] =	vst v63  }
0x9e: {  	s0 =	simm.s32 $0x200  }
0x9f: {  	[tilespmem:s0], [sflag:$0x5] =	stream.linear.gather [hbm4b:s7+s3], $0x100, $0x38;
	[tilespmem:$0x1C800] =	vst v63  }
0xa0: {  	s17 =	simm.s32 $0x300  }
0xa1: {  	[tilespmem:s17], [sflag:$0x6] =	stream.linear.gather [hbm4b:s8+s3], $0x100, $0x38;
	[tilespmem:$0x1C800] =	vst v63  }
0xa2: {  	_ =	swait.ge [sflag:s18], $0x100  }
0xa3: {  	[sflag:s18] =	ssyncset.done $0x0  }
0xa4: {  	[sflag:s18] =	ssyncadd.s32 $0xFFFFFF00  }
0xa5: {  	[tilespmem:s13], [sflag:$0x1] =	stream.indirect.gather [hbm4b:s9+s19], $0x80, s3, s19, $0xb8;
	[tilespmem:$0x1C800] =	vst v63  }
0xa6: {  	_ =	swait.ge [sflag:s20], $0x100  }
0xa7: {  	[sflag:s20] =	ssyncset.done $0x0  }
0xa8: {  	[sflag:s20] =	ssyncadd.s32 $0xFFFFFF00  }
0xa9: {  	[tilespmem:s21], [sflag:$0x2] =	stream.indirect.gather [hbm4b:s9+s19], $0x80, s15, s19, $0xb8;
	[tilespmem:$0x1C800] =	vst v63  }
0xaa: {  	_ =	swait.ge [sflag:s22], $0x100  }
0xab: {  	[sflag:s22] =	ssyncset.done $0x0  }
0xac: {  	s28 =	simm.s32 $0x0;
	[sflag:s22] =	ssyncadd.s32 $0xFFFFFF00  }
0xad: {  	s28 =	sand.u32 $0x1000, s28;
	_ =	swait.ge [sflag:s23], $0x4000  }
0xae: {  	s28 =	sshrl.u32 s28, $0x2;
	[sflag:s23] =	ssyncset.done $0x0  }
0xaf: {  	s29 =	sor.u32 $0x80, s28;
	[sflag:s23] =	ssyncadd.s32 $0xFFFFC000  }
0xb0: {  	[spmem:s2] =	stream.indirect.scatter.add.f32 [tilespmem:s13], [sflag:$0x7], $0x80, s29, s19, $0xb8;
	[tilespmem:$0x1C800] =	vst v63  }
0xb1: {  	_ =	swait.ge [sflag:s14], $0x4000  }
0xb2: {  	[sflag:s14] =	ssyncset.done $0x0  }
0xb3: {  	s30 =	simm.s32 $0x1000;
	s29 =	sor.u32 $0x200, s28;
	[sflag:s14] =	ssyncadd.s32 $0xFFFFC000  }
0xb4: {  	[tilespmem:s13], [sflag:$0x1] =	stream.indirect.gather [hbm4b:s9+s19], $0x80, s29, s19, $0xb8;
	[tilespmem:$0x1C800] =	vst v63  }
0xb5: {  	s29 =	sand.u32 $0x1000, s30  }
0xb6: {  	s29 =	sshrl.u32 s29, $0x2  }
0xb7: {  	[tilespmem:s29], [sflag:$0x3] =	stream.linear.gather [hbm4b:s12+s3], $0x100, $0x38;
	[tilespmem:$0x1C800] =	vst v63  }
0xb8: {  	_ =	swait.ge [sflag:s24], $0x100  }
0xb9: {  	[sflag:s24] =	ssyncset.done $0x0  }
0xba: {  	[sflag:s24] =	ssyncadd.s32 $0xFFFFFF00  }
0xbb: {  	_ =	swait.ge [sflag:s25], $0x4000  }
0xbc: {  	[sflag:s25] =	ssyncset.done $0x0  }
0xbd: {  	s30 =	sor.u32 $0x180, s28;
	[sflag:s25] =	ssyncadd.s32 $0xFFFFC000  }
0xbe: {  	[spmem:s2] =	stream.indirect.scatter.add.f32 [tilespmem:s21], [sflag:$0x7], $0x80, s30, s19, $0xb8;
	[tilespmem:$0x1C800] =	vst v63  }
0xbf: {  	_ =	swait.ge [sflag:s14], $0x4000  }
0xc0: {  	s30 =	simm.s32 $0x1400;
	[sflag:s14] =	ssyncset.done $0x0  }
0xc1: {  	s31 =	sor.u32 $0x300, s28;
	s30 =	sand.u32 $0x1400, s30;
	[sflag:s14] =	ssyncadd.s32 $0xFFFFC000  }
0xc2: {  	[tilespmem:s21], [sflag:$0x2] =	stream.indirect.gather [hbm4b:s9+s19], $0x80, s31, s19, $0xb8;
	[tilespmem:$0x1C800] =	vst v63  }
0xc3: {  	s30 =	sshrl.u32 s30, $0x2;
	s31 =	sadd.s32 $0x20, s12  }
0xc4: {  	[tilespmem:s30], [sflag:$0x4] =	stream.linear.gather [hbm4b:s31+s3], $0x100, $0x38;
	[tilespmem:$0x1C800] =	vst v63  }
0xc5: {  	_ =	swait.ge [sflag:s18], $0x100  }
0xc6: {  	[sflag:s18] =	ssyncset.done $0x0  }
0xc7: {  	[sflag:s18] =	ssyncadd.s32 $0xFFFFFF00  }
0xc8: {  	_ =	swait.ge [sflag:s23], $0x4000  }
0xc9: {  	[sflag:s23] =	ssyncset.done $0x0  }
0xca: {  	s31 =	sor.u32 $0x280, s28;
	[sflag:s23] =	ssyncadd.s32 $0xFFFFC000  }
0xcb: {  	[spmem:s2] =	stream.indirect.scatter.add.f32 [tilespmem:s13], [sflag:$0x7], $0x80, s31, s19, $0xb8;
	[tilespmem:$0x1C800] =	vst v63  }
0xcc: {  	_ =	swait.ge [sflag:s14], $0x4000  }
0xcd: {  	s31 =	simm.s32 $0x1800;
	[sflag:s14] =	ssyncset.done $0x0  }
0xce: {  	s31 =	sand.u32 $0x1800, s31;
	[sflag:s14] =	ssyncadd.s32 $0xFFFFC000  }
0xcf: {  	[tilespmem:s13], [sflag:$0x1] =	stream.indirect.gather [hbm4b:s9+s19], $0x80, s29, s19, $0xb8;
	[tilespmem:$0x1C800] =	vst v63  }
0xd0: {  	s31 =	sshrl.u32 s31, $0x2;
	s29 =	sadd.s32 $0x40, s12  }
0xd1: {  	[tilespmem:s31], [sflag:$0x5] =	stream.linear.gather [hbm4b:s29+s3], $0x100, $0x38;
	[tilespmem:$0x1C800] =	vst v63  }
0xd2: {  	_ =	swait.ge [sflag:s20], $0x100  }
0xd3: {  	[sflag:s20] =	ssyncset.done $0x0  }
0xd4: {  	[sflag:s20] =	ssyncadd.s32 $0xFFFFFF00  }
0xd5: {  	_ =	swait.ge [sflag:s25], $0x4000  }
0xd6: {  	[sflag:s25] =	ssyncset.done $0x0  }
0xd7: {  	s28 =	sor.u32 $0x380, s28;
	[sflag:s25] =	ssyncadd.s32 $0xFFFFC000  }
0xd8: {  	[spmem:s2] =	stream.indirect.scatter.add.f32 [tilespmem:s21], [sflag:$0x7], $0x80, s28, s19, $0xb8;
	[tilespmem:$0x1C800] =	vst v63  }
0xd9: {  	_ =	swait.ge [sflag:s14], $0x4000  }
0xda: {  	s29 =	simm.s32 $0x1C00;
	[sflag:s14] =	ssyncset.done $0x0  }
0xdb: {  	s31 =	sand.u32 $0x1C00, s29;
	[sflag:s14] =	ssyncadd.s32 $0xFFFFC000  }
0xdc: {  	[tilespmem:s21], [sflag:$0x2] =	stream.indirect.gather [hbm4b:s9+s19], $0x80, s30, s19, $0xb8;
	[tilespmem:$0x1C800] =	vst v63  }
0xdd: {  	s29 =	smov.u32 s12;
	s28 =	simm.s32 $0x2C00;
	s30 =	sadd.s32 $0x60, s12  }
.LBB2_4:
0xde: {  	p0 =	sne.s32 s28, $0x28C00;
	s31 =	sshrl.u32 s31, $0x2;
	s29 =	sadd.s32 $0x80, s29  }
0xdf: {  	[tilespmem:s31], [sflag:$0x6] =	stream.linear.gather [hbm4b:s30+s3], $0x100, $0x38;
	[tilespmem:$0x1C800] =	vst v63  }
0xe0: {  	s30 =	smov.u32 s28;
	s28 =	sadd.s32 $0x1000, s28;
	_ =	swait.ge [sflag:s22], $0x100  }
0xe1: {  	[sflag:s22] =	ssyncset.done $0x0  }
0xe2: {  	s31 =	sadd.s32 $0xFFFFE400, s30;
	[sflag:s22] =	ssyncadd.s32 $0xFFFFFF00  }
0xe3: {  	s31 =	sand.u32 $0x1000, s31;
	_ =	swait.ge [sflag:s23], $0x4000  }
0xe4: {  	s31 =	sshrl.u32 s31, $0x2;
	[sflag:s23] =	ssyncset.done $0x0  }
0xe5: {  	s0 =	sor.u32 $0x80, s31;
	[sflag:s23] =	ssyncadd.s32 $0xFFFFC000  }
0xe6: {  	[spmem:s2] =	stream.indirect.scatter.add.f32 [tilespmem:s13], [sflag:$0x7], $0x80, s0, s19, $0xb8;
	[tilespmem:$0x1C800] =	vst v63  }
0xe7: {  	_ =	swait.ge [sflag:s14], $0x4000  }
0xe8: {  	[sflag:s14] =	ssyncset.done $0x0  }
0xe9: {  	s16 =	sadd.s32 $0xFFFFF400, s30;
	s0 =	sor.u32 $0x200, s31;
	[sflag:s14] =	ssyncadd.s32 $0xFFFFC000  }
0xea: {  	[tilespmem:s13], [sflag:$0x1] =	stream.indirect.gather [hbm4b:s9+s19], $0x80, s0, s19, $0xb8;
	[tilespmem:$0x1C800] =	vst v63  }
0xeb: {  	s0 =	sand.u32 $0x1000, s16  }
0xec: {  	s0 =	sshrl.u32 s0, $0x2  }
0xed: {  	[tilespmem:s0], [sflag:$0x3] =	stream.linear.gather [hbm4b:s29+s3], $0x100, $0x38;
	[tilespmem:$0x1C800] =	vst v63  }
0xee: {  	_ =	swait.ge [sflag:s24], $0x100  }
0xef: {  	[sflag:s24] =	ssyncset.done $0x0  }
0xf0: {  	[sflag:s24] =	ssyncadd.s32 $0xFFFFFF00  }
0xf1: {  	_ =	swait.ge [sflag:s25], $0x4000  }
0xf2: {  	s16 =	sor.u32 $0x180, s31;
	[sflag:s25] =	ssyncset.done $0x0  }
0xf3: {  	[sflag:s25] =	ssyncadd.s32 $0xFFFFC000  }
0xf4: {  	[spmem:s2] =	stream.indirect.scatter.add.f32 [tilespmem:s21], [sflag:$0x7], $0x80, s16, s19, $0xb8;
	[tilespmem:$0x1C800] =	vst v63  }
0xf5: {  	_ =	swait.ge [sflag:s14], $0x4000  }
0xf6: {  	s17 =	sadd.s32 $0xFFFFF800, s30;
	s16 =	sor.u32 $0x300, s31;
	[sflag:s14] =	ssyncset.done $0x0  }
0xf7: {  	s1 =	sadd.s32 $0x20, s29;
	s17 =	sand.u32 $0x1400, s17;
	[sflag:s14] =	ssyncadd.s32 $0xFFFFC000  }
0xf8: {  	[tilespmem:s21], [sflag:$0x2] =	stream.indirect.gather [hbm4b:s9+s19], $0x80, s16, s19, $0xb8;
	[tilespmem:$0x1C800] =	vst v63  }
0xf9: {  	s16 =	sshrl.u32 s17, $0x2  }
0xfa: {  	[tilespmem:s16], [sflag:$0x4] =	stream.linear.gather [hbm4b:s1+s3], $0x100, $0x38;
	[tilespmem:$0x1C800] =	vst v63  }
0xfb: {  	_ =	swait.ge [sflag:s18], $0x100  }
0xfc: {  	[sflag:s18] =	ssyncset.done $0x0  }
0xfd: {  	[sflag:s18] =	ssyncadd.s32 $0xFFFFFF00  }
0xfe: {  	_ =	swait.ge [sflag:s23], $0x4000  }
0xff: {  	s1 =	sor.u32 $0x280, s31;
	[sflag:s23] =	ssyncset.done $0x0  }
0x100: {  	[sflag:s23] =	ssyncadd.s32 $0xFFFFC000  }
0x101: {  	[spmem:s2] =	stream.indirect.scatter.add.f32 [tilespmem:s13], [sflag:$0x7], $0x80, s1, s19, $0xb8;
	[tilespmem:$0x1C800] =	vst v63  }
0x102: {  	_ =	swait.ge [sflag:s14], $0x4000  }
0x103: {  	s1 =	sadd.s32 $0xFFFFFC00, s30;
	[sflag:s14] =	ssyncset.done $0x0  }
0x104: {  	s17 =	sadd.s32 $0x40, s29;
	s1 =	sand.u32 $0x1800, s1;
	[sflag:s14] =	ssyncadd.s32 $0xFFFFC000  }
0x105: {  	[tilespmem:s13], [sflag:$0x1] =	stream.indirect.gather [hbm4b:s9+s19], $0x80, s0, s19, $0xb8;
	[tilespmem:$0x1C800] =	vst v63  }
0x106: {  	s0 =	sshrl.u32 s1, $0x2  }
0x107: {  	[tilespmem:s0], [sflag:$0x5] =	stream.linear.gather [hbm4b:s17+s3], $0x100, $0x38;
	[tilespmem:$0x1C800] =	vst v63  }
0x108: {  	_ =	swait.ge [sflag:s20], $0x100  }
0x109: {  	[sflag:s20] =	ssyncset.done $0x0  }
0x10a: {  	[sflag:s20] =	ssyncadd.s32 $0xFFFFFF00  }
0x10b: {  	_ =	swait.ge [sflag:s25], $0x4000  }
0x10c: {  	s0 =	sor.u32 $0x380, s31;
	[sflag:s25] =	ssyncset.done $0x0  }
0x10d: {  	[sflag:s25] =	ssyncadd.s32 $0xFFFFC000  }
0x10e: {  	[spmem:s2] =	stream.indirect.scatter.add.f32 [tilespmem:s21], [sflag:$0x7], $0x80, s0, s19, $0xb8;
	[tilespmem:$0x1C800] =	vst v63  }
.Ltmp1:
0x10f: {  	_ = 	snop;
	(pc) =	sbr.rel @p0 .LBB2_4-.Ltmp1, $4  }
0x110: {  	_ =	swait.ge [sflag:s14], $0x4000  }
0x111: {  	[sflag:s14] =	ssyncset.done $0x0  }
0x112: {  	s31 =	sand.u32 $0x1C00, s30;
	s30 =	sadd.s32 $0x60, s29;
	[sflag:s14] =	ssyncadd.s32 $0xFFFFC000  }
0x113: {  	[tilespmem:s21], [sflag:$0x2] =	stream.indirect.gather [hbm4b:s9+s19], $0x80, s16, s19, $0xb8;
	[tilespmem:$0x1C800] =	vst v63  }
0x114: {  	s0 =	sshrl.u32 s31, $0x2  }
0x115: {  	[tilespmem:s0], [sflag:$0x6] =	stream.linear.gather [hbm4b:s30+s3], $0x100, $0x38;
	[tilespmem:$0x1C800] =	vst v63  }
0x116: {  	_ =	swait.ge [sflag:s23], $0x4000  }
0x117: {  	[sflag:s23] =	ssyncset.done $0x0  }
0x118: {  	[sflag:s23] =	ssyncadd.s32 $0xFFFFC000  }
0x119: {  	_ =	swait.ge [sflag:s22], $0x100  }
0x11a: {  	[sflag:s22] =	ssyncset.done $0x0  }
0x11b: {  	[sflag:s22] =	ssyncadd.s32 $0xFFFFFF00  }
0x11c: {  	_ =	swait.ge [sflag:s25], $0x4000  }
0x11d: {  	[sflag:s25] =	ssyncset.done $0x0  }
0x11e: {  	[sflag:s25] =	ssyncadd.s32 $0xFFFFC000  }
0x11f: {  	s31 =	stileid.u32;
	_ =	swait.ge [sflag:s24], $0x100  }
0x120: {  	s1 =	sshrl.u32 s5, $0x3;
	s26 =	sadd.s32 $0x1, s26;
	[sflag:s24] =	ssyncset.done $0x0  }
0x121: {  	s0 =	sshll.u32 s31, $0x6;
	p0 =	sne.s32 s26, s11;
	[sflag:s24] =	ssyncadd.s32 $0xFFFFFF00  }
.Ltmp2:
0x122: {  	s0 =	sor.u32 $0x1C07, s0;
	[bflag:$0x0] =	sbarrier.arrive $0xFFFF;
	(pc) =	sbr.rel @p0 .LBB2_1-.Ltmp2, $4  }
0x123: {  	[hbm:s10], [sflag:s0] =	dma.local [spmem:s1], $0x2800  }
0x124: {  	_ =	swait.ge [sflag:s14], $0x2800  }
0x125: {  	[sflag:s14] =	ssyncset.done $0x0  }
0x126: {  	[sflag:s14] =	ssyncadd.s32 $0xFFFFD800  }
0x127: {  	_ =	sfence.sel $0x180000  }
0x128: {  	[bflag:$0x0] =	sbarrier.arrive $0xFFFF  }
0x129: {  	_ =	strace $0x9000004A  }
0x12a: {  	s0 =	stileid.u32;
	[bflag:$0x2] =	sbarrier.arrive $0xFFFF  }
0x12b: {  	p0 =	sne.s32 s0, $0x0;
	s0 =	rddreg [dreg:$0x2]  }
0x12c: {  	s0 =	sadd.s32 @!p0 $0x100000, s0  }
0x12d: {  	[sflag:s0] =	ssyncadd.tile.s32 @!p0 $0x1;
	_ =	shalt  }
.Lfunc_end2:
_tile_overlayer_lowered:
.L_overlay_start_2:
0x12e: {  	(tag) =	ssettag $0x2  }
0x12f: {  	s0 =	rddreg [dreg:$0x0];
	s2 =	stileid.u32  }
0x130: {  	s1 =	rddreg [dreg:$0x1];
	p0 =	sne.s32 s2, $0x0  }
0x131: {  	s3 =	rddreg [dreg:$0x2];
	[bflag:$0x3] =	sbarrier.arrive $0xFFFF;
	s2 =	simm.s32 @!p0 $0x1C07  }
0x132: {  	[timem:s3], [sflag:s2] =	dma.local @!p0 [hbm:s0], s1  }
0x133: {  	s0 =	simm.s32 @!p0 $0x7  }
0x134: {  	_ =	swait.ge @!p0 [sflag:s0], s1  }
0x135: {  	s1 =	ssub.s32 @!p0 $0x0, s1;
	[sflag:s0] =	ssyncset.done @!p0 $0x0  }
0x136: {  	[sflag:s0] =	ssyncadd.s32 @!p0 s1  }
0x137: {  	[bflag:$0x3] =	sbarrier.arrive $0xFFFF  }
0x138: {  	_ =	shalt  }

// kernel: kernel.8.cloned.1.call-start
scs
__scs_entry_jumppad:
0x0: {  	(pc) =	sbr.rel $0x88, $3  }
0x1: {  	(tag) =	ssettag $0x0;
	lr =	simm.s32 $0x1  }
0x2: {  	[smem:$0x3F97] =	sst lr;
	_ =	strace $0xD0000000  }
0x3: {  	_ = 	snop  }
0x4: {  	_ = 	snop  }
0x5: {  	_ = 	snop  }
0x6: {  	_ = 	snop  }
0x7: {  	_ = 	snop  }
__scs_overlays_trampoline_lowered:
0x8: {  	[smem:$0x3FA6] =	sst s0  }
0x9: {  	[smem:$0x3FA7] =	sst s1  }
0xa: {  	[smem:$0x3FA8] =	sst s2  }
0xb: {  	[smem:$0x3FA9] =	sst s3  }
0xc: {  	[smem:$0x3FAA] =	sst s4  }
0xd: {  	[smem:$0x3FAB] =	sst s5  }
0xe: {  	[smem:$0x3FAC] =	sst s6  }
0xf: {  	[smem:$0x3FAD] =	sst s7  }
0x10: {  	[smem:$0x3FAE] =	sst s8  }
0x11: {  	[smem:$0x3FAF] =	sst s9;
	s0 =	simm.s32 @!p0 $0x0  }
0x12: {  	s1 =	sld [smem:$0x3F95];
	s0 =	simm.s32 @p0 $0x1  }
0x13: {  	[smem:$0x3FB0] =	sst s0;
	s0 =	simm.s32 @!p1 $0x0  }
0x14: {  	s2 =	sld [smem:$0x3F94];
	s0 =	simm.s32 @p1 $0x1  }
0x15: {  	[smem:$0x3FB1] =	sst s0;
	s0 =	simm.s32 @!p2 $0x0  }
0x16: {  	s3 =	sld [smem:$0x3FDB];
	s0 =	simm.s32 @p2 $0x1  }
0x17: {  	s4 =	simm.s32 $0x1BF5;
	[smem:$0x3FB3] =	sst s0  }
0x18: {  	s0 =	sld [smem:$0x3F96];
	_ =	swait.ge [sflag:s4], $0x0  }
0x19: {  	s7 =	sld [smem:$0x3F97]  }
0x1a: {  	s8 =	sadd.s32 $0xFFFFE003, lr  }
0x1b: {  	s9 =	sadd.s32 $0xFFFFFEF7, lr;
	s5 =	simm.s32 $0xFFFFFFFF;
	p2 =	slt.u32 s8, $0xFFFFF086  }
0x1c: {  	p1 =	slt.u32 s9, $0xF7A;
	s5 =	simm.s32 @!p2 $0x0  }
0x1d: {  	s5 =	simm.s32 @p1 $0x1;
	p0 =	seq.s32 s7, s2  }
0x1e: {  	s7 =	smul.u32 @!p0 $0xF7A, s2;
	p2 =	seq.s32 @!p0 s5, $0x0  }
0x1f: {  	s9 =	smul.u32 $0xF7A, s1;
	s8 =	simm.s32 @!p0 $0x1BF5;
	p2 =	por !p2, p0  }
0x20: {  	[sflag:s8] =	ssyncset.s32 @!p0 $0xFFFFF086;
	s6 =	sadd.s32 @!p0 s3, s7;
	s7 =	simm.s32 @!p0 $0x108  }
0x21: {  	s3 =	sadd.s32 s3, s9;
	s6 =	sadd.s32 @!p0 $0x88, s6;
	s7 =	simm.s32 @p2 $0x1082  }
0x22: {  	[simem:s7], [sflag:s8] =	dma.local @!p0 [hbm:s6], $0xF7A  }
0x23: {  	s9 =	sor.u32 $0xD0000000, s2;
	s6 =	simm.s32 $0x108;
	_ =	swait.ge @!p0 [sflag:s8], $0x0  }
0x24: {  	s3 =	sadd.s32 $0x88, s3;
	s6 =	simm.s32 @!p1 $0x1082;
	[sflag:s4] =	ssyncset.s32 $0xFFFFF086  }
0x25: {  	[simem:s6], [sflag:s4] =	dma.local [hbm:s3], $0xF7A  }
0x26: {  	[smem:$0x3F97] =	sst s1;
	(tag) =	ssettag s2;
	_ =	strace s9  }
0x27: {  	s1 =	sld [smem:$0x3FA7]  }
0x28: {  	s2 =	sld [smem:$0x3FA8]  }
0x29: {  	s4 =	sld [smem:$0x3FAA]  }
0x2a: {  	p0 =	seq.s32 s5, $0x0;
	s5 =	sld [smem:$0x3FAB]  }
0x2b: {  	s6 =	sld [smem:$0x3FAC]  }
0x2c: {  	s7 =	sld [smem:$0x3FAD]  }
0x2d: {  	s3 =	simm.s32 $0x108;
	s8 =	sld [smem:$0x3FAE]  }
0x2e: {  	s3 =	simm.s32 @!p0 $0x1082;
	s9 =	sld [smem:$0x3FAF]  }
0x2f: {  	lr =	sadd.s32 s0, s3;
	s0 =	sld [smem:$0x3FA6]  }
0x30: {  	s3 =	sld [smem:$0x3FA9]  }
0x31: {  	[smem:$0x3FB2] =	sst s10  }
0x32: {  	s10 =	sld [smem:$0x3FB0];
	_ =	sdelay $0x3  }
0x33: {  	p0 =	seq.s32 s10, $0x1;
	s10 =	sld [smem:$0x3FB2];
	_ =	sdelay $0x3  }
0x34: {  	[smem:$0x3FB2] =	sst s10  }
0x35: {  	s10 =	sld [smem:$0x3FB1];
	_ =	sdelay $0x3  }
0x36: {  	p1 =	seq.s32 s10, $0x1;
	s10 =	sld [smem:$0x3FB2];
	_ =	sdelay $0x3  }
0x37: {  	[smem:$0x3FB2] =	sst s10  }
0x38: {  	s10 =	sld [smem:$0x3FB3]  }
0x39: {  	_ = 	snop;
	(pc) =	sbr.ind lr, $3  }
0x3a: {  	_ = 	snop  }
0x3b: {  	_ = 	snop  }
0x3c: {  	p2 =	seq.s32 s10, $0x1;
	s10 =	sld [smem:$0x3FB2]  }
0x3d: {  	_ =	shalt  }
0x3e: {  	_ =	shalt  }
0x3f: {  	_ =	shalt  }
0x40: {  	_ =	shalt  }
0x41: {  	_ =	shalt  }
0x42: {  	_ =	shalt  }
0x43: {  	_ =	shalt  }
0x44: {  	_ =	shalt  }
0x45: {  	_ =	shalt  }
0x46: {  	_ =	shalt  }
0x47: {  	_ =	shalt  }
0x48: {  	_ =	shalt  }
0x49: {  	_ =	shalt  }
0x4a: {  	_ =	shalt  }
0x4b: {  	_ =	shalt  }
0x4c: {  	_ =	shalt  }
0x4d: {  	_ =	shalt  }
0x4e: {  	_ =	shalt  }
0x4f: {  	_ =	shalt  }
0x50: {  	_ =	shalt  }
0x51: {  	_ =	shalt  }
0x52: {  	_ =	shalt  }
0x53: {  	_ =	shalt  }
0x54: {  	_ =	shalt  }
0x55: {  	_ =	shalt  }
0x56: {  	_ =	shalt  }
0x57: {  	_ =	shalt  }
0x58: {  	_ =	shalt  }
0x59: {  	_ =	shalt  }
0x5a: {  	_ =	shalt  }
0x5b: {  	_ =	shalt  }
0x5c: {  	_ =	shalt  }
0x5d: {  	_ =	shalt  }
0x5e: {  	_ =	shalt  }
0x5f: {  	_ =	shalt  }
0x60: {  	_ =	shalt  }
0x61: {  	_ =	shalt  }
0x62: {  	_ =	shalt  }
0x63: {  	_ =	shalt  }
0x64: {  	_ =	shalt  }
0x65: {  	_ =	shalt  }
0x66: {  	_ =	shalt  }
0x67: {  	_ =	shalt  }
0x68: {  	_ =	shalt  }
0x69: {  	_ =	shalt  }
0x6a: {  	_ =	shalt  }
0x6b: {  	_ =	shalt  }
0x6c: {  	_ =	shalt  }
0x6d: {  	_ =	shalt  }
0x6e: {  	_ =	shalt  }
0x6f: {  	_ =	shalt  }
0x70: {  	_ =	shalt  }
0x71: {  	_ =	shalt  }
0x72: {  	_ =	shalt  }
0x73: {  	_ =	shalt  }
0x74: {  	_ =	shalt  }
0x75: {  	_ =	shalt  }
0x76: {  	_ =	shalt  }
0x77: {  	_ =	shalt  }
0x78: {  	_ =	shalt  }
0x79: {  	_ =	shalt  }
0x7a: {  	_ =	shalt  }
0x7b: {  	_ =	shalt  }
0x7c: {  	_ =	shalt  }
0x7d: {  	_ =	shalt  }
0x7e: {  	_ =	shalt  }
0x7f: {  	_ =	shalt  }
0x80: {  	_ =	shalt  }
0x81: {  	_ =	shalt  }
0x82: {  	_ =	shalt  }
0x83: {  	_ =	shalt  }
0x84: {  	_ =	shalt  }
0x85: {  	_ =	shalt  }
0x86: {  	_ =	shalt  }
0x87: {  	_ =	shalt  }
.Lfunc_end0:
.L_simem_size_0:
called_computation_lowered:
.L_overlay_start_0:
0x88: {  	s2 =	sld [smem:$0x3FD9]  }
0x89: {  	s3 =	sld [smem:$0x3FFE];
	_ =	sdelay $0x1  }
0x8a: {  	s1 =	srdreg.scid  }
0x8b: {  	s0 =	sand.u32 $0x1, s1  }
0x8c: {  	s17 =	sshll.u32 s0, $0xA;
	s2 =	sadd.s32 s3, s2  }
0x8d: {  	s2 =	sadd.s32 s2, s17  }
0x8e: {  	[smem:$0x3FBE] =	sst s2  }
0x8f: {  	_ = 	snop  }
0x90: {  	s2 =	sld [smem:$0x3FD0];
	(tm) =	ssettm $0x1  }
0x91: {  	s18 =	sld [smem:$0x3FFB];
	_ =	sdelay $0x3  }
0x92: {  	_ =	strace s18  }
0x93: {  	s3 =	sld [smem:$0x3FFC];
	_ =	sdelay $0x3  }
0x94: {  	_ =	strace s3  }
0x95: {  	s3 =	sld [smem:$0x3FFD];
	_ =	sdelay $0x3  }
0x96: {  	_ =	strace s3  }
0x97: {  	_ =	strace $0x8FFFFFFF  }
0x98: {  	s19 =	sld [smem:$0x3FDB];
	_ =	sdelay $0x1  }
0x99: {  	s4 =	simm.s32 $_scs_section_size  }
0x9a: {  	s5 =	simm.s32 $_size__tile_overlayer_lowered;
	s6 =	simm.s32 $_tile_overlayer_lowered  }
0x9b: {  	s22 =	simm.s32 $0x1BFF;
	s21 =	sshll.u32 s6, $0x1;
	s3 =	sadd.s32 s4, s19  }
0x9c: {  	s7 =	simm.s32 $0x0;
	s20 =	sshll.u32 s5, $0x1;
	s5 =	sadd.s32 s21, s3  }
0x9d: {  	[timem:s7], [sflag:s22] =	dma.local [hbm:s5], s20  }
0x9e: {  	_ =	swait.ge [sflag:s22], s20  }
0x9f: {  	s4 =	ssub.s32 $0x0, s20;
	[sflag:s22] =	ssyncset.done $0x0  }
0xa0: {  	[sflag:s22] =	ssyncadd.s32 s4;
	_ =	sdelay $0x1  }
0xa1: {  	s23 =	simm.s32 $0x1B8B  }
0xa2: {  	_ =	swait.ge [sflag:s23], $0x1  }
0xa3: {  	[sflag:s23] =	ssyncset.done $0x0  }
0xa4: {  	s25 =	simm.s32 $0x1B8E;
	s24 =	sld [smem:$0x3FFE];
	[sflag:s23] =	ssyncadd.s32 $0xFFFFFFFF  }
0xa5: {  	s26 =	simm.s32 $execute0_lowered;
	[smem:$0x3FD2] =	sst s25  }
0xa6: {  	s5 =	sshll.u32 s26, $0x1;
	_ =	strace $0x80000046;
	[dreg:$0x1] =	wrdreg $0xFFFFFFFF  }
0xa7: {  	s28 =	simm.s32 $_size_execute0_lowered;
	s3 =	sadd.s32 s3, s5;
	[dreg:$0x0] =	wrdreg $0x0  }
0xa8: {  	s5 =	sshll.u32 s28, $0x1;
	[dreg:$0x2] =	wrdreg s3  }
0xa9: {  	[dreg:$0x3] =	wrdreg s5  }
0xaa: {  	[dreg:$0x4] =	wrdreg $0xC0  }
0xab: {  	_ =	task [dreg:s7], $0x5FFFF  }
0xac: {  	[dreg:$0x1] =	wrdreg $0xFFFFFFFF  }
0xad: {  	[dreg:$0x0] =	wrdreg $0x60  }
0xae: {  	[dreg:$0x2] =	wrdreg s24  }
0xaf: {  	[dreg:$0x3] =	wrdreg s2  }
0xb0: {  	[dreg:$0x4] =	wrdreg $0x2B000  }
0xb1: {  	[dreg:$0x5] =	wrdreg $0x9  }
0xb2: {  	_ =	task.clear_ibuf [dreg:s7], $0x6FFFF;
	_ =	strace $0x90000046  }
0xb3: {  	s29 =	simm.s32 $0x9;
	_ =	strace $0x80000048  }
0xb4: {  	_ =	swait.ge [sflag:s29], $0x1  }
0xb5: {  	[sflag:s29] =	ssyncadd.s32 $0xFFFFFFFF  }
0xb6: {  	_ =	strace $0x90000048  }
0xb7: {  	_ =	sfence  }
0xb8: {  	s30 =	sld [smem:$0x0];
	_ =	sdelay $0x2  }
0xb9: {  	s31 =	sshll.u32 s1, $0xD;
	s1 =	sshrl.u32 s1, $0x2  }
0xba: {  	s3 =	sand.u32 $0x4000, s31;
	s1 =	sadd.s32 s1, s30  }
0xbb: {  	s0 =	sor.u32 s3, s0;
	s1 =	sshll.u32 s1, $0x11  }
0xbc: {  	s0 =	sor.u32 s1, s0  }
0xbd: {  	s0 =	sadd.s32 $0x8F2B, s0  }
0xbe: {  	[sflag:s0] =	ssyncadd.remote.s32 $0x1  }
0xbf: {  	_ =	sfence.sel $0xFFFF  }
0xc0: {  	[dreg:$0x0] =	wrdreg $0xFFFFFFFF;
	(pc) =	sbr.abs _section_cstart, $3  }
0xc1: {  	[dreg:$0x1] =	wrdreg $0xFFFFFFFF  }
0xc2: {  	_ =	task.clear_ibuf [dreg:s7], $0x2FFFF;
	_ =	strace $0x9FFFFFFF  }
0xc3: {  	(tm) =	ssettm $0x7FFFFFFF  }
tec
execute0_lowered:
.L_overlay_start_1:
0x0: {  	(tag) =	ssettag $0x1  }
0x1: {  	s4 =	rddreg [dreg:$0x0]  }
0x2: {  	s6 =	rddreg [dreg:$0x1];
	s0 =	srdreg.scid  }
0x3: {  	s2 =	rddreg [dreg:$0x2];
	s1 =	stileid.u32  }
0x4: {  	s3 =	simm.s32 $0x0;
	s11 =	simm.s32 $0x2800;
	s14 =	simm.s32 $0x20  }
0x5: {  	s15 =	simm.s32 $0x10;
	s16 =	simm.s32 $0x0;
	s8 =	smul.u32 $0x2800, s1  }
0x6: {  	s5 =	sand.u32 $0x1, s0;
	s0 =	rddreg [dreg:$0x3];
	s26 =	smul.u32 $0xA00, s1  }
0x7: {  	[smem:$0x7FF] =	sst s3;
	s10 =	smul.u32 $0x500, s1;
	s12 =	sshll.u32 s1, $0x6  }
0x8: {  	s7 =	smul.u32 $0x28000, s5;
	_ =	strace $0x80000047;
	s9 =	ssub.s32 $0x2, s5  }
0x9: {  	s5 =	sshll.u32 s5, $0x7;
	s12 =	sor.u32 $0x1C01, s12;
	s28 =	sshrl.u32 s9, $0x1  }
0xa: {  	s29 =	sshrl.u32 s26, $0x2;
	s30 =	sor.u32 s5, s10;
	s7 =	sadd.s32 s8, s7  }
0xb: {  	s10 =	simm.s32 $0x80;
	s9 =	ssub.s32 s9, s28;
	s7 =	sshrl.u32 s7, $0x3  }
0xc: {  	s31 =	sshrl.u32 s30, $0x3;
	s8 =	simm.s32 $0x2880;
	s7 =	sadd.s32 s7, s4  }
0xd: {  	s6 =	sadd.s32 s6, s31;
	s4 =	sadd.s32 s29, s2;
	s5 =	sadd.s32 $0x1C00, s7  }
0xe: {  	v0 =	vimm.f32 $1.000000000e+00;
	v1 =	vimm.f32 $0.0e+00;
	s7 =	smax.u32 s9, $0x1;
	s9 =	simm.s32 $0x1;
	s13 =	sshrl.u32 s4, $0x3  }
.LBB2_1:
0xf: {  	[tilespmem:$0x2800] =	vst v0  }
0x10: {  	[tilespmem:$0x2810] =	vst v0  }
0x11: {  	[tilespmem:$0x2820] =	vst v0  }
0x12: {  	[tilespmem:$0x2830] =	vst v0  }
0x13: {  	[tilespmem:$0x2840] =	vst v0  }
0x14: {  	[tilespmem:$0x2850] =	vst v0  }
0x15: {  	[tilespmem:$0x2860] =	vst v0  }
0x16: {  	[tilespmem:$0x2870] =	vst v0  }
0x17: {  	[tilespmem:$0x2880] =	vst v1  }
0x18: {  	[tilespmem:$0x2890] =	vst v1  }
0x19: {  	[tilespmem:$0x28A0] =	vst v1  }
0x1a: {  	[tilespmem:$0x28B0] =	vst v1  }
0x1b: {  	[tilespmem:$0x28C0] =	vst v1  }
0x1c: {  	[tilespmem:$0x28D0] =	vst v1  }
0x1d: {  	[tilespmem:$0x28E0] =	vst v1  }
0x1e: {  	[tilespmem:$0x28F0] =	vst v1  }
0x1f: {  	[tilespmem:$0x2900] =	vst v1  }
0x20: {  	[tilespmem:$0x2910] =	vst v1  }
0x21: {  	[tilespmem:$0x2920] =	vst v1  }
0x22: {  	[tilespmem:$0x2930] =	vst v1  }
0x23: {  	[tilespmem:$0x2940] =	vst v1  }
0x24: {  	[tilespmem:$0x2950] =	vst v1  }
0x25: {  	[tilespmem:$0x2960] =	vst v1  }
0x26: {  	[tilespmem:$0x2970] =	vst v1  }
0x27: {  	[tilespmem:$0x2980] =	vst v1  }
0x28: {  	[tilespmem:$0x2990] =	vst v1  }
0x29: {  	[tilespmem:$0x29A0] =	vst v1  }
0x2a: {  	[tilespmem:$0x29B0] =	vst v1  }
0x2b: {  	[tilespmem:$0x29C0] =	vst v1  }
0x2c: {  	[tilespmem:$0x29D0] =	vst v1  }
0x2d: {  	[tilespmem:$0x29E0] =	vst v1  }
0x2e: {  	[tilespmem:$0x29F0] =	vst v1  }
0x2f: {  	[tilespmem:$0x2A00] =	vst v1  }
0x30: {  	[tilespmem:$0x2A10] =	vst v1  }
0x31: {  	[tilespmem:$0x2A20] =	vst v1  }
0x32: {  	[tilespmem:$0x2A30] =	vst v1  }
0x33: {  	[tilespmem:$0x2A40] =	vst v1  }
0x34: {  	[tilespmem:$0x2A50] =	vst v1  }
0x35: {  	[tilespmem:$0x2A60] =	vst v1  }
0x36: {  	[tilespmem:$0x2A70] =	vst v1  }
0x37: {  	[tilespmem:$0x2A80] =	vst v1  }
0x38: {  	[tilespmem:$0x2A90] =	vst v1  }
0x39: {  	[tilespmem:$0x2AA0] =	vst v1  }
0x3a: {  	[tilespmem:$0x2AB0] =	vst v1  }
0x3b: {  	[tilespmem:$0x2AC0] =	vst v1  }
0x3c: {  	[tilespmem:$0x2AD0] =	vst v1  }
0x3d: {  	[tilespmem:$0x2AE0] =	vst v1  }
0x3e: {  	[tilespmem:$0x2AF0] =	vst v1  }
0x3f: {  	[spmem:s4] =	stream.linear.scatter [tilespmem:s8], [sflag:$0x1], $0x280, $0x38;
	[tilespmem:$0x2D80] =	vst v63  }
0x40: {  	_ =	swait.ge [sflag:s9], $0x280  }
0x41: {  	[sflag:s9] =	ssyncset.done $0x0  }
0x42: {  	[sflag:s9] =	ssyncadd.s32 $0xFFFFFD80  }
0x43: {  	[tilespmem:s3], [sflag:$0x1] =	stream.linear.gather [hbm4b:s5+s3], $0x2800, $0x38;
	[tilespmem:$0x2D80] =	vst v63  }
0x44: {  	_ =	swait.ge [sflag:s9], $0x2800  }
0x45: {  	[sflag:s9] =	ssyncset.done $0x0  }
0x46: {  	[sflag:s9] =	ssyncadd.s32 $0xFFFFD800  }
0x47: {  	s17 =	simm.s32 $0x0;
	[bflag:$0x0] =	sbarrier.arrive $0xFFFF  }
0x48: {  	[spmem:s2] =	stream.indirect.scatter.add.f32 [tilespmem:s11], [sflag:$0x1], $0x1, s17, s10, $0xb8;
	[tilespmem:$0x2D80] =	vst v63  }
0x49: {  	_ =	swait.ge [sflag:s9], $0x80  }
0x4a: {  	s17 =	simm.s32 $0x200;
	[sflag:s9] =	ssyncset.done $0x0  }
.LBB2_2:
0x4b: {  	s18 =	sshra.s32 s17, $0x2;
	[sflag:s9] =	ssyncadd.s32 $0xFFFFFF80;
	p0 =	sne.s32 s17, $0x9E00  }
0x4c: {  	[spmem:s2] =	stream.indirect.scatter.add.f32 [tilespmem:s11], [sflag:$0x1], $0x1, s18, s10, $0xb8;
	[tilespmem:$0x2D80] =	vst v63  }
.Ltmp0:
0x4d: {  	_ = 	snop;
	(pc) =	sbr.rel @p0 .LBB2_2-.Ltmp0, $4  }
0x4e: {  	_ = 	snop  }
0x4f: {  	s17 =	sadd.s32 $0x200, s17  }
0x50: {  	_ =	swait.ge [sflag:s9], $0x80  }
0x51: {  	[sflag:s9] =	ssyncset.done $0x0  }
0x52: {  	s16 =	sadd.s32 $0x1, s16  }
0x53: {  	[sflag:s9] =	ssyncadd.s32 $0xFFFFFF80;
	p0 =	sne.s32 s16, s7  }
.Ltmp1:
0x54: {  	[bflag:$0x0] =	sbarrier.arrive $0xFFFF;
	(pc) =	sbr.rel @p0 .LBB2_1-.Ltmp1, $4  }
0x55: {  	[hbm:s6@s14], [sflag:s12] =	dma.strided [spmem:s13@s15], $0x50, s9, $0x10   }
0x56: {  	_ =	swait.ge [sflag:s9], $0x50  }
0x57: {  	[sflag:s9] =	ssyncset.done $0x0  }
0x58: {  	[sflag:s9] =	ssyncadd.s32 $0xFFFFFFB0  }
0x59: {  	_ =	sfence.sel $0x180000  }
0x5a: {  	[bflag:$0x0] =	sbarrier.arrive $0xFFFF  }
0x5b: {  	p0 =	sne.s32 s1, $0x0;
	_ =	strace $0x90000047  }
0x5c: {  	s0 =	sadd.s32 @!p0 $0x100000, s0;
	[bflag:$0x2] =	sbarrier.arrive $0xFFFF  }
0x5d: {  	[sflag:s0] =	ssyncadd.tile.s32 @!p0 $0x1;
	_ =	shalt  }
.Lfunc_end2:
_tile_overlayer_lowered:
.L_overlay_start_2:
0x5e: {  	(tag) =	ssettag $0x2  }
0x5f: {  	s0 =	rddreg [dreg:$0x0];
	s2 =	stileid.u32  }
0x60: {  	s1 =	rddreg [dreg:$0x1];
	p0 =	sne.s32 s2, $0x0  }
0x61: {  	s3 =	rddreg [dreg:$0x2];
	[bflag:$0x3] =	sbarrier.arrive $0xFFFF;
	s2 =	simm.s32 @!p0 $0x1C01  }
0x62: {  	[timem:s3], [sflag:s2] =	dma.local @!p0 [hbm:s0], s1  }
0x63: {  	s0 =	simm.s32 @!p0 $0x1  }
0x64: {  	_ =	swait.ge @!p0 [sflag:s0], s1  }
0x65: {  	s1 =	ssub.s32 @!p0 $0x0, s1;
	[sflag:s0] =	ssyncset.done @!p0 $0x0  }
0x66: {  	[sflag:s0] =	ssyncadd.s32 @!p0 s1  }
0x67: {  	[bflag:$0x3] =	sbarrier.arrive $0xFFFF  }
0x68: {  	_ =	shalt  }

</sc_bundles>
